<compile_context>
chip_gen: v7x
topology: tpu7x:2x2x1
jax: 0.10.2.dev20260603
libtpu: 0.0.44.dev20260713+nightly
codegen_flags: <defaults>
</compile_context>

<pallas_src>
import functools

import jax
import jax.numpy as jnp
from jax import lax
from jax.experimental import pallas as pl
from jax.experimental.pallas import tpu as pltpu
from jax.experimental.pallas import tpu_sc as plsc

LANES = 128
KB = 4
TPAD = 131


@functools.lru_cache(maxsize=None)
def _make_gather(b: int, s: int, vocab: int, d: int):
    info = plsc.get_sparse_core_info()
    nc, ns = info.num_cores, info.num_subcores
    nw = nc * ns
    assert b % (nw * LANES) == 0 and d % 8 == 0 and s % KB == 0
    nb = s // KB

    @functools.partial(
        pl.kernel,
        mesh=plsc.VectorSubcoreMesh(core_axis_name="c", subcore_axis_name="s"),
        out_type=jax.ShapeDtypeStruct((s, d // 8, b // LANES, 8, LANES), jnp.float32),
        scratch_types=[
            pltpu.VMEM((s, LANES), jnp.int32),
            pltpu.VMEM((2, KB, LANES, d), jnp.float32),
            pltpu.VMEM((2, d // 8, 8, TPAD), jnp.float32),
            pltpu.SemaphoreType.DMA((2,)),
            pltpu.SemaphoreType.DMA,
        ],
        compiler_params=pltpu.CompilerParams(
            use_tc_tiling_on_sc=False, needs_layout_passes=False
        ),
    )
    def gather_kernel(idx_hbm, table_hbm, out_hbm, idx_v, gbuf, tbuf, gsem, osem):
        wid = lax.axis_index("s") * nc + lax.axis_index("c")
        pltpu.sync_copy(idx_hbm.at[:, pl.ds(wid * LANES, LANES)], idx_v)

        didx = [jnp.arange(16, dtype=jnp.int32) + 16 * u for u in range(d // 16)]
        tru = [v // 8 for v in didx]
        slu = [v % 8 for v in didx]

        def fire(i, p):
            for c in range(KB):
                pltpu.async_copy(
                    table_hbm.at[idx_v.at[i * KB + c]], gbuf.at[p, c], gsem.at[p]
                )

        def drain(p):
            for c in range(KB):
                pltpu.make_async_copy(
                    table_hbm.at[idx_v.at[0]], gbuf.at[p, c], gsem.at[p]
                ).wait()

        def wait_out(q):
            pltpu.make_async_copy(
                out_hbm.at[0, :, wid], tbuf.at[q, :, :, pl.ds(0, LANES)], osem
            ).wait()

        def emit(i, p, c):
            q = c % 2

            @plsc.parallel_loop(0, LANES, 1, unroll=16)
            def tloop(l):
                colv = jnp.full((16,), l, dtype=jnp.int32)
                for u in range(d // 16):
                    vec = gbuf[p, c, l, pl.ds(u * 16, 16)]
                    plsc.store_scatter(tbuf.at[q], [tru[u], slu[u], colv], vec)

            pltpu.async_copy(
                tbuf.at[q, :, :, pl.ds(0, LANES)],
                out_hbm.at[i * KB + c, :, wid],
                osem,
            )

        fire(0, 0)

        def body(i, carry):
            p = i % 2

            @pl.when(i < nb - 1)
            def _():
                fire(i + 1, 1 - p)

            drain(p)

            for c in range(KB):
                if c >= 2:
                    wait_out(c % 2)
                else:

                    @pl.when(i > 0)
                    def _():
                        wait_out(c % 2)

                emit(i, p, c)
            return carry

        lax.fori_loop(0, nb, body, 0)
        wait_out(0)
        wait_out(1)

    return gather_kernel


def kernel(gene_ids, table):
    b, s = gene_ids.shape
    vocab, d = table.shape
    idx_t = gene_ids.T.astype(jnp.int32)
    raw = _make_gather(b, s, vocab, d)(idx_t, table)
    emb = raw.transpose(2, 4, 0, 1, 3).reshape(b, s, d)
    return gene_ids, emb

# --- scband reference (transcript-rebuilt; emitter-appended) ---
"""Pipeline reference for scband-gene-tokenizer-3118146257498 (READ-ONLY COPY).

The authoritative reference and input builder live on the scoring server;
editing this copy changes nothing except your own understanding.
"""

import jax, jax.numpy as jnp
import numpy as np

VOCAB_SIZE = 100000
EMBED_DIM = 64
PAD_TOKEN_ID = 0
INIT_SCALE = 0.02
BATCH = 4096
SEQ = 200


def setup_inputs(seed: int = 0) -> dict:
    key = jax.random.key(seed)
    k_ids, k_tab = jax.random.split(key)
    gene_ids = jax.random.randint(k_ids, (BATCH, SEQ), 0, VOCAB_SIZE, dtype=jnp.int64 if jax.config.jax_enable_x64 else jnp.int32)
    table = jax.random.normal(k_tab, (VOCAB_SIZE, EMBED_DIM), dtype=jnp.float32) * INIT_SCALE
    # pad token row is zeroed, matching nn.init + pad zeroing in __init__
    table = table.at[PAD_TOKEN_ID].set(0.0)
    return {"gene_ids": gene_ids, "table": table}


def reference(gene_ids, table):
    # forward with gene_mask=None: input_ids = gene_ids.clone(); embeddings = embedding(input_ids)
    input_ids = gene_ids
    embeddings = jnp.take(table, input_ids, axis=0)
    return (input_ids, embeddings)

if __name__ == "__main__":
    import jax
    _d = setup_inputs()
    print(jax.jit(kernel)(*tuple(_d.values())))

</pallas_src>

<mosaic_0001>
#map = affine_map<(d0, d1) -> (0, 0)>
#map1 = affine_map<(d0, d1) -> (0, 0, 0, 0, 0)>
module attributes {stable_mosaic.version = 14 : i64} {
  func.func @gather_kernel(%arg0: i32, %arg1: i32, %arg2: memref<200x4096xi32, #tpu.memory_space<hbm>>, %arg3: memref<100000x64xf32, #tpu.memory_space<hbm>>, %arg4: memref<200x8x32x8x128xf32, #tpu.memory_space<hbm>>, %arg5: memref<200x128xi32, #tpu.memory_space<vmem>>, %arg6: memref<2x4x128x64xf32, #tpu.memory_space<vmem>>, %arg7: memref<2x8x8x131xf32, #tpu.memory_space<vmem>>, %arg8: memref<2x!tpu.dma_semaphore, #tpu.memory_space<semaphore_mem>>, %arg9: memref<!tpu.dma_semaphore, #tpu.memory_space<semaphore_mem>>) attributes {dimension_semantics = [#tpu.dimension_semantics<core_parallel>, #tpu.dimension_semantics<subcore_parallel>], iteration_bounds = array<i64: 2, 16>, scalar_prefetch = 0 : i64, scratch_operands = 5 : i64, tpu.core_type = #tpu.core_type<sc_vector_subcore>, window_params = [{transform_indices = #map}, {transform_indices = #map}, {transform_indices = #map1}]} {
    %mul3A = arith.constant 2 : i32
    %mul3A_0 = arith.muli %arg1, %mul3A : i32
    %add3A = arith.addi %mul3A_0, %arg0 : i32
    %mul3A_1 = arith.constant 128 : i32
    %mul3A_2 = arith.muli %add3A, %mul3A_1 : i32
    "tpu.region"() ({
      %run_scoped3A = tpu.sem_alloc : memref<!tpu.dma_semaphore, #tpu.memory_space<semaphore_mem>>
      %dma_start3A_331 = arith.constant 0 : i32
      %dma_start3A_332 = tpu.memref_slice %arg2[%dma_start3A_331, %mul3A_2] : memref<200x4096xi32, #tpu.memory_space<hbm>> -> memref<200x128xi32, #tpu.memory_space<hbm>>
      %dma_start3A_333 = arith.constant 0 : i32
      %dma_start3A_334 = tpu.memref_slice %arg2[%dma_start3A_333, %mul3A_2] : memref<200x4096xi32, #tpu.memory_space<hbm>> -> memref<200x128xi32, #tpu.memory_space<hbm>>
      tpu.enqueue_dma source(%dma_start3A_334 : memref<200x128xi32, #tpu.memory_space<hbm>>) target(%arg5 : memref<200x128xi32, #tpu.memory_space<vmem>>) target_semaphore(%run_scoped3A : memref<!tpu.dma_semaphore, #tpu.memory_space<semaphore_mem>>)
      %dma_wait3A_335 = arith.constant 0 : i32
      %dma_wait3A_336 = tpu.memref_slice %arg2[%dma_wait3A_335, %mul3A_2] : memref<200x4096xi32, #tpu.memory_space<hbm>> -> memref<200x128xi32, #tpu.memory_space<hbm>>
      %dma_wait3A_337 = arith.constant 0 : i32
      %dma_wait3A_338 = tpu.memref_slice %arg2[%dma_wait3A_337, %mul3A_2] : memref<200x4096xi32, #tpu.memory_space<hbm>> -> memref<200x128xi32, #tpu.memory_space<hbm>>
      tpu.wait_dma2 semaphore(%run_scoped3A : memref<!tpu.dma_semaphore, #tpu.memory_space<semaphore_mem>>) src(%dma_wait3A_338 : memref<200x128xi32, #tpu.memory_space<hbm>>) dst(%arg5 : memref<200x128xi32, #tpu.memory_space<vmem>>)
      tpu.yield
    }) : () -> ()
    %iota3A = tpu.iota {dimensions = array<i32: 0>} : vector<16xi32>
    %add3A_3 = arith.constant 0 : i32
    %add3A_4 = vector.broadcast %add3A_3 : i32 to vector<16xi32>
    %add3A_5 = arith.addi %iota3A, %add3A_4 : vector<16xi32>
    %iota3A_6 = tpu.iota {dimensions = array<i32: 0>} : vector<16xi32>
    %add3A_7 = arith.constant 16 : i32
    %add3A_8 = vector.broadcast %add3A_7 : i32 to vector<16xi32>
    %add3A_9 = arith.addi %iota3A_6, %add3A_8 : vector<16xi32>
    %iota3A_10 = tpu.iota {dimensions = array<i32: 0>} : vector<16xi32>
    %add3A_11 = arith.constant 32 : i32
    %add3A_12 = vector.broadcast %add3A_11 : i32 to vector<16xi32>
    %add3A_13 = arith.addi %iota3A_10, %add3A_12 : vector<16xi32>
    %iota3A_14 = tpu.iota {dimensions = array<i32: 0>} : vector<16xi32>
    %add3A_15 = arith.constant 48 : i32
    %add3A_16 = vector.broadcast %add3A_15 : i32 to vector<16xi32>
    %add3A_17 = arith.addi %iota3A_14, %add3A_16 : vector<16xi32>
    %jit3A = arith.constant 8 : i32
    %div3A = vector.broadcast %jit3A : i32 to vector<16xi32>
    %div3A_18 = arith.divsi %add3A_5, %div3A : vector<16xi32>
    %sign3A = arith.constant 0 : i32
    %sign3A_19 = vector.broadcast %sign3A : i32 to vector<16xi32>
    %sign3A_20 = arith.cmpi sgt, %add3A_5, %sign3A_19 : vector<16xi32>
    %sign3A_21 = arith.extui %sign3A_20 : vector<16xi1> to vector<16xi32>
    %sign3A_22 = arith.constant 0 : i32
    %sign3A_23 = vector.broadcast %sign3A_22 : i32 to vector<16xi32>
    %sign3A_24 = arith.cmpi slt, %add3A_5, %sign3A_23 : vector<16xi32>
    %sign3A_25 = arith.extui %sign3A_24 : vector<16xi1> to vector<16xi32>
    %sign3A_26 = arith.subi %sign3A_21, %sign3A_25 : vector<16xi32>
    %sign3A_27 = arith.constant 0 : i32
    %sign3A_28 = arith.cmpi sgt, %jit3A, %sign3A_27 : i32
    %sign3A_29 = arith.extui %sign3A_28 : i1 to i32
    %sign3A_30 = arith.constant 0 : i32
    %sign3A_31 = arith.cmpi slt, %jit3A, %sign3A_30 : i32
    %sign3A_32 = arith.extui %sign3A_31 : i1 to i32
    %sign3A_33 = arith.subi %sign3A_29, %sign3A_32 : i32
    %ne3A = vector.broadcast %sign3A_33 : i32 to vector<16xi32>
    %ne3A_34 = arith.cmpi ne, %sign3A_26, %ne3A : vector<16xi32>
    %rem3A = vector.broadcast %jit3A : i32 to vector<16xi32>
    %rem3A_35 = arith.remsi %add3A_5, %rem3A : vector<16xi32>
    %ne3A_36 = arith.constant 0 : i32
    %ne3A_37 = vector.broadcast %ne3A_36 : i32 to vector<16xi32>
    %ne3A_38 = arith.cmpi ne, %rem3A_35, %ne3A_37 : vector<16xi32>
    %and3A = arith.andi %ne3A_34, %ne3A_38 : vector<16xi1>
    %sub3A = arith.constant 1 : i32
    %sub3A_39 = vector.broadcast %sub3A : i32 to vector<16xi32>
    %sub3A_40 = arith.subi %div3A_18, %sub3A_39 : vector<16xi32>
    %select_n3A = arith.select %and3A, %sub3A_40, %div3A_18 : vector<16xi1>, vector<16xi32>
    %jit3A_41 = arith.constant 8 : i32
    %div3A_42 = vector.broadcast %jit3A_41 : i32 to vector<16xi32>
    %div3A_43 = arith.divsi %add3A_9, %div3A_42 : vector<16xi32>
    %sign3A_44 = arith.constant 0 : i32
    %sign3A_45 = vector.broadcast %sign3A_44 : i32 to vector<16xi32>
    %sign3A_46 = arith.cmpi sgt, %add3A_9, %sign3A_45 : vector<16xi32>
    %sign3A_47 = arith.extui %sign3A_46 : vector<16xi1> to vector<16xi32>
    %sign3A_48 = arith.constant 0 : i32
    %sign3A_49 = vector.broadcast %sign3A_48 : i32 to vector<16xi32>
    %sign3A_50 = arith.cmpi slt, %add3A_9, %sign3A_49 : vector<16xi32>
    %sign3A_51 = arith.extui %sign3A_50 : vector<16xi1> to vector<16xi32>
    %sign3A_52 = arith.subi %sign3A_47, %sign3A_51 : vector<16xi32>
    %sign3A_53 = arith.constant 0 : i32
    %sign3A_54 = arith.cmpi sgt, %jit3A_41, %sign3A_53 : i32
    %sign3A_55 = arith.extui %sign3A_54 : i1 to i32
    %sign3A_56 = arith.constant 0 : i32
    %sign3A_57 = arith.cmpi slt, %jit3A_41, %sign3A_56 : i32
    %sign3A_58 = arith.extui %sign3A_57 : i1 to i32
    %sign3A_59 = arith.subi %sign3A_55, %sign3A_58 : i32
    %ne3A_60 = vector.broadcast %sign3A_59 : i32 to vector<16xi32>
    %ne3A_61 = arith.cmpi ne, %sign3A_52, %ne3A_60 : vector<16xi32>
    %rem3A_62 = vector.broadcast %jit3A_41 : i32 to vector<16xi32>
    %rem3A_63 = arith.remsi %add3A_9, %rem3A_62 : vector<16xi32>
    %ne3A_64 = arith.constant 0 : i32
    %ne3A_65 = vector.broadcast %ne3A_64 : i32 to vector<16xi32>
    %ne3A_66 = arith.cmpi ne, %rem3A_63, %ne3A_65 : vector<16xi32>
    %and3A_67 = arith.andi %ne3A_61, %ne3A_66 : vector<16xi1>
    %sub3A_68 = arith.constant 1 : i32
    %sub3A_69 = vector.broadcast %sub3A_68 : i32 to vector<16xi32>
    %sub3A_70 = arith.subi %div3A_43, %sub3A_69 : vector<16xi32>
    %select_n3A_71 = arith.select %and3A_67, %sub3A_70, %div3A_43 : vector<16xi1>, vector<16xi32>
    %jit3A_72 = arith.constant 8 : i32
    %div3A_73 = vector.broadcast %jit3A_72 : i32 to vector<16xi32>
    %div3A_74 = arith.divsi %add3A_13, %div3A_73 : vector<16xi32>
    %sign3A_75 = arith.constant 0 : i32
    %sign3A_76 = vector.broadcast %sign3A_75 : i32 to vector<16xi32>
    %sign3A_77 = arith.cmpi sgt, %add3A_13, %sign3A_76 : vector<16xi32>
    %sign3A_78 = arith.extui %sign3A_77 : vector<16xi1> to vector<16xi32>
    %sign3A_79 = arith.constant 0 : i32
    %sign3A_80 = vector.broadcast %sign3A_79 : i32 to vector<16xi32>
    %sign3A_81 = arith.cmpi slt, %add3A_13, %sign3A_80 : vector<16xi32>
    %sign3A_82 = arith.extui %sign3A_81 : vector<16xi1> to vector<16xi32>
    %sign3A_83 = arith.subi %sign3A_78, %sign3A_82 : vector<16xi32>
    %sign3A_84 = arith.constant 0 : i32
    %sign3A_85 = arith.cmpi sgt, %jit3A_72, %sign3A_84 : i32
    %sign3A_86 = arith.extui %sign3A_85 : i1 to i32
    %sign3A_87 = arith.constant 0 : i32
    %sign3A_88 = arith.cmpi slt, %jit3A_72, %sign3A_87 : i32
    %sign3A_89 = arith.extui %sign3A_88 : i1 to i32
    %sign3A_90 = arith.subi %sign3A_86, %sign3A_89 : i32
    %ne3A_91 = vector.broadcast %sign3A_90 : i32 to vector<16xi32>
    %ne3A_92 = arith.cmpi ne, %sign3A_83, %ne3A_91 : vector<16xi32>
    %rem3A_93 = vector.broadcast %jit3A_72 : i32 to vector<16xi32>
    %rem3A_94 = arith.remsi %add3A_13, %rem3A_93 : vector<16xi32>
    %ne3A_95 = arith.constant 0 : i32
    %ne3A_96 = vector.broadcast %ne3A_95 : i32 to vector<16xi32>
    %ne3A_97 = arith.cmpi ne, %rem3A_94, %ne3A_96 : vector<16xi32>
    %and3A_98 = arith.andi %ne3A_92, %ne3A_97 : vector<16xi1>
    %sub3A_99 = arith.constant 1 : i32
    %sub3A_100 = vector.broadcast %sub3A_99 : i32 to vector<16xi32>
    %sub3A_101 = arith.subi %div3A_74, %sub3A_100 : vector<16xi32>
    %select_n3A_102 = arith.select %and3A_98, %sub3A_101, %div3A_74 : vector<16xi1>, vector<16xi32>
    %jit3A_103 = arith.constant 8 : i32
    %div3A_104 = vector.broadcast %jit3A_103 : i32 to vector<16xi32>
    %div3A_105 = arith.divsi %add3A_17, %div3A_104 : vector<16xi32>
    %sign3A_106 = arith.constant 0 : i32
    %sign3A_107 = vector.broadcast %sign3A_106 : i32 to vector<16xi32>
    %sign3A_108 = arith.cmpi sgt, %add3A_17, %sign3A_107 : vector<16xi32>
    %sign3A_109 = arith.extui %sign3A_108 : vector<16xi1> to vector<16xi32>
    %sign3A_110 = arith.constant 0 : i32
    %sign3A_111 = vector.broadcast %sign3A_110 : i32 to vector<16xi32>
    %sign3A_112 = arith.cmpi slt, %add3A_17, %sign3A_111 : vector<16xi32>
    %sign3A_113 = arith.extui %sign3A_112 : vector<16xi1> to vector<16xi32>
    %sign3A_114 = arith.subi %sign3A_109, %sign3A_113 : vector<16xi32>
    %sign3A_115 = arith.constant 0 : i32
    %sign3A_116 = arith.cmpi sgt, %jit3A_103, %sign3A_115 : i32
    %sign3A_117 = arith.extui %sign3A_116 : i1 to i32
    %sign3A_118 = arith.constant 0 : i32
    %sign3A_119 = arith.cmpi slt, %jit3A_103, %sign3A_118 : i32
    %sign3A_120 = arith.extui %sign3A_119 : i1 to i32
    %sign3A_121 = arith.subi %sign3A_117, %sign3A_120 : i32
    %ne3A_122 = vector.broadcast %sign3A_121 : i32 to vector<16xi32>
    %ne3A_123 = arith.cmpi ne, %sign3A_114, %ne3A_122 : vector<16xi32>
    %rem3A_124 = vector.broadcast %jit3A_103 : i32 to vector<16xi32>
    %rem3A_125 = arith.remsi %add3A_17, %rem3A_124 : vector<16xi32>
    %ne3A_126 = arith.constant 0 : i32
    %ne3A_127 = vector.broadcast %ne3A_126 : i32 to vector<16xi32>
    %ne3A_128 = arith.cmpi ne, %rem3A_125, %ne3A_127 : vector<16xi32>
    %and3A_129 = arith.andi %ne3A_123, %ne3A_128 : vector<16xi1>
    %sub3A_130 = arith.constant 1 : i32
    %sub3A_131 = vector.broadcast %sub3A_130 : i32 to vector<16xi32>
    %sub3A_132 = arith.subi %div3A_105, %sub3A_131 : vector<16xi32>
    %select_n3A_133 = arith.select %and3A_129, %sub3A_132, %div3A_105 : vector<16xi1>, vector<16xi32>
    %jit3A_134 = arith.constant 8 : i32
    %eq3A = arith.constant 0 : i32
    %eq3A_135 = arith.cmpi eq, %jit3A_134, %eq3A : i32
    %jit3A_136 = arith.constant 1 : i32
    %select_n3A_137 = arith.select %eq3A_135, %jit3A_136, %jit3A_134 : i32
    %rem3A_138 = vector.broadcast %select_n3A_137 : i32 to vector<16xi32>
    %rem3A_139 = arith.remsi %add3A_5, %rem3A_138 : vector<16xi32>
    %ne3A_140 = arith.constant 0 : i32
    %ne3A_141 = vector.broadcast %ne3A_140 : i32 to vector<16xi32>
    %ne3A_142 = arith.cmpi ne, %rem3A_139, %ne3A_141 : vector<16xi32>
    %lt3A = arith.constant 0 : i32
    %lt3A_143 = vector.broadcast %lt3A : i32 to vector<16xi32>
    %lt3A_144 = arith.cmpi slt, %rem3A_139, %lt3A_143 : vector<16xi32>
    %lt3A_145 = arith.constant 0 : i32
    %lt3A_146 = arith.cmpi slt, %select_n3A_137, %lt3A_145 : i32
    %ne3A_147 = vector.broadcast %lt3A_146 : i1 to vector<16xi1>
    %ne3A_148 = vector.broadcast %ne3A_147 : vector<16xi1> to vector<16xi1>
    %ne3A_149 = arith.xori %lt3A_144, %ne3A_148 : vector<16xi1>
    %and3A_150 = arith.andi %ne3A_149, %ne3A_142 : vector<16xi1>
    %add3A_151 = vector.broadcast %select_n3A_137 : i32 to vector<16xi32>
    %add3A_152 = arith.addi %rem3A_139, %add3A_151 : vector<16xi32>
    %select_n3A_153 = arith.select %and3A_150, %add3A_152, %rem3A_139 : vector<16xi1>, vector<16xi32>
    %jit3A_154 = arith.constant 8 : i32
    %eq3A_155 = arith.constant 0 : i32
    %eq3A_156 = arith.cmpi eq, %jit3A_154, %eq3A_155 : i32
    %jit3A_157 = arith.constant 1 : i32
    %select_n3A_158 = arith.select %eq3A_156, %jit3A_157, %jit3A_154 : i32
    %rem3A_159 = vector.broadcast %select_n3A_158 : i32 to vector<16xi32>
    %rem3A_160 = arith.remsi %add3A_9, %rem3A_159 : vector<16xi32>
    %ne3A_161 = arith.constant 0 : i32
    %ne3A_162 = vector.broadcast %ne3A_161 : i32 to vector<16xi32>
    %ne3A_163 = arith.cmpi ne, %rem3A_160, %ne3A_162 : vector<16xi32>
    %lt3A_164 = arith.constant 0 : i32
    %lt3A_165 = vector.broadcast %lt3A_164 : i32 to vector<16xi32>
    %lt3A_166 = arith.cmpi slt, %rem3A_160, %lt3A_165 : vector<16xi32>
    %lt3A_167 = arith.constant 0 : i32
    %lt3A_168 = arith.cmpi slt, %select_n3A_158, %lt3A_167 : i32
    %ne3A_169 = vector.broadcast %lt3A_168 : i1 to vector<16xi1>
    %ne3A_170 = vector.broadcast %ne3A_169 : vector<16xi1> to vector<16xi1>
    %ne3A_171 = arith.xori %lt3A_166, %ne3A_170 : vector<16xi1>
    %and3A_172 = arith.andi %ne3A_171, %ne3A_163 : vector<16xi1>
    %add3A_173 = vector.broadcast %select_n3A_158 : i32 to vector<16xi32>
    %add3A_174 = arith.addi %rem3A_160, %add3A_173 : vector<16xi32>
    %select_n3A_175 = arith.select %and3A_172, %add3A_174, %rem3A_160 : vector<16xi1>, vector<16xi32>
    %jit3A_176 = arith.constant 8 : i32
    %eq3A_177 = arith.constant 0 : i32
    %eq3A_178 = arith.cmpi eq, %jit3A_176, %eq3A_177 : i32
    %jit3A_179 = arith.constant 1 : i32
    %select_n3A_180 = arith.select %eq3A_178, %jit3A_179, %jit3A_176 : i32
    %rem3A_181 = vector.broadcast %select_n3A_180 : i32 to vector<16xi32>
    %rem3A_182 = arith.remsi %add3A_13, %rem3A_181 : vector<16xi32>
    %ne3A_183 = arith.constant 0 : i32
    %ne3A_184 = vector.broadcast %ne3A_183 : i32 to vector<16xi32>
    %ne3A_185 = arith.cmpi ne, %rem3A_182, %ne3A_184 : vector<16xi32>
    %lt3A_186 = arith.constant 0 : i32
    %lt3A_187 = vector.broadcast %lt3A_186 : i32 to vector<16xi32>
    %lt3A_188 = arith.cmpi slt, %rem3A_182, %lt3A_187 : vector<16xi32>
    %lt3A_189 = arith.constant 0 : i32
    %lt3A_190 = arith.cmpi slt, %select_n3A_180, %lt3A_189 : i32
    %ne3A_191 = vector.broadcast %lt3A_190 : i1 to vector<16xi1>
    %ne3A_192 = vector.broadcast %ne3A_191 : vector<16xi1> to vector<16xi1>
    %ne3A_193 = arith.xori %lt3A_188, %ne3A_192 : vector<16xi1>
    %and3A_194 = arith.andi %ne3A_193, %ne3A_185 : vector<16xi1>
    %add3A_195 = vector.broadcast %select_n3A_180 : i32 to vector<16xi32>
    %add3A_196 = arith.addi %rem3A_182, %add3A_195 : vector<16xi32>
    %select_n3A_197 = arith.select %and3A_194, %add3A_196, %rem3A_182 : vector<16xi1>, vector<16xi32>
    %jit3A_198 = arith.constant 8 : i32
    %eq3A_199 = arith.constant 0 : i32
    %eq3A_200 = arith.cmpi eq, %jit3A_198, %eq3A_199 : i32
    %jit3A_201 = arith.constant 1 : i32
    %select_n3A_202 = arith.select %eq3A_200, %jit3A_201, %jit3A_198 : i32
    %rem3A_203 = vector.broadcast %select_n3A_202 : i32 to vector<16xi32>
    %rem3A_204 = arith.remsi %add3A_17, %rem3A_203 : vector<16xi32>
    %ne3A_205 = arith.constant 0 : i32
    %ne3A_206 = vector.broadcast %ne3A_205 : i32 to vector<16xi32>
    %ne3A_207 = arith.cmpi ne, %rem3A_204, %ne3A_206 : vector<16xi32>
    %lt3A_208 = arith.constant 0 : i32
    %lt3A_209 = vector.broadcast %lt3A_208 : i32 to vector<16xi32>
    %lt3A_210 = arith.cmpi slt, %rem3A_204, %lt3A_209 : vector<16xi32>
    %lt3A_211 = arith.constant 0 : i32
    %lt3A_212 = arith.cmpi slt, %select_n3A_202, %lt3A_211 : i32
    %ne3A_213 = vector.broadcast %lt3A_212 : i1 to vector<16xi1>
    %ne3A_214 = vector.broadcast %ne3A_213 : vector<16xi1> to vector<16xi1>
    %ne3A_215 = arith.xori %lt3A_210, %ne3A_214 : vector<16xi1>
    %and3A_216 = arith.andi %ne3A_215, %ne3A_207 : vector<16xi1>
    %add3A_217 = vector.broadcast %select_n3A_202 : i32 to vector<16xi32>
    %add3A_218 = arith.addi %rem3A_204, %add3A_217 : vector<16xi32>
    %select_n3A_219 = arith.select %and3A_216, %add3A_218, %rem3A_204 : vector<16xi1>, vector<16xi32>
    %dma_start3A = arith.constant 0 : i32
    %dma_start3A_220 = arith.constant 0 : i32
    %dma_start3A_221 = arith.constant 0 : i32
    %dma_start3A_222 = arith.constant 0 : i32
    %dma_start3A_223 = arith.constant 0 : i32
    %dma_start3A_224 = arith.constant 0 : i32
    %dma_start3A_225 = tpu.memref_slice %arg6[%dma_start3A_220, %dma_start3A_221, %dma_start3A_223, %dma_start3A_224] : memref<2x4x128x64xf32, #tpu.memory_space<vmem>> -> memref<1x1x128x64xf32, #tpu.memory_space<vmem>>
    %dma_start3A_226 = tpu.memref_squeeze %dma_start3A_225 : memref<1x1x128x64xf32, #tpu.memory_space<vmem>> -> memref<128x64xf32, #tpu.memory_space<vmem>>
    %dma_start3A_227 = arith.constant 0 : i32
    %dma_start3A_228 = tpu.memref_slice %arg5[%dma_start3A, %dma_start3A_227] : memref<200x128xi32, #tpu.memory_space<vmem>> -> memref<1x128xi32, #tpu.memory_space<vmem>>
    %dma_start3A_229 = tpu.memref_squeeze %dma_start3A_228 : memref<1x128xi32, #tpu.memory_space<vmem>> -> memref<128xi32, #tpu.memory_space<vmem>>
    %dma_start3A_230 = arith.constant 0 : i32
    %dma_start3A_231 = arith.constant 0 : i32
    %dma_start3A_232 = tpu.memref_slice %arg3[%dma_start3A_230, %dma_start3A_231] : memref<100000x64xf32, #tpu.memory_space<hbm>> -> memref<100000x64xf32, #tpu.memory_space<hbm>>
    %dma_start3A_233 = tpu.memref_slice %arg8[%dma_start3A_222] : memref<2x!tpu.dma_semaphore, #tpu.memory_space<semaphore_mem>> -> memref<1x!tpu.dma_semaphore, #tpu.memory_space<semaphore_mem>>
    %dma_start3A_234 = tpu.memref_squeeze %dma_start3A_233 : memref<1x!tpu.dma_semaphore, #tpu.memory_space<semaphore_mem>> -> memref<!tpu.dma_semaphore, #tpu.memory_space<semaphore_mem>>
    tpu.enqueue_indirect_dma source(%dma_start3A_232 : memref<100000x64xf32, #tpu.memory_space<hbm>>) target(%dma_start3A_226 : memref<128x64xf32, #tpu.memory_space<vmem>>) offsets(%dma_start3A_229 : memref<128xi32, #tpu.memory_space<vmem>>) semaphore(%dma_start3A_234 : memref<!tpu.dma_semaphore, #tpu.memory_space<semaphore_mem>>)
    %dma_start3A_235 = arith.constant 1 : i32
    %dma_start3A_236 = arith.constant 0 : i32
    %dma_start3A_237 = arith.constant 1 : i32
    %dma_start3A_238 = arith.constant 0 : i32
    %dma_start3A_239 = arith.constant 0 : i32
    %dma_start3A_240 = arith.constant 0 : i32
    %dma_start3A_241 = tpu.memref_slice %arg6[%dma_start3A_236, %dma_start3A_237, %dma_start3A_239, %dma_start3A_240] : memref<2x4x128x64xf32, #tpu.memory_space<vmem>> -> memref<1x1x128x64xf32, #tpu.memory_space<vmem>>
    %dma_start3A_242 = tpu.memref_squeeze %dma_start3A_241 : memref<1x1x128x64xf32, #tpu.memory_space<vmem>> -> memref<128x64xf32, #tpu.memory_space<vmem>>
    %dma_start3A_243 = arith.constant 0 : i32
    %dma_start3A_244 = tpu.memref_slice %arg5[%dma_start3A_235, %dma_start3A_243] : memref<200x128xi32, #tpu.memory_space<vmem>> -> memref<1x128xi32, #tpu.memory_space<vmem>>
    %dma_start3A_245 = tpu.memref_squeeze %dma_start3A_244 : memref<1x128xi32, #tpu.memory_space<vmem>> -> memref<128xi32, #tpu.memory_space<vmem>>
    %dma_start3A_246 = arith.constant 0 : i32
    %dma_start3A_247 = arith.constant 0 : i32
    %dma_start3A_248 = tpu.memref_slice %arg3[%dma_start3A_246, %dma_start3A_247] : memref<100000x64xf32, #tpu.memory_space<hbm>> -> memref<100000x64xf32, #tpu.memory_space<hbm>>
    %dma_start3A_249 = tpu.memref_slice %arg8[%dma_start3A_238] : memref<2x!tpu.dma_semaphore, #tpu.memory_space<semaphore_mem>> -> memref<1x!tpu.dma_semaphore, #tpu.memory_space<semaphore_mem>>
    %dma_start3A_250 = tpu.memref_squeeze %dma_start3A_249 : memref<1x!tpu.dma_semaphore, #tpu.memory_space<semaphore_mem>> -> memref<!tpu.dma_semaphore, #tpu.memory_space<semaphore_mem>>
    tpu.enqueue_indirect_dma source(%dma_start3A_248 : memref<100000x64xf32, #tpu.memory_space<hbm>>) target(%dma_start3A_242 : memref<128x64xf32, #tpu.memory_space<vmem>>) offsets(%dma_start3A_245 : memref<128xi32, #tpu.memory_space<vmem>>) semaphore(%dma_start3A_250 : memref<!tpu.dma_semaphore, #tpu.memory_space<semaphore_mem>>)
    %dma_start3A_251 = arith.constant 2 : i32
    %dma_start3A_252 = arith.constant 0 : i32
    %dma_start3A_253 = arith.constant 2 : i32
    %dma_start3A_254 = arith.constant 0 : i32
    %dma_start3A_255 = arith.constant 0 : i32
    %dma_start3A_256 = arith.constant 0 : i32
    %dma_start3A_257 = tpu.memref_slice %arg6[%dma_start3A_252, %dma_start3A_253, %dma_start3A_255, %dma_start3A_256] : memref<2x4x128x64xf32, #tpu.memory_space<vmem>> -> memref<1x1x128x64xf32, #tpu.memory_space<vmem>>
    %dma_start3A_258 = tpu.memref_squeeze %dma_start3A_257 : memref<1x1x128x64xf32, #tpu.memory_space<vmem>> -> memref<128x64xf32, #tpu.memory_space<vmem>>
    %dma_start3A_259 = arith.constant 0 : i32
    %dma_start3A_260 = tpu.memref_slice %arg5[%dma_start3A_251, %dma_start3A_259] : memref<200x128xi32, #tpu.memory_space<vmem>> -> memref<1x128xi32, #tpu.memory_space<vmem>>
    %dma_start3A_261 = tpu.memref_squeeze %dma_start3A_260 : memref<1x128xi32, #tpu.memory_space<vmem>> -> memref<128xi32, #tpu.memory_space<vmem>>
    %dma_start3A_262 = arith.constant 0 : i32
    %dma_start3A_263 = arith.constant 0 : i32
    %dma_start3A_264 = tpu.memref_slice %arg3[%dma_start3A_262, %dma_start3A_263] : memref<100000x64xf32, #tpu.memory_space<hbm>> -> memref<100000x64xf32, #tpu.memory_space<hbm>>
    %dma_start3A_265 = tpu.memref_slice %arg8[%dma_start3A_254] : memref<2x!tpu.dma_semaphore, #tpu.memory_space<semaphore_mem>> -> memref<1x!tpu.dma_semaphore, #tpu.memory_space<semaphore_mem>>
    %dma_start3A_266 = tpu.memref_squeeze %dma_start3A_265 : memref<1x!tpu.dma_semaphore, #tpu.memory_space<semaphore_mem>> -> memref<!tpu.dma_semaphore, #tpu.memory_space<semaphore_mem>>
    tpu.enqueue_indirect_dma source(%dma_start3A_264 : memref<100000x64xf32, #tpu.memory_space<hbm>>) target(%dma_start3A_258 : memref<128x64xf32, #tpu.memory_space<vmem>>) offsets(%dma_start3A_261 : memref<128xi32, #tpu.memory_space<vmem>>) semaphore(%dma_start3A_266 : memref<!tpu.dma_semaphore, #tpu.memory_space<semaphore_mem>>)
    %dma_start3A_267 = arith.constant 3 : i32
    %dma_start3A_268 = arith.constant 0 : i32
    %dma_start3A_269 = arith.constant 3 : i32
    %dma_start3A_270 = arith.constant 0 : i32
    %dma_start3A_271 = arith.constant 0 : i32
    %dma_start3A_272 = arith.constant 0 : i32
    %dma_start3A_273 = tpu.memref_slice %arg6[%dma_start3A_268, %dma_start3A_269, %dma_start3A_271, %dma_start3A_272] : memref<2x4x128x64xf32, #tpu.memory_space<vmem>> -> memref<1x1x128x64xf32, #tpu.memory_space<vmem>>
    %dma_start3A_274 = tpu.memref_squeeze %dma_start3A_273 : memref<1x1x128x64xf32, #tpu.memory_space<vmem>> -> memref<128x64xf32, #tpu.memory_space<vmem>>
    %dma_start3A_275 = arith.constant 0 : i32
    %dma_start3A_276 = tpu.memref_slice %arg5[%dma_start3A_267, %dma_start3A_275] : memref<200x128xi32, #tpu.memory_space<vmem>> -> memref<1x128xi32, #tpu.memory_space<vmem>>
    %dma_start3A_277 = tpu.memref_squeeze %dma_start3A_276 : memref<1x128xi32, #tpu.memory_space<vmem>> -> memref<128xi32, #tpu.memory_space<vmem>>
    %dma_start3A_278 = arith.constant 0 : i32
    %dma_start3A_279 = arith.constant 0 : i32
    %dma_start3A_280 = tpu.memref_slice %arg3[%dma_start3A_278, %dma_start3A_279] : memref<100000x64xf32, #tpu.memory_space<hbm>> -> memref<100000x64xf32, #tpu.memory_space<hbm>>
    %dma_start3A_281 = tpu.memref_slice %arg8[%dma_start3A_270] : memref<2x!tpu.dma_semaphore, #tpu.memory_space<semaphore_mem>> -> memref<1x!tpu.dma_semaphore, #tpu.memory_space<semaphore_mem>>
    %dma_start3A_282 = tpu.memref_squeeze %dma_start3A_281 : memref<1x!tpu.dma_semaphore, #tpu.memory_space<semaphore_mem>> -> memref<!tpu.dma_semaphore, #tpu.memory_space<semaphore_mem>>
    tpu.enqueue_indirect_dma source(%dma_start3A_280 : memref<100000x64xf32, #tpu.memory_space<hbm>>) target(%dma_start3A_274 : memref<128x64xf32, #tpu.memory_space<vmem>>) offsets(%dma_start3A_277 : memref<128xi32, #tpu.memory_space<vmem>>) semaphore(%dma_start3A_282 : memref<!tpu.dma_semaphore, #tpu.memory_space<semaphore_mem>>)
    %scan3A = arith.constant 0 : i32
    %scan3A_283 = arith.constant 0 : i32
    %scan3A_284 = arith.constant 50 : i32
    %scan3A_285 = arith.addi %scan3A_283, %scan3A_284 : i32
    %scan3A_286 = arith.constant 1 : i32
    scf.for %scan3A_331 = %scan3A_283 to %scan3A_285 step %scan3A_286  : i32 {
      %jit3A_332 = arith.constant 2 : i32
      %eq3A_333 = arith.constant 0 : i32
      %eq3A_334 = arith.cmpi eq, %jit3A_332, %eq3A_333 : i32
      %jit3A_335 = arith.constant 1 : i32
      %select_n3A_336 = arith.select %eq3A_334, %jit3A_335, %jit3A_332 : i32
      %rem3A_337 = arith.remsi %scan3A_331, %select_n3A_336 : i32
      %ne3A_338 = arith.constant 0 : i32
      %ne3A_339 = arith.cmpi ne, %rem3A_337, %ne3A_338 : i32
      %lt3A_340 = arith.constant 0 : i32
      %lt3A_341 = arith.cmpi slt, %rem3A_337, %lt3A_340 : i32
      %lt3A_342 = arith.constant 0 : i32
      %lt3A_343 = arith.cmpi slt, %select_n3A_336, %lt3A_342 : i32
      %ne3A_344 = arith.xori %lt3A_341, %lt3A_343 : i1
      %and3A_345 = arith.andi %ne3A_344, %ne3A_339 : i1
      %add3A_346 = arith.addi %rem3A_337, %select_n3A_336 : i32
      %select_n3A_347 = arith.select %and3A_345, %add3A_346, %rem3A_337 : i32
      %lt3A_348 = arith.constant 49 : i32
      %lt3A_349 = arith.cmpi slt, %scan3A_331, %lt3A_348 : i32
      %convert_element_type3A = arith.extui %lt3A_349 : i1 to i32
      %cond3A = arith.constant 0 : i32
      %cond3A_350 = arith.cmpi ne, %convert_element_type3A, %cond3A : i32
      scf.if %cond3A_350 {
        %add3A_571 = arith.constant 1 : i32
        %add3A_572 = arith.addi %scan3A_331, %add3A_571 : i32
        %sub3A_573 = arith.constant 1 : i32
        %sub3A_574 = arith.subi %sub3A_573, %select_n3A_347 : i32
        %mul3A_575 = arith.constant 4 : i32
        %mul3A_576 = arith.muli %add3A_572, %mul3A_575 : i32
        %add3A_577 = arith.constant 0 : i32
        %add3A_578 = arith.addi %mul3A_576, %add3A_577 : i32
        %dma_start3A_579 = arith.constant 0 : i32
        %dma_start3A_580 = arith.constant 0 : i32
        %dma_start3A_581 = arith.constant 0 : i32
        %dma_start3A_582 = tpu.memref_slice %arg6[%sub3A_574, %dma_start3A_579, %dma_start3A_580, %dma_start3A_581] : memref<2x4x128x64xf32, #tpu.memory_space<vmem>> -> memref<1x1x128x64xf32, #tpu.memory_space<vmem>>
        %dma_start3A_583 = tpu.memref_squeeze %dma_start3A_582 : memref<1x1x128x64xf32, #tpu.memory_space<vmem>> -> memref<128x64xf32, #tpu.memory_space<vmem>>
        %dma_start3A_584 = arith.constant 0 : i32
        %dma_start3A_585 = tpu.memref_slice %arg5[%add3A_578, %dma_start3A_584] : memref<200x128xi32, #tpu.memory_space<vmem>> -> memref<1x128xi32, #tpu.memory_space<vmem>>
        %dma_start3A_586 = tpu.memref_squeeze %dma_start3A_585 : memref<1x128xi32, #tpu.memory_space<vmem>> -> memref<128xi32, #tpu.memory_space<vmem>>
        %dma_start3A_587 = arith.constant 0 : i32
        %dma_start3A_588 = arith.constant 0 : i32
        %dma_start3A_589 = tpu.memref_slice %arg3[%dma_start3A_587, %dma_start3A_588] : memref<100000x64xf32, #tpu.memory_space<hbm>> -> memref<100000x64xf32, #tpu.memory_space<hbm>>
        %dma_start3A_590 = tpu.memref_slice %arg8[%sub3A_574] : memref<2x!tpu.dma_semaphore, #tpu.memory_space<semaphore_mem>> -> memref<1x!tpu.dma_semaphore, #tpu.memory_space<semaphore_mem>>
        %dma_start3A_591 = tpu.memref_squeeze %dma_start3A_590 : memref<1x!tpu.dma_semaphore, #tpu.memory_space<semaphore_mem>> -> memref<!tpu.dma_semaphore, #tpu.memory_space<semaphore_mem>>
        tpu.enqueue_indirect_dma source(%dma_start3A_589 : memref<100000x64xf32, #tpu.memory_space<hbm>>) target(%dma_start3A_583 : memref<128x64xf32, #tpu.memory_space<vmem>>) offsets(%dma_start3A_586 : memref<128xi32, #tpu.memory_space<vmem>>) semaphore(%dma_start3A_591 : memref<!tpu.dma_semaphore, #tpu.memory_space<semaphore_mem>>)
        %mul3A_592 = arith.constant 4 : i32
        %mul3A_593 = arith.muli %add3A_572, %mul3A_592 : i32
        %add3A_594 = arith.constant 1 : i32
        %add3A_595 = arith.addi %mul3A_593, %add3A_594 : i32
        %dma_start3A_596 = arith.constant 1 : i32
        %dma_start3A_597 = arith.constant 0 : i32
        %dma_start3A_598 = arith.constant 0 : i32
        %dma_start3A_599 = tpu.memref_slice %arg6[%sub3A_574, %dma_start3A_596, %dma_start3A_597, %dma_start3A_598] : memref<2x4x128x64xf32, #tpu.memory_space<vmem>> -> memref<1x1x128x64xf32, #tpu.memory_space<vmem>>
        %dma_start3A_600 = tpu.memref_squeeze %dma_start3A_599 : memref<1x1x128x64xf32, #tpu.memory_space<vmem>> -> memref<128x64xf32, #tpu.memory_space<vmem>>
        %dma_start3A_601 = arith.constant 0 : i32
        %dma_start3A_602 = tpu.memref_slice %arg5[%add3A_595, %dma_start3A_601] : memref<200x128xi32, #tpu.memory_space<vmem>> -> memref<1x128xi32, #tpu.memory_space<vmem>>
        %dma_start3A_603 = tpu.memref_squeeze %dma_start3A_602 : memref<1x128xi32, #tpu.memory_space<vmem>> -> memref<128xi32, #tpu.memory_space<vmem>>
        %dma_start3A_604 = arith.constant 0 : i32
        %dma_start3A_605 = arith.constant 0 : i32
        %dma_start3A_606 = tpu.memref_slice %arg3[%dma_start3A_604, %dma_start3A_605] : memref<100000x64xf32, #tpu.memory_space<hbm>> -> memref<100000x64xf32, #tpu.memory_space<hbm>>
        %dma_start3A_607 = tpu.memref_slice %arg8[%sub3A_574] : memref<2x!tpu.dma_semaphore, #tpu.memory_space<semaphore_mem>> -> memref<1x!tpu.dma_semaphore, #tpu.memory_space<semaphore_mem>>
        %dma_start3A_608 = tpu.memref_squeeze %dma_start3A_607 : memref<1x!tpu.dma_semaphore, #tpu.memory_space<semaphore_mem>> -> memref<!tpu.dma_semaphore, #tpu.memory_space<semaphore_mem>>
        tpu.enqueue_indirect_dma source(%dma_start3A_606 : memref<100000x64xf32, #tpu.memory_space<hbm>>) target(%dma_start3A_600 : memref<128x64xf32, #tpu.memory_space<vmem>>) offsets(%dma_start3A_603 : memref<128xi32, #tpu.memory_space<vmem>>) semaphore(%dma_start3A_608 : memref<!tpu.dma_semaphore, #tpu.memory_space<semaphore_mem>>)
        %mul3A_609 = arith.constant 4 : i32
        %mul3A_610 = arith.muli %add3A_572, %mul3A_609 : i32
        %add3A_611 = arith.constant 2 : i32
        %add3A_612 = arith.addi %mul3A_610, %add3A_611 : i32
        %dma_start3A_613 = arith.constant 2 : i32
        %dma_start3A_614 = arith.constant 0 : i32
        %dma_start3A_615 = arith.constant 0 : i32
        %dma_start3A_616 = tpu.memref_slice %arg6[%sub3A_574, %dma_start3A_613, %dma_start3A_614, %dma_start3A_615] : memref<2x4x128x64xf32, #tpu.memory_space<vmem>> -> memref<1x1x128x64xf32, #tpu.memory_space<vmem>>
        %dma_start3A_617 = tpu.memref_squeeze %dma_start3A_616 : memref<1x1x128x64xf32, #tpu.memory_space<vmem>> -> memref<128x64xf32, #tpu.memory_space<vmem>>
        %dma_start3A_618 = arith.constant 0 : i32
        %dma_start3A_619 = tpu.memref_slice %arg5[%add3A_612, %dma_start3A_618] : memref<200x128xi32, #tpu.memory_space<vmem>> -> memref<1x128xi32, #tpu.memory_space<vmem>>
        %dma_start3A_620 = tpu.memref_squeeze %dma_start3A_619 : memref<1x128xi32, #tpu.memory_space<vmem>> -> memref<128xi32, #tpu.memory_space<vmem>>
        %dma_start3A_621 = arith.constant 0 : i32
        %dma_start3A_622 = arith.constant 0 : i32
        %dma_start3A_623 = tpu.memref_slice %arg3[%dma_start3A_621, %dma_start3A_622] : memref<100000x64xf32, #tpu.memory_space<hbm>> -> memref<100000x64xf32, #tpu.memory_space<hbm>>
        %dma_start3A_624 = tpu.memref_slice %arg8[%sub3A_574] : memref<2x!tpu.dma_semaphore, #tpu.memory_space<semaphore_mem>> -> memref<1x!tpu.dma_semaphore, #tpu.memory_space<semaphore_mem>>
        %dma_start3A_625 = tpu.memref_squeeze %dma_start3A_624 : memref<1x!tpu.dma_semaphore, #tpu.memory_space<semaphore_mem>> -> memref<!tpu.dma_semaphore, #tpu.memory_space<semaphore_mem>>
        tpu.enqueue_indirect_dma source(%dma_start3A_623 : memref<100000x64xf32, #tpu.memory_space<hbm>>) target(%dma_start3A_617 : memref<128x64xf32, #tpu.memory_space<vmem>>) offsets(%dma_start3A_620 : memref<128xi32, #tpu.memory_space<vmem>>) semaphore(%dma_start3A_625 : memref<!tpu.dma_semaphore, #tpu.memory_space<semaphore_mem>>)
        %mul3A_626 = arith.constant 4 : i32
        %mul3A_627 = arith.muli %add3A_572, %mul3A_626 : i32
        %add3A_628 = arith.constant 3 : i32
        %add3A_629 = arith.addi %mul3A_627, %add3A_628 : i32
        %dma_start3A_630 = arith.constant 3 : i32
        %dma_start3A_631 = arith.constant 0 : i32
        %dma_start3A_632 = arith.constant 0 : i32
        %dma_start3A_633 = tpu.memref_slice %arg6[%sub3A_574, %dma_start3A_630, %dma_start3A_631, %dma_start3A_632] : memref<2x4x128x64xf32, #tpu.memory_space<vmem>> -> memref<1x1x128x64xf32, #tpu.memory_space<vmem>>
        %dma_start3A_634 = tpu.memref_squeeze %dma_start3A_633 : memref<1x1x128x64xf32, #tpu.memory_space<vmem>> -> memref<128x64xf32, #tpu.memory_space<vmem>>
        %dma_start3A_635 = arith.constant 0 : i32
        %dma_start3A_636 = tpu.memref_slice %arg5[%add3A_629, %dma_start3A_635] : memref<200x128xi32, #tpu.memory_space<vmem>> -> memref<1x128xi32, #tpu.memory_space<vmem>>
        %dma_start3A_637 = tpu.memref_squeeze %dma_start3A_636 : memref<1x128xi32, #tpu.memory_space<vmem>> -> memref<128xi32, #tpu.memory_space<vmem>>
        %dma_start3A_638 = arith.constant 0 : i32
        %dma_start3A_639 = arith.constant 0 : i32
        %dma_start3A_640 = tpu.memref_slice %arg3[%dma_start3A_638, %dma_start3A_639] : memref<100000x64xf32, #tpu.memory_space<hbm>> -> memref<100000x64xf32, #tpu.memory_space<hbm>>
        %dma_start3A_641 = tpu.memref_slice %arg8[%sub3A_574] : memref<2x!tpu.dma_semaphore, #tpu.memory_space<semaphore_mem>> -> memref<1x!tpu.dma_semaphore, #tpu.memory_space<semaphore_mem>>
        %dma_start3A_642 = tpu.memref_squeeze %dma_start3A_641 : memref<1x!tpu.dma_semaphore, #tpu.memory_space<semaphore_mem>> -> memref<!tpu.dma_semaphore, #tpu.memory_space<semaphore_mem>>
        tpu.enqueue_indirect_dma source(%dma_start3A_640 : memref<100000x64xf32, #tpu.memory_space<hbm>>) target(%dma_start3A_634 : memref<128x64xf32, #tpu.memory_space<vmem>>) offsets(%dma_start3A_637 : memref<128xi32, #tpu.memory_space<vmem>>) semaphore(%dma_start3A_642 : memref<!tpu.dma_semaphore, #tpu.memory_space<semaphore_mem>>)
      } else {
      }
      %dma_wait3A_351 = arith.constant 0 : i32
      %dma_wait3A_352 = arith.constant 0 : i32
      %dma_wait3A_353 = arith.constant 0 : i32
      %dma_wait3A_354 = arith.constant 0 : i32
      %dma_wait3A_355 = tpu.memref_slice %arg6[%select_n3A_347, %dma_wait3A_352, %dma_wait3A_353, %dma_wait3A_354] : memref<2x4x128x64xf32, #tpu.memory_space<vmem>> -> memref<1x1x128x64xf32, #tpu.memory_space<vmem>>
      %dma_wait3A_356 = tpu.memref_squeeze %dma_wait3A_355 : memref<1x1x128x64xf32, #tpu.memory_space<vmem>> -> memref<128x64xf32, #tpu.memory_space<vmem>>
      %dma_wait3A_357 = arith.constant 0 : i32
      %dma_wait3A_358 = tpu.memref_slice %arg5[%dma_wait3A_351, %dma_wait3A_357] : memref<200x128xi32, #tpu.memory_space<vmem>> -> memref<1x128xi32, #tpu.memory_space<vmem>>
      %dma_wait3A_359 = tpu.memref_squeeze %dma_wait3A_358 : memref<1x128xi32, #tpu.memory_space<vmem>> -> memref<128xi32, #tpu.memory_space<vmem>>
      %dma_wait3A_360 = arith.constant 0 : i32
      %dma_wait3A_361 = arith.constant 0 : i32
      %dma_wait3A_362 = tpu.memref_slice %arg3[%dma_wait3A_360, %dma_wait3A_361] : memref<100000x64xf32, #tpu.memory_space<hbm>> -> memref<100000x64xf32, #tpu.memory_space<hbm>>
      %dma_wait3A_363 = tpu.memref_slice %arg8[%select_n3A_347] : memref<2x!tpu.dma_semaphore, #tpu.memory_space<semaphore_mem>> -> memref<1x!tpu.dma_semaphore, #tpu.memory_space<semaphore_mem>>
      %dma_wait3A_364 = tpu.memref_squeeze %dma_wait3A_363 : memref<1x!tpu.dma_semaphore, #tpu.memory_space<semaphore_mem>> -> memref<!tpu.dma_semaphore, #tpu.memory_space<semaphore_mem>>
      tpu.wait_indirect_dma semaphore(%dma_wait3A_364 : memref<!tpu.dma_semaphore, #tpu.memory_space<semaphore_mem>>) src(%dma_wait3A_362 : memref<100000x64xf32, #tpu.memory_space<hbm>>) dst(%dma_wait3A_356 : memref<128x64xf32, #tpu.memory_space<vmem>>)
      %dma_wait3A_365 = arith.constant 0 : i32
      %dma_wait3A_366 = arith.constant 1 : i32
      %dma_wait3A_367 = arith.constant 0 : i32
      %dma_wait3A_368 = arith.constant 0 : i32
      %dma_wait3A_369 = tpu.memref_slice %arg6[%select_n3A_347, %dma_wait3A_366, %dma_wait3A_367, %dma_wait3A_368] : memref<2x4x128x64xf32, #tpu.memory_space<vmem>> -> memref<1x1x128x64xf32, #tpu.memory_space<vmem>>
      %dma_wait3A_370 = tpu.memref_squeeze %dma_wait3A_369 : memref<1x1x128x64xf32, #tpu.memory_space<vmem>> -> memref<128x64xf32, #tpu.memory_space<vmem>>
      %dma_wait3A_371 = arith.constant 0 : i32
      %dma_wait3A_372 = tpu.memref_slice %arg5[%dma_wait3A_365, %dma_wait3A_371] : memref<200x128xi32, #tpu.memory_space<vmem>> -> memref<1x128xi32, #tpu.memory_space<vmem>>
      %dma_wait3A_373 = tpu.memref_squeeze %dma_wait3A_372 : memref<1x128xi32, #tpu.memory_space<vmem>> -> memref<128xi32, #tpu.memory_space<vmem>>
      %dma_wait3A_374 = arith.constant 0 : i32
      %dma_wait3A_375 = arith.constant 0 : i32
      %dma_wait3A_376 = tpu.memref_slice %arg3[%dma_wait3A_374, %dma_wait3A_375] : memref<100000x64xf32, #tpu.memory_space<hbm>> -> memref<100000x64xf32, #tpu.memory_space<hbm>>
      %dma_wait3A_377 = tpu.memref_slice %arg8[%select_n3A_347] : memref<2x!tpu.dma_semaphore, #tpu.memory_space<semaphore_mem>> -> memref<1x!tpu.dma_semaphore, #tpu.memory_space<semaphore_mem>>
      %dma_wait3A_378 = tpu.memref_squeeze %dma_wait3A_377 : memref<1x!tpu.dma_semaphore, #tpu.memory_space<semaphore_mem>> -> memref<!tpu.dma_semaphore, #tpu.memory_space<semaphore_mem>>
      tpu.wait_indirect_dma semaphore(%dma_wait3A_378 : memref<!tpu.dma_semaphore, #tpu.memory_space<semaphore_mem>>) src(%dma_wait3A_376 : memref<100000x64xf32, #tpu.memory_space<hbm>>) dst(%dma_wait3A_370 : memref<128x64xf32, #tpu.memory_space<vmem>>)
      %dma_wait3A_379 = arith.constant 0 : i32
      %dma_wait3A_380 = arith.constant 2 : i32
      %dma_wait3A_381 = arith.constant 0 : i32
      %dma_wait3A_382 = arith.constant 0 : i32
      %dma_wait3A_383 = tpu.memref_slice %arg6[%select_n3A_347, %dma_wait3A_380, %dma_wait3A_381, %dma_wait3A_382] : memref<2x4x128x64xf32, #tpu.memory_space<vmem>> -> memref<1x1x128x64xf32, #tpu.memory_space<vmem>>
      %dma_wait3A_384 = tpu.memref_squeeze %dma_wait3A_383 : memref<1x1x128x64xf32, #tpu.memory_space<vmem>> -> memref<128x64xf32, #tpu.memory_space<vmem>>
      %dma_wait3A_385 = arith.constant 0 : i32
      %dma_wait3A_386 = tpu.memref_slice %arg5[%dma_wait3A_379, %dma_wait3A_385] : memref<200x128xi32, #tpu.memory_space<vmem>> -> memref<1x128xi32, #tpu.memory_space<vmem>>
      %dma_wait3A_387 = tpu.memref_squeeze %dma_wait3A_386 : memref<1x128xi32, #tpu.memory_space<vmem>> -> memref<128xi32, #tpu.memory_space<vmem>>
      %dma_wait3A_388 = arith.constant 0 : i32
      %dma_wait3A_389 = arith.constant 0 : i32
      %dma_wait3A_390 = tpu.memref_slice %arg3[%dma_wait3A_388, %dma_wait3A_389] : memref<100000x64xf32, #tpu.memory_space<hbm>> -> memref<100000x64xf32, #tpu.memory_space<hbm>>
      %dma_wait3A_391 = tpu.memref_slice %arg8[%select_n3A_347] : memref<2x!tpu.dma_semaphore, #tpu.memory_space<semaphore_mem>> -> memref<1x!tpu.dma_semaphore, #tpu.memory_space<semaphore_mem>>
      %dma_wait3A_392 = tpu.memref_squeeze %dma_wait3A_391 : memref<1x!tpu.dma_semaphore, #tpu.memory_space<semaphore_mem>> -> memref<!tpu.dma_semaphore, #tpu.memory_space<semaphore_mem>>
      tpu.wait_indirect_dma semaphore(%dma_wait3A_392 : memref<!tpu.dma_semaphore, #tpu.memory_space<semaphore_mem>>) src(%dma_wait3A_390 : memref<100000x64xf32, #tpu.memory_space<hbm>>) dst(%dma_wait3A_384 : memref<128x64xf32, #tpu.memory_space<vmem>>)
      %dma_wait3A_393 = arith.constant 0 : i32
      %dma_wait3A_394 = arith.constant 3 : i32
      %dma_wait3A_395 = arith.constant 0 : i32
      %dma_wait3A_396 = arith.constant 0 : i32
      %dma_wait3A_397 = tpu.memref_slice %arg6[%select_n3A_347, %dma_wait3A_394, %dma_wait3A_395, %dma_wait3A_396] : memref<2x4x128x64xf32, #tpu.memory_space<vmem>> -> memref<1x1x128x64xf32, #tpu.memory_space<vmem>>
      %dma_wait3A_398 = tpu.memref_squeeze %dma_wait3A_397 : memref<1x1x128x64xf32, #tpu.memory_space<vmem>> -> memref<128x64xf32, #tpu.memory_space<vmem>>
      %dma_wait3A_399 = arith.constant 0 : i32
      %dma_wait3A_400 = tpu.memref_slice %arg5[%dma_wait3A_393, %dma_wait3A_399] : memref<200x128xi32, #tpu.memory_space<vmem>> -> memref<1x128xi32, #tpu.memory_space<vmem>>
      %dma_wait3A_401 = tpu.memref_squeeze %dma_wait3A_400 : memref<1x128xi32, #tpu.memory_space<vmem>> -> memref<128xi32, #tpu.memory_space<vmem>>
      %dma_wait3A_402 = arith.constant 0 : i32
      %dma_wait3A_403 = arith.constant 0 : i32
      %dma_wait3A_404 = tpu.memref_slice %arg3[%dma_wait3A_402, %dma_wait3A_403] : memref<100000x64xf32, #tpu.memory_space<hbm>> -> memref<100000x64xf32, #tpu.memory_space<hbm>>
      %dma_wait3A_405 = tpu.memref_slice %arg8[%select_n3A_347] : memref<2x!tpu.dma_semaphore, #tpu.memory_space<semaphore_mem>> -> memref<1x!tpu.dma_semaphore, #tpu.memory_space<semaphore_mem>>
      %dma_wait3A_406 = tpu.memref_squeeze %dma_wait3A_405 : memref<1x!tpu.dma_semaphore, #tpu.memory_space<semaphore_mem>> -> memref<!tpu.dma_semaphore, #tpu.memory_space<semaphore_mem>>
      tpu.wait_indirect_dma semaphore(%dma_wait3A_406 : memref<!tpu.dma_semaphore, #tpu.memory_space<semaphore_mem>>) src(%dma_wait3A_404 : memref<100000x64xf32, #tpu.memory_space<hbm>>) dst(%dma_wait3A_398 : memref<128x64xf32, #tpu.memory_space<vmem>>)
      %gt3A = arith.constant 0 : i32
      %gt3A_407 = arith.cmpi sgt, %scan3A_331, %gt3A : i32
      %convert_element_type3A_408 = arith.extui %gt3A_407 : i1 to i32
      %cond3A_409 = arith.constant 0 : i32
      %cond3A_410 = arith.cmpi ne, %convert_element_type3A_408, %cond3A_409 : i32
      scf.if %cond3A_410 {
        %dma_wait3A_571 = arith.constant 0 : i32
        %dma_wait3A_572 = arith.constant 0 : i32
        %dma_wait3A_573 = arith.constant 0 : i32
        %dma_wait3A_574 = arith.constant 0 : i32
        %dma_wait3A_575 = arith.constant 0 : i32
        %dma_wait3A_576 = tpu.memref_slice %arg7[%dma_wait3A_572, %dma_wait3A_573, %dma_wait3A_574, %dma_wait3A_575] : memref<2x8x8x131xf32, #tpu.memory_space<vmem>> -> memref<1x8x8x128xf32, #tpu.memory_space<vmem>>
        %dma_wait3A_577 = tpu.memref_squeeze %dma_wait3A_576 : memref<1x8x8x128xf32, #tpu.memory_space<vmem>> -> memref<8x8x128xf32, #tpu.memory_space<vmem>>
        %dma_wait3A_578 = arith.constant 0 : i32
        %dma_wait3A_579 = arith.constant 0 : i32
        %dma_wait3A_580 = arith.constant 0 : i32
        %dma_wait3A_581 = tpu.memref_slice %arg4[%dma_wait3A_571, %dma_wait3A_578, %add3A, %dma_wait3A_579, %dma_wait3A_580] : memref<200x8x32x8x128xf32, #tpu.memory_space<hbm>> -> memref<1x8x1x8x128xf32, #tpu.memory_space<hbm>>
        %dma_wait3A_582 = tpu.memref_squeeze %dma_wait3A_581 : memref<1x8x1x8x128xf32, #tpu.memory_space<hbm>> -> memref<8x8x128xf32, #tpu.memory_space<hbm>>
        %dma_wait3A_583 = arith.constant 0 : i32
        %dma_wait3A_584 = arith.constant 0 : i32
        %dma_wait3A_585 = arith.constant 0 : i32
        %dma_wait3A_586 = tpu.memref_slice %arg7[%dma_wait3A_572, %dma_wait3A_583, %dma_wait3A_584, %dma_wait3A_585] : memref<2x8x8x131xf32, #tpu.memory_space<vmem>> -> memref<1x8x8x128xf32, #tpu.memory_space<vmem>>
        %dma_wait3A_587 = tpu.memref_squeeze %dma_wait3A_586 : memref<1x8x8x128xf32, #tpu.memory_space<vmem>> -> memref<8x8x128xf32, #tpu.memory_space<vmem>>
        %dma_wait3A_588 = arith.constant 0 : i32
        %dma_wait3A_589 = arith.constant 0 : i32
        %dma_wait3A_590 = arith.constant 0 : i32
        %dma_wait3A_591 = tpu.memref_slice %arg4[%dma_wait3A_571, %dma_wait3A_588, %add3A, %dma_wait3A_589, %dma_wait3A_590] : memref<200x8x32x8x128xf32, #tpu.memory_space<hbm>> -> memref<1x8x1x8x128xf32, #tpu.memory_space<hbm>>
        %dma_wait3A_592 = tpu.memref_squeeze %dma_wait3A_591 : memref<1x8x1x8x128xf32, #tpu.memory_space<hbm>> -> memref<8x8x128xf32, #tpu.memory_space<hbm>>
        tpu.wait_dma2 semaphore(%arg9 : memref<!tpu.dma_semaphore, #tpu.memory_space<semaphore_mem>>) src(%dma_wait3A_592 : memref<8x8x128xf32, #tpu.memory_space<hbm>>) dst(%dma_wait3A_587 : memref<8x8x128xf32, #tpu.memory_space<vmem>>)
      } else {
      }
      %parallel_loop3A = arith.constant 0 : i32
      %parallel_loop3A_411 = arith.constant 128 : i32
      %parallel_loop3A_412 = arith.constant 1 : i32
      scf.for %parallel_loop3A_571 = %parallel_loop3A to %parallel_loop3A_411 step %parallel_loop3A_412  : i32 {
        %parallel_loop3A_572 = vector.broadcast %parallel_loop3A_571 : i32 to vector<16xi32>
        %parallel_loop3A_573 = arith.constant 0 : i32
        %parallel_loop3A_574 = arith.index_cast %select_n3A_347 : i32 to index
        %parallel_loop3A_575 = arith.index_cast %parallel_loop3A_573 : i32 to index
        %parallel_loop3A_576 = arith.index_cast %parallel_loop3A_571 : i32 to index
        %parallel_loop3A_577 = arith.constant 0 : index
        %parallel_loop3A_578 = tpu.vector_load %arg6[%parallel_loop3A_574, %parallel_loop3A_575, %parallel_loop3A_576, %parallel_loop3A_577] {strides = array<i32>} : memref<2x4x128x64xf32, #tpu.memory_space<vmem>>, vector<16xf32>,
        %parallel_loop3A_579 = arith.constant 0 : i32
        %parallel_loop3A_580 = arith.constant 0 : i32
        %parallel_loop3A_581 = arith.constant 0 : i32
        %parallel_loop3A_582 = arith.constant 0 : i32
        %parallel_loop3A_583 = tpu.memref_slice %arg7[%parallel_loop3A_579, %parallel_loop3A_580, %parallel_loop3A_581, %parallel_loop3A_582] : memref<2x8x8x131xf32, #tpu.memory_space<vmem>> -> memref<1x8x8x131xf32, #tpu.memory_space<vmem>>
        %parallel_loop3A_584 = tpu.memref_squeeze %parallel_loop3A_583 : memref<1x8x8x131xf32, #tpu.memory_space<vmem>> -> memref<8x8x131xf32, #tpu.memory_space<vmem>>
        tpu.vector_store_idx %parallel_loop3A_584[%select_n3A, %select_n3A_153, %parallel_loop3A_572], %parallel_loop3A_578 : memref<8x8x131xf32, #tpu.memory_space<vmem>>[vector<16xi32>, vector<16xi32>, vector<16xi32>], vector<16xf32>,
        %parallel_loop3A_585 = arith.constant 0 : i32
        %parallel_loop3A_586 = arith.index_cast %select_n3A_347 : i32 to index
        %parallel_loop3A_587 = arith.index_cast %parallel_loop3A_585 : i32 to index
        %parallel_loop3A_588 = arith.index_cast %parallel_loop3A_571 : i32 to index
        %parallel_loop3A_589 = arith.constant 16 : index
        %parallel_loop3A_590 = tpu.vector_load %arg6[%parallel_loop3A_586, %parallel_loop3A_587, %parallel_loop3A_588, %parallel_loop3A_589] {strides = array<i32>} : memref<2x4x128x64xf32, #tpu.memory_space<vmem>>, vector<16xf32>,
        %parallel_loop3A_591 = arith.constant 0 : i32
        %parallel_loop3A_592 = arith.constant 0 : i32
        %parallel_loop3A_593 = arith.constant 0 : i32
        %parallel_loop3A_594 = arith.constant 0 : i32
        %parallel_loop3A_595 = tpu.memref_slice %arg7[%parallel_loop3A_591, %parallel_loop3A_592, %parallel_loop3A_593, %parallel_loop3A_594] : memref<2x8x8x131xf32, #tpu.memory_space<vmem>> -> memref<1x8x8x131xf32, #tpu.memory_space<vmem>>
        %parallel_loop3A_596 = tpu.memref_squeeze %parallel_loop3A_595 : memref<1x8x8x131xf32, #tpu.memory_space<vmem>> -> memref<8x8x131xf32, #tpu.memory_space<vmem>>
        tpu.vector_store_idx %parallel_loop3A_596[%select_n3A_71, %select_n3A_175, %parallel_loop3A_572], %parallel_loop3A_590 : memref<8x8x131xf32, #tpu.memory_space<vmem>>[vector<16xi32>, vector<16xi32>, vector<16xi32>], vector<16xf32>,
        %parallel_loop3A_597 = arith.constant 0 : i32
        %parallel_loop3A_598 = arith.index_cast %select_n3A_347 : i32 to index
        %parallel_loop3A_599 = arith.index_cast %parallel_loop3A_597 : i32 to index
        %parallel_loop3A_600 = arith.index_cast %parallel_loop3A_571 : i32 to index
        %parallel_loop3A_601 = arith.constant 32 : index
        %parallel_loop3A_602 = tpu.vector_load %arg6[%parallel_loop3A_598, %parallel_loop3A_599, %parallel_loop3A_600, %parallel_loop3A_601] {strides = array<i32>} : memref<2x4x128x64xf32, #tpu.memory_space<vmem>>, vector<16xf32>,
        %parallel_loop3A_603 = arith.constant 0 : i32
        %parallel_loop3A_604 = arith.constant 0 : i32
        %parallel_loop3A_605 = arith.constant 0 : i32
        %parallel_loop3A_606 = arith.constant 0 : i32
        %parallel_loop3A_607 = tpu.memref_slice %arg7[%parallel_loop3A_603, %parallel_loop3A_604, %parallel_loop3A_605, %parallel_loop3A_606] : memref<2x8x8x131xf32, #tpu.memory_space<vmem>> -> memref<1x8x8x131xf32, #tpu.memory_space<vmem>>
        %parallel_loop3A_608 = tpu.memref_squeeze %parallel_loop3A_607 : memref<1x8x8x131xf32, #tpu.memory_space<vmem>> -> memref<8x8x131xf32, #tpu.memory_space<vmem>>
        tpu.vector_store_idx %parallel_loop3A_608[%select_n3A_102, %select_n3A_197, %parallel_loop3A_572], %parallel_loop3A_602 : memref<8x8x131xf32, #tpu.memory_space<vmem>>[vector<16xi32>, vector<16xi32>, vector<16xi32>], vector<16xf32>,
        %parallel_loop3A_609 = arith.constant 0 : i32
        %parallel_loop3A_610 = arith.index_cast %select_n3A_347 : i32 to index
        %parallel_loop3A_611 = arith.index_cast %parallel_loop3A_609 : i32 to index
        %parallel_loop3A_612 = arith.index_cast %parallel_loop3A_571 : i32 to index
        %parallel_loop3A_613 = arith.constant 48 : index
        %parallel_loop3A_614 = tpu.vector_load %arg6[%parallel_loop3A_610, %parallel_loop3A_611, %parallel_loop3A_612, %parallel_loop3A_613] {strides = array<i32>} : memref<2x4x128x64xf32, #tpu.memory_space<vmem>>, vector<16xf32>,
        %parallel_loop3A_615 = arith.constant 0 : i32
        %parallel_loop3A_616 = arith.constant 0 : i32
        %parallel_loop3A_617 = arith.constant 0 : i32
        %parallel_loop3A_618 = arith.constant 0 : i32
        %parallel_loop3A_619 = tpu.memref_slice %arg7[%parallel_loop3A_615, %parallel_loop3A_616, %parallel_loop3A_617, %parallel_loop3A_618] : memref<2x8x8x131xf32, #tpu.memory_space<vmem>> -> memref<1x8x8x131xf32, #tpu.memory_space<vmem>>
        %parallel_loop3A_620 = tpu.memref_squeeze %parallel_loop3A_619 : memref<1x8x8x131xf32, #tpu.memory_space<vmem>> -> memref<8x8x131xf32, #tpu.memory_space<vmem>>
        tpu.vector_store_idx %parallel_loop3A_620[%select_n3A_133, %select_n3A_219, %parallel_loop3A_572], %parallel_loop3A_614 : memref<8x8x131xf32, #tpu.memory_space<vmem>>[vector<16xi32>, vector<16xi32>, vector<16xi32>], vector<16xf32>,
      } {sc.loop_unroll_factor = 16 : i64, sc.parallel_access}
      %mul3A_413 = arith.constant 4 : i32
      %mul3A_414 = arith.muli %scan3A_331, %mul3A_413 : i32
      %add3A_415 = arith.constant 0 : i32
      %add3A_416 = arith.addi %mul3A_414, %add3A_415 : i32
      %dma_start3A_417 = arith.constant 0 : i32
      %dma_start3A_418 = arith.constant 0 : i32
      %dma_start3A_419 = arith.constant 0 : i32
      %dma_start3A_420 = arith.constant 0 : i32
      %dma_start3A_421 = tpu.memref_slice %arg7[%dma_start3A_417, %dma_start3A_418, %dma_start3A_419, %dma_start3A_420] : memref<2x8x8x131xf32, #tpu.memory_space<vmem>> -> memref<1x8x8x128xf32, #tpu.memory_space<vmem>>
      %dma_start3A_422 = tpu.memref_squeeze %dma_start3A_421 : memref<1x8x8x128xf32, #tpu.memory_space<vmem>> -> memref<8x8x128xf32, #tpu.memory_space<vmem>>
      %dma_start3A_423 = arith.constant 0 : i32
      %dma_start3A_424 = arith.constant 0 : i32
      %dma_start3A_425 = arith.constant 0 : i32
      %dma_start3A_426 = tpu.memref_slice %arg4[%add3A_416, %dma_start3A_423, %add3A, %dma_start3A_424, %dma_start3A_425] : memref<200x8x32x8x128xf32, #tpu.memory_space<hbm>> -> memref<1x8x1x8x128xf32, #tpu.memory_space<hbm>>
      %dma_start3A_427 = tpu.memref_squeeze %dma_start3A_426 : memref<1x8x1x8x128xf32, #tpu.memory_space<hbm>> -> memref<8x8x128xf32, #tpu.memory_space<hbm>>
      %dma_start3A_428 = arith.constant 0 : i32
      %dma_start3A_429 = arith.constant 0 : i32
      %dma_start3A_430 = arith.constant 0 : i32
      %dma_start3A_431 = tpu.memref_slice %arg4[%add3A_416, %dma_start3A_428, %add3A, %dma_start3A_429, %dma_start3A_430] : memref<200x8x32x8x128xf32, #tpu.memory_space<hbm>> -> memref<1x8x1x8x128xf32, #tpu.memory_space<hbm>>
      %dma_start3A_432 = tpu.memref_squeeze %dma_start3A_431 : memref<1x8x1x8x128xf32, #tpu.memory_space<hbm>> -> memref<8x8x128xf32, #tpu.memory_space<hbm>>
      %dma_start3A_433 = arith.constant 0 : i32
      %dma_start3A_434 = arith.constant 0 : i32
      %dma_start3A_435 = arith.constant 0 : i32
      %dma_start3A_436 = tpu.memref_slice %arg7[%dma_start3A_417, %dma_start3A_433, %dma_start3A_434, %dma_start3A_435] : memref<2x8x8x131xf32, #tpu.memory_space<vmem>> -> memref<1x8x8x128xf32, #tpu.memory_space<vmem>>
      %dma_start3A_437 = tpu.memref_squeeze %dma_start3A_436 : memref<1x8x8x128xf32, #tpu.memory_space<vmem>> -> memref<8x8x128xf32, #tpu.memory_space<vmem>>
      tpu.enqueue_dma source(%dma_start3A_437 : memref<8x8x128xf32, #tpu.memory_space<vmem>>) target(%dma_start3A_432 : memref<8x8x128xf32, #tpu.memory_space<hbm>>) target_semaphore(%arg9 : memref<!tpu.dma_semaphore, #tpu.memory_space<semaphore_mem>>)
      %gt3A_438 = arith.constant 0 : i32
      %gt3A_439 = arith.cmpi sgt, %scan3A_331, %gt3A_438 : i32
      %convert_element_type3A_440 = arith.extui %gt3A_439 : i1 to i32
      %cond3A_441 = arith.constant 0 : i32
      %cond3A_442 = arith.cmpi ne, %convert_element_type3A_440, %cond3A_441 : i32
      scf.if %cond3A_442 {
        %dma_wait3A_571 = arith.constant 0 : i32
        %dma_wait3A_572 = arith.constant 1 : i32
        %dma_wait3A_573 = arith.constant 0 : i32
        %dma_wait3A_574 = arith.constant 0 : i32
        %dma_wait3A_575 = arith.constant 0 : i32
        %dma_wait3A_576 = tpu.memref_slice %arg7[%dma_wait3A_572, %dma_wait3A_573, %dma_wait3A_574, %dma_wait3A_575] : memref<2x8x8x131xf32, #tpu.memory_space<vmem>> -> memref<1x8x8x128xf32, #tpu.memory_space<vmem>>
        %dma_wait3A_577 = tpu.memref_squeeze %dma_wait3A_576 : memref<1x8x8x128xf32, #tpu.memory_space<vmem>> -> memref<8x8x128xf32, #tpu.memory_space<vmem>>
        %dma_wait3A_578 = arith.constant 0 : i32
        %dma_wait3A_579 = arith.constant 0 : i32
        %dma_wait3A_580 = arith.constant 0 : i32
        %dma_wait3A_581 = tpu.memref_slice %arg4[%dma_wait3A_571, %dma_wait3A_578, %add3A, %dma_wait3A_579, %dma_wait3A_580] : memref<200x8x32x8x128xf32, #tpu.memory_space<hbm>> -> memref<1x8x1x8x128xf32, #tpu.memory_space<hbm>>
        %dma_wait3A_582 = tpu.memref_squeeze %dma_wait3A_581 : memref<1x8x1x8x128xf32, #tpu.memory_space<hbm>> -> memref<8x8x128xf32, #tpu.memory_space<hbm>>
        %dma_wait3A_583 = arith.constant 0 : i32
        %dma_wait3A_584 = arith.constant 0 : i32
        %dma_wait3A_585 = arith.constant 0 : i32
        %dma_wait3A_586 = tpu.memref_slice %arg7[%dma_wait3A_572, %dma_wait3A_583, %dma_wait3A_584, %dma_wait3A_585] : memref<2x8x8x131xf32, #tpu.memory_space<vmem>> -> memref<1x8x8x128xf32, #tpu.memory_space<vmem>>
        %dma_wait3A_587 = tpu.memref_squeeze %dma_wait3A_586 : memref<1x8x8x128xf32, #tpu.memory_space<vmem>> -> memref<8x8x128xf32, #tpu.memory_space<vmem>>
        %dma_wait3A_588 = arith.constant 0 : i32
        %dma_wait3A_589 = arith.constant 0 : i32
        %dma_wait3A_590 = arith.constant 0 : i32
        %dma_wait3A_591 = tpu.memref_slice %arg4[%dma_wait3A_571, %dma_wait3A_588, %add3A, %dma_wait3A_589, %dma_wait3A_590] : memref<200x8x32x8x128xf32, #tpu.memory_space<hbm>> -> memref<1x8x1x8x128xf32, #tpu.memory_space<hbm>>
        %dma_wait3A_592 = tpu.memref_squeeze %dma_wait3A_591 : memref<1x8x1x8x128xf32, #tpu.memory_space<hbm>> -> memref<8x8x128xf32, #tpu.memory_space<hbm>>
        tpu.wait_dma2 semaphore(%arg9 : memref<!tpu.dma_semaphore, #tpu.memory_space<semaphore_mem>>) src(%dma_wait3A_592 : memref<8x8x128xf32, #tpu.memory_space<hbm>>) dst(%dma_wait3A_587 : memref<8x8x128xf32, #tpu.memory_space<vmem>>)
      } else {
      }
      %parallel_loop3A_443 = arith.constant 0 : i32
      %parallel_loop3A_444 = arith.constant 128 : i32
      %parallel_loop3A_445 = arith.constant 1 : i32
      scf.for %parallel_loop3A_571 = %parallel_loop3A_443 to %parallel_loop3A_444 step %parallel_loop3A_445  : i32 {
        %parallel_loop3A_572 = vector.broadcast %parallel_loop3A_571 : i32 to vector<16xi32>
        %parallel_loop3A_573 = arith.constant 1 : i32
        %parallel_loop3A_574 = arith.index_cast %select_n3A_347 : i32 to index
        %parallel_loop3A_575 = arith.index_cast %parallel_loop3A_573 : i32 to index
        %parallel_loop3A_576 = arith.index_cast %parallel_loop3A_571 : i32 to index
        %parallel_loop3A_577 = arith.constant 0 : index
        %parallel_loop3A_578 = tpu.vector_load %arg6[%parallel_loop3A_574, %parallel_loop3A_575, %parallel_loop3A_576, %parallel_loop3A_577] {strides = array<i32>} : memref<2x4x128x64xf32, #tpu.memory_space<vmem>>, vector<16xf32>,
        %parallel_loop3A_579 = arith.constant 1 : i32
        %parallel_loop3A_580 = arith.constant 0 : i32
        %parallel_loop3A_581 = arith.constant 0 : i32
        %parallel_loop3A_582 = arith.constant 0 : i32
        %parallel_loop3A_583 = tpu.memref_slice %arg7[%parallel_loop3A_579, %parallel_loop3A_580, %parallel_loop3A_581, %parallel_loop3A_582] : memref<2x8x8x131xf32, #tpu.memory_space<vmem>> -> memref<1x8x8x131xf32, #tpu.memory_space<vmem>>
        %parallel_loop3A_584 = tpu.memref_squeeze %parallel_loop3A_583 : memref<1x8x8x131xf32, #tpu.memory_space<vmem>> -> memref<8x8x131xf32, #tpu.memory_space<vmem>>
        tpu.vector_store_idx %parallel_loop3A_584[%select_n3A, %select_n3A_153, %parallel_loop3A_572], %parallel_loop3A_578 : memref<8x8x131xf32, #tpu.memory_space<vmem>>[vector<16xi32>, vector<16xi32>, vector<16xi32>], vector<16xf32>,
        %parallel_loop3A_585 = arith.constant 1 : i32
        %parallel_loop3A_586 = arith.index_cast %select_n3A_347 : i32 to index
        %parallel_loop3A_587 = arith.index_cast %parallel_loop3A_585 : i32 to index
        %parallel_loop3A_588 = arith.index_cast %parallel_loop3A_571 : i32 to index
        %parallel_loop3A_589 = arith.constant 16 : index
        %parallel_loop3A_590 = tpu.vector_load %arg6[%parallel_loop3A_586, %parallel_loop3A_587, %parallel_loop3A_588, %parallel_loop3A_589] {strides = array<i32>} : memref<2x4x128x64xf32, #tpu.memory_space<vmem>>, vector<16xf32>,
        %parallel_loop3A_591 = arith.constant 1 : i32
        %parallel_loop3A_592 = arith.constant 0 : i32
        %parallel_loop3A_593 = arith.constant 0 : i32
        %parallel_loop3A_594 = arith.constant 0 : i32
        %parallel_loop3A_595 = tpu.memref_slice %arg7[%parallel_loop3A_591, %parallel_loop3A_592, %parallel_loop3A_593, %parallel_loop3A_594] : memref<2x8x8x131xf32, #tpu.memory_space<vmem>> -> memref<1x8x8x131xf32, #tpu.memory_space<vmem>>
        %parallel_loop3A_596 = tpu.memref_squeeze %parallel_loop3A_595 : memref<1x8x8x131xf32, #tpu.memory_space<vmem>> -> memref<8x8x131xf32, #tpu.memory_space<vmem>>
        tpu.vector_store_idx %parallel_loop3A_596[%select_n3A_71, %select_n3A_175, %parallel_loop3A_572], %parallel_loop3A_590 : memref<8x8x131xf32, #tpu.memory_space<vmem>>[vector<16xi32>, vector<16xi32>, vector<16xi32>], vector<16xf32>,
        %parallel_loop3A_597 = arith.constant 1 : i32
        %parallel_loop3A_598 = arith.index_cast %select_n3A_347 : i32 to index
        %parallel_loop3A_599 = arith.index_cast %parallel_loop3A_597 : i32 to index
        %parallel_loop3A_600 = arith.index_cast %parallel_loop3A_571 : i32 to index
        %parallel_loop3A_601 = arith.constant 32 : index
        %parallel_loop3A_602 = tpu.vector_load %arg6[%parallel_loop3A_598, %parallel_loop3A_599, %parallel_loop3A_600, %parallel_loop3A_601] {strides = array<i32>} : memref<2x4x128x64xf32, #tpu.memory_space<vmem>>, vector<16xf32>,
        %parallel_loop3A_603 = arith.constant 1 : i32
        %parallel_loop3A_604 = arith.constant 0 : i32
        %parallel_loop3A_605 = arith.constant 0 : i32
        %parallel_loop3A_606 = arith.constant 0 : i32
        %parallel_loop3A_607 = tpu.memref_slice %arg7[%parallel_loop3A_603, %parallel_loop3A_604, %parallel_loop3A_605, %parallel_loop3A_606] : memref<2x8x8x131xf32, #tpu.memory_space<vmem>> -> memref<1x8x8x131xf32, #tpu.memory_space<vmem>>
        %parallel_loop3A_608 = tpu.memref_squeeze %parallel_loop3A_607 : memref<1x8x8x131xf32, #tpu.memory_space<vmem>> -> memref<8x8x131xf32, #tpu.memory_space<vmem>>
        tpu.vector_store_idx %parallel_loop3A_608[%select_n3A_102, %select_n3A_197, %parallel_loop3A_572], %parallel_loop3A_602 : memref<8x8x131xf32, #tpu.memory_space<vmem>>[vector<16xi32>, vector<16xi32>, vector<16xi32>], vector<16xf32>,
        %parallel_loop3A_609 = arith.constant 1 : i32
        %parallel_loop3A_610 = arith.index_cast %select_n3A_347 : i32 to index
        %parallel_loop3A_611 = arith.index_cast %parallel_loop3A_609 : i32 to index
        %parallel_loop3A_612 = arith.index_cast %parallel_loop3A_571 : i32 to index
        %parallel_loop3A_613 = arith.constant 48 : index
        %parallel_loop3A_614 = tpu.vector_load %arg6[%parallel_loop3A_610, %parallel_loop3A_611, %parallel_loop3A_612, %parallel_loop3A_613] {strides = array<i32>} : memref<2x4x128x64xf32, #tpu.memory_space<vmem>>, vector<16xf32>,
        %parallel_loop3A_615 = arith.constant 1 : i32
        %parallel_loop3A_616 = arith.constant 0 : i32
        %parallel_loop3A_617 = arith.constant 0 : i32
        %parallel_loop3A_618 = arith.constant 0 : i32
        %parallel_loop3A_619 = tpu.memref_slice %arg7[%parallel_loop3A_615, %parallel_loop3A_616, %parallel_loop3A_617, %parallel_loop3A_618] : memref<2x8x8x131xf32, #tpu.memory_space<vmem>> -> memref<1x8x8x131xf32, #tpu.memory_space<vmem>>
        %parallel_loop3A_620 = tpu.memref_squeeze %parallel_loop3A_619 : memref<1x8x8x131xf32, #tpu.memory_space<vmem>> -> memref<8x8x131xf32, #tpu.memory_space<vmem>>
        tpu.vector_store_idx %parallel_loop3A_620[%select_n3A_133, %select_n3A_219, %parallel_loop3A_572], %parallel_loop3A_614 : memref<8x8x131xf32, #tpu.memory_space<vmem>>[vector<16xi32>, vector<16xi32>, vector<16xi32>], vector<16xf32>,
      } {sc.loop_unroll_factor = 16 : i64, sc.parallel_access}
      %mul3A_446 = arith.constant 4 : i32
      %mul3A_447 = arith.muli %scan3A_331, %mul3A_446 : i32
      %add3A_448 = arith.constant 1 : i32
      %add3A_449 = arith.addi %mul3A_447, %add3A_448 : i32
      %dma_start3A_450 = arith.constant 1 : i32
      %dma_start3A_451 = arith.constant 0 : i32
      %dma_start3A_452 = arith.constant 0 : i32
      %dma_start3A_453 = arith.constant 0 : i32
      %dma_start3A_454 = tpu.memref_slice %arg7[%dma_start3A_450, %dma_start3A_451, %dma_start3A_452, %dma_start3A_453] : memref<2x8x8x131xf32, #tpu.memory_space<vmem>> -> memref<1x8x8x128xf32, #tpu.memory_space<vmem>>
      %dma_start3A_455 = tpu.memref_squeeze %dma_start3A_454 : memref<1x8x8x128xf32, #tpu.memory_space<vmem>> -> memref<8x8x128xf32, #tpu.memory_space<vmem>>
      %dma_start3A_456 = arith.constant 0 : i32
      %dma_start3A_457 = arith.constant 0 : i32
      %dma_start3A_458 = arith.constant 0 : i32
      %dma_start3A_459 = tpu.memref_slice %arg4[%add3A_449, %dma_start3A_456, %add3A, %dma_start3A_457, %dma_start3A_458] : memref<200x8x32x8x128xf32, #tpu.memory_space<hbm>> -> memref<1x8x1x8x128xf32, #tpu.memory_space<hbm>>
      %dma_start3A_460 = tpu.memref_squeeze %dma_start3A_459 : memref<1x8x1x8x128xf32, #tpu.memory_space<hbm>> -> memref<8x8x128xf32, #tpu.memory_space<hbm>>
      %dma_start3A_461 = arith.constant 0 : i32
      %dma_start3A_462 = arith.constant 0 : i32
      %dma_start3A_463 = arith.constant 0 : i32
      %dma_start3A_464 = tpu.memref_slice %arg4[%add3A_449, %dma_start3A_461, %add3A, %dma_start3A_462, %dma_start3A_463] : memref<200x8x32x8x128xf32, #tpu.memory_space<hbm>> -> memref<1x8x1x8x128xf32, #tpu.memory_space<hbm>>
      %dma_start3A_465 = tpu.memref_squeeze %dma_start3A_464 : memref<1x8x1x8x128xf32, #tpu.memory_space<hbm>> -> memref<8x8x128xf32, #tpu.memory_space<hbm>>
      %dma_start3A_466 = arith.constant 0 : i32
      %dma_start3A_467 = arith.constant 0 : i32
      %dma_start3A_468 = arith.constant 0 : i32
      %dma_start3A_469 = tpu.memref_slice %arg7[%dma_start3A_450, %dma_start3A_466, %dma_start3A_467, %dma_start3A_468] : memref<2x8x8x131xf32, #tpu.memory_space<vmem>> -> memref<1x8x8x128xf32, #tpu.memory_space<vmem>>
      %dma_start3A_470 = tpu.memref_squeeze %dma_start3A_469 : memref<1x8x8x128xf32, #tpu.memory_space<vmem>> -> memref<8x8x128xf32, #tpu.memory_space<vmem>>
      tpu.enqueue_dma source(%dma_start3A_470 : memref<8x8x128xf32, #tpu.memory_space<vmem>>) target(%dma_start3A_465 : memref<8x8x128xf32, #tpu.memory_space<hbm>>) target_semaphore(%arg9 : memref<!tpu.dma_semaphore, #tpu.memory_space<semaphore_mem>>)
      %dma_wait3A_471 = arith.constant 0 : i32
      %dma_wait3A_472 = arith.constant 0 : i32
      %dma_wait3A_473 = arith.constant 0 : i32
      %dma_wait3A_474 = arith.constant 0 : i32
      %dma_wait3A_475 = arith.constant 0 : i32
      %dma_wait3A_476 = tpu.memref_slice %arg7[%dma_wait3A_472, %dma_wait3A_473, %dma_wait3A_474, %dma_wait3A_475] : memref<2x8x8x131xf32, #tpu.memory_space<vmem>> -> memref<1x8x8x128xf32, #tpu.memory_space<vmem>>
      %dma_wait3A_477 = tpu.memref_squeeze %dma_wait3A_476 : memref<1x8x8x128xf32, #tpu.memory_space<vmem>> -> memref<8x8x128xf32, #tpu.memory_space<vmem>>
      %dma_wait3A_478 = arith.constant 0 : i32
      %dma_wait3A_479 = arith.constant 0 : i32
      %dma_wait3A_480 = arith.constant 0 : i32
      %dma_wait3A_481 = tpu.memref_slice %arg4[%dma_wait3A_471, %dma_wait3A_478, %add3A, %dma_wait3A_479, %dma_wait3A_480] : memref<200x8x32x8x128xf32, #tpu.memory_space<hbm>> -> memref<1x8x1x8x128xf32, #tpu.memory_space<hbm>>
      %dma_wait3A_482 = tpu.memref_squeeze %dma_wait3A_481 : memref<1x8x1x8x128xf32, #tpu.memory_space<hbm>> -> memref<8x8x128xf32, #tpu.memory_space<hbm>>
      %dma_wait3A_483 = arith.constant 0 : i32
      %dma_wait3A_484 = arith.constant 0 : i32
      %dma_wait3A_485 = arith.constant 0 : i32
      %dma_wait3A_486 = tpu.memref_slice %arg7[%dma_wait3A_472, %dma_wait3A_483, %dma_wait3A_484, %dma_wait3A_485] : memref<2x8x8x131xf32, #tpu.memory_space<vmem>> -> memref<1x8x8x128xf32, #tpu.memory_space<vmem>>
      %dma_wait3A_487 = tpu.memref_squeeze %dma_wait3A_486 : memref<1x8x8x128xf32, #tpu.memory_space<vmem>> -> memref<8x8x128xf32, #tpu.memory_space<vmem>>
      %dma_wait3A_488 = arith.constant 0 : i32
      %dma_wait3A_489 = arith.constant 0 : i32
      %dma_wait3A_490 = arith.constant 0 : i32
      %dma_wait3A_491 = tpu.memref_slice %arg4[%dma_wait3A_471, %dma_wait3A_488, %add3A, %dma_wait3A_489, %dma_wait3A_490] : memref<200x8x32x8x128xf32, #tpu.memory_space<hbm>> -> memref<1x8x1x8x128xf32, #tpu.memory_space<hbm>>
      %dma_wait3A_492 = tpu.memref_squeeze %dma_wait3A_491 : memref<1x8x1x8x128xf32, #tpu.memory_space<hbm>> -> memref<8x8x128xf32, #tpu.memory_space<hbm>>
      tpu.wait_dma2 semaphore(%arg9 : memref<!tpu.dma_semaphore, #tpu.memory_space<semaphore_mem>>) src(%dma_wait3A_492 : memref<8x8x128xf32, #tpu.memory_space<hbm>>) dst(%dma_wait3A_487 : memref<8x8x128xf32, #tpu.memory_space<vmem>>)
      %parallel_loop3A_493 = arith.constant 0 : i32
      %parallel_loop3A_494 = arith.constant 128 : i32
      %parallel_loop3A_495 = arith.constant 1 : i32
      scf.for %parallel_loop3A_571 = %parallel_loop3A_493 to %parallel_loop3A_494 step %parallel_loop3A_495  : i32 {
        %parallel_loop3A_572 = vector.broadcast %parallel_loop3A_571 : i32 to vector<16xi32>
        %parallel_loop3A_573 = arith.constant 2 : i32
        %parallel_loop3A_574 = arith.index_cast %select_n3A_347 : i32 to index
        %parallel_loop3A_575 = arith.index_cast %parallel_loop3A_573 : i32 to index
        %parallel_loop3A_576 = arith.index_cast %parallel_loop3A_571 : i32 to index
        %parallel_loop3A_577 = arith.constant 0 : index
        %parallel_loop3A_578 = tpu.vector_load %arg6[%parallel_loop3A_574, %parallel_loop3A_575, %parallel_loop3A_576, %parallel_loop3A_577] {strides = array<i32>} : memref<2x4x128x64xf32, #tpu.memory_space<vmem>>, vector<16xf32>,
        %parallel_loop3A_579 = arith.constant 0 : i32
        %parallel_loop3A_580 = arith.constant 0 : i32
        %parallel_loop3A_581 = arith.constant 0 : i32
        %parallel_loop3A_582 = arith.constant 0 : i32
        %parallel_loop3A_583 = tpu.memref_slice %arg7[%parallel_loop3A_579, %parallel_loop3A_580, %parallel_loop3A_581, %parallel_loop3A_582] : memref<2x8x8x131xf32, #tpu.memory_space<vmem>> -> memref<1x8x8x131xf32, #tpu.memory_space<vmem>>
        %parallel_loop3A_584 = tpu.memref_squeeze %parallel_loop3A_583 : memref<1x8x8x131xf32, #tpu.memory_space<vmem>> -> memref<8x8x131xf32, #tpu.memory_space<vmem>>
        tpu.vector_store_idx %parallel_loop3A_584[%select_n3A, %select_n3A_153, %parallel_loop3A_572], %parallel_loop3A_578 : memref<8x8x131xf32, #tpu.memory_space<vmem>>[vector<16xi32>, vector<16xi32>, vector<16xi32>], vector<16xf32>,
        %parallel_loop3A_585 = arith.constant 2 : i32
        %parallel_loop3A_586 = arith.index_cast %select_n3A_347 : i32 to index
        %parallel_loop3A_587 = arith.index_cast %parallel_loop3A_585 : i32 to index
        %parallel_loop3A_588 = arith.index_cast %parallel_loop3A_571 : i32 to index
        %parallel_loop3A_589 = arith.constant 16 : index
        %parallel_loop3A_590 = tpu.vector_load %arg6[%parallel_loop3A_586, %parallel_loop3A_587, %parallel_loop3A_588, %parallel_loop3A_589] {strides = array<i32>} : memref<2x4x128x64xf32, #tpu.memory_space<vmem>>, vector<16xf32>,
        %parallel_loop3A_591 = arith.constant 0 : i32
        %parallel_loop3A_592 = arith.constant 0 : i32
        %parallel_loop3A_593 = arith.constant 0 : i32
        %parallel_loop3A_594 = arith.constant 0 : i32
        %parallel_loop3A_595 = tpu.memref_slice %arg7[%parallel_loop3A_591, %parallel_loop3A_592, %parallel_loop3A_593, %parallel_loop3A_594] : memref<2x8x8x131xf32, #tpu.memory_space<vmem>> -> memref<1x8x8x131xf32, #tpu.memory_space<vmem>>
        %parallel_loop3A_596 = tpu.memref_squeeze %parallel_loop3A_595 : memref<1x8x8x131xf32, #tpu.memory_space<vmem>> -> memref<8x8x131xf32, #tpu.memory_space<vmem>>
        tpu.vector_store_idx %parallel_loop3A_596[%select_n3A_71, %select_n3A_175, %parallel_loop3A_572], %parallel_loop3A_590 : memref<8x8x131xf32, #tpu.memory_space<vmem>>[vector<16xi32>, vector<16xi32>, vector<16xi32>], vector<16xf32>,
        %parallel_loop3A_597 = arith.constant 2 : i32
        %parallel_loop3A_598 = arith.index_cast %select_n3A_347 : i32 to index
        %parallel_loop3A_599 = arith.index_cast %parallel_loop3A_597 : i32 to index
        %parallel_loop3A_600 = arith.index_cast %parallel_loop3A_571 : i32 to index
        %parallel_loop3A_601 = arith.constant 32 : index
        %parallel_loop3A_602 = tpu.vector_load %arg6[%parallel_loop3A_598, %parallel_loop3A_599, %parallel_loop3A_600, %parallel_loop3A_601] {strides = array<i32>} : memref<2x4x128x64xf32, #tpu.memory_space<vmem>>, vector<16xf32>,
        %parallel_loop3A_603 = arith.constant 0 : i32
        %parallel_loop3A_604 = arith.constant 0 : i32
        %parallel_loop3A_605 = arith.constant 0 : i32
        %parallel_loop3A_606 = arith.constant 0 : i32
        %parallel_loop3A_607 = tpu.memref_slice %arg7[%parallel_loop3A_603, %parallel_loop3A_604, %parallel_loop3A_605, %parallel_loop3A_606] : memref<2x8x8x131xf32, #tpu.memory_space<vmem>> -> memref<1x8x8x131xf32, #tpu.memory_space<vmem>>
        %parallel_loop3A_608 = tpu.memref_squeeze %parallel_loop3A_607 : memref<1x8x8x131xf32, #tpu.memory_space<vmem>> -> memref<8x8x131xf32, #tpu.memory_space<vmem>>
        tpu.vector_store_idx %parallel_loop3A_608[%select_n3A_102, %select_n3A_197, %parallel_loop3A_572], %parallel_loop3A_602 : memref<8x8x131xf32, #tpu.memory_space<vmem>>[vector<16xi32>, vector<16xi32>, vector<16xi32>], vector<16xf32>,
        %parallel_loop3A_609 = arith.constant 2 : i32
        %parallel_loop3A_610 = arith.index_cast %select_n3A_347 : i32 to index
        %parallel_loop3A_611 = arith.index_cast %parallel_loop3A_609 : i32 to index
        %parallel_loop3A_612 = arith.index_cast %parallel_loop3A_571 : i32 to index
        %parallel_loop3A_613 = arith.constant 48 : index
        %parallel_loop3A_614 = tpu.vector_load %arg6[%parallel_loop3A_610, %parallel_loop3A_611, %parallel_loop3A_612, %parallel_loop3A_613] {strides = array<i32>} : memref<2x4x128x64xf32, #tpu.memory_space<vmem>>, vector<16xf32>,
        %parallel_loop3A_615 = arith.constant 0 : i32
        %parallel_loop3A_616 = arith.constant 0 : i32
        %parallel_loop3A_617 = arith.constant 0 : i32
        %parallel_loop3A_618 = arith.constant 0 : i32
        %parallel_loop3A_619 = tpu.memref_slice %arg7[%parallel_loop3A_615, %parallel_loop3A_616, %parallel_loop3A_617, %parallel_loop3A_618] : memref<2x8x8x131xf32, #tpu.memory_space<vmem>> -> memref<1x8x8x131xf32, #tpu.memory_space<vmem>>
        %parallel_loop3A_620 = tpu.memref_squeeze %parallel_loop3A_619 : memref<1x8x8x131xf32, #tpu.memory_space<vmem>> -> memref<8x8x131xf32, #tpu.memory_space<vmem>>
        tpu.vector_store_idx %parallel_loop3A_620[%select_n3A_133, %select_n3A_219, %parallel_loop3A_572], %parallel_loop3A_614 : memref<8x8x131xf32, #tpu.memory_space<vmem>>[vector<16xi32>, vector<16xi32>, vector<16xi32>], vector<16xf32>,
      } {sc.loop_unroll_factor = 16 : i64, sc.parallel_access}
      %mul3A_496 = arith.constant 4 : i32
      %mul3A_497 = arith.muli %scan3A_331, %mul3A_496 : i32
      %add3A_498 = arith.constant 2 : i32
      %add3A_499 = arith.addi %mul3A_497, %add3A_498 : i32
      %dma_start3A_500 = arith.constant 0 : i32
      %dma_start3A_501 = arith.constant 0 : i32
      %dma_start3A_502 = arith.constant 0 : i32
      %dma_start3A_503 = arith.constant 0 : i32
      %dma_start3A_504 = tpu.memref_slice %arg7[%dma_start3A_500, %dma_start3A_501, %dma_start3A_502, %dma_start3A_503] : memref<2x8x8x131xf32, #tpu.memory_space<vmem>> -> memref<1x8x8x128xf32, #tpu.memory_space<vmem>>
      %dma_start3A_505 = tpu.memref_squeeze %dma_start3A_504 : memref<1x8x8x128xf32, #tpu.memory_space<vmem>> -> memref<8x8x128xf32, #tpu.memory_space<vmem>>
      %dma_start3A_506 = arith.constant 0 : i32
      %dma_start3A_507 = arith.constant 0 : i32
      %dma_start3A_508 = arith.constant 0 : i32
      %dma_start3A_509 = tpu.memref_slice %arg4[%add3A_499, %dma_start3A_506, %add3A, %dma_start3A_507, %dma_start3A_508] : memref<200x8x32x8x128xf32, #tpu.memory_space<hbm>> -> memref<1x8x1x8x128xf32, #tpu.memory_space<hbm>>
      %dma_start3A_510 = tpu.memref_squeeze %dma_start3A_509 : memref<1x8x1x8x128xf32, #tpu.memory_space<hbm>> -> memref<8x8x128xf32, #tpu.memory_space<hbm>>
      %dma_start3A_511 = arith.constant 0 : i32
      %dma_start3A_512 = arith.constant 0 : i32
      %dma_start3A_513 = arith.constant 0 : i32
      %dma_start3A_514 = tpu.memref_slice %arg4[%add3A_499, %dma_start3A_511, %add3A, %dma_start3A_512, %dma_start3A_513] : memref<200x8x32x8x128xf32, #tpu.memory_space<hbm>> -> memref<1x8x1x8x128xf32, #tpu.memory_space<hbm>>
      %dma_start3A_515 = tpu.memref_squeeze %dma_start3A_514 : memref<1x8x1x8x128xf32, #tpu.memory_space<hbm>> -> memref<8x8x128xf32, #tpu.memory_space<hbm>>
      %dma_start3A_516 = arith.constant 0 : i32
      %dma_start3A_517 = arith.constant 0 : i32
      %dma_start3A_518 = arith.constant 0 : i32
      %dma_start3A_519 = tpu.memref_slice %arg7[%dma_start3A_500, %dma_start3A_516, %dma_start3A_517, %dma_start3A_518] : memref<2x8x8x131xf32, #tpu.memory_space<vmem>> -> memref<1x8x8x128xf32, #tpu.memory_space<vmem>>
      %dma_start3A_520 = tpu.memref_squeeze %dma_start3A_519 : memref<1x8x8x128xf32, #tpu.memory_space<vmem>> -> memref<8x8x128xf32, #tpu.memory_space<vmem>>
      tpu.enqueue_dma source(%dma_start3A_520 : memref<8x8x128xf32, #tpu.memory_space<vmem>>) target(%dma_start3A_515 : memref<8x8x128xf32, #tpu.memory_space<hbm>>) target_semaphore(%arg9 : memref<!tpu.dma_semaphore, #tpu.memory_space<semaphore_mem>>)
      %dma_wait3A_521 = arith.constant 0 : i32
      %dma_wait3A_522 = arith.constant 1 : i32
      %dma_wait3A_523 = arith.constant 0 : i32
      %dma_wait3A_524 = arith.constant 0 : i32
      %dma_wait3A_525 = arith.constant 0 : i32
      %dma_wait3A_526 = tpu.memref_slice %arg7[%dma_wait3A_522, %dma_wait3A_523, %dma_wait3A_524, %dma_wait3A_525] : memref<2x8x8x131xf32, #tpu.memory_space<vmem>> -> memref<1x8x8x128xf32, #tpu.memory_space<vmem>>
      %dma_wait3A_527 = tpu.memref_squeeze %dma_wait3A_526 : memref<1x8x8x128xf32, #tpu.memory_space<vmem>> -> memref<8x8x128xf32, #tpu.memory_space<vmem>>
      %dma_wait3A_528 = arith.constant 0 : i32
      %dma_wait3A_529 = arith.constant 0 : i32
      %dma_wait3A_530 = arith.constant 0 : i32
      %dma_wait3A_531 = tpu.memref_slice %arg4[%dma_wait3A_521, %dma_wait3A_528, %add3A, %dma_wait3A_529, %dma_wait3A_530] : memref<200x8x32x8x128xf32, #tpu.memory_space<hbm>> -> memref<1x8x1x8x128xf32, #tpu.memory_space<hbm>>
      %dma_wait3A_532 = tpu.memref_squeeze %dma_wait3A_531 : memref<1x8x1x8x128xf32, #tpu.memory_space<hbm>> -> memref<8x8x128xf32, #tpu.memory_space<hbm>>
      %dma_wait3A_533 = arith.constant 0 : i32
      %dma_wait3A_534 = arith.constant 0 : i32
      %dma_wait3A_535 = arith.constant 0 : i32
      %dma_wait3A_536 = tpu.memref_slice %arg7[%dma_wait3A_522, %dma_wait3A_533, %dma_wait3A_534, %dma_wait3A_535] : memref<2x8x8x131xf32, #tpu.memory_space<vmem>> -> memref<1x8x8x128xf32, #tpu.memory_space<vmem>>
      %dma_wait3A_537 = tpu.memref_squeeze %dma_wait3A_536 : memref<1x8x8x128xf32, #tpu.memory_space<vmem>> -> memref<8x8x128xf32, #tpu.memory_space<vmem>>
      %dma_wait3A_538 = arith.constant 0 : i32
      %dma_wait3A_539 = arith.constant 0 : i32
      %dma_wait3A_540 = arith.constant 0 : i32
      %dma_wait3A_541 = tpu.memref_slice %arg4[%dma_wait3A_521, %dma_wait3A_538, %add3A, %dma_wait3A_539, %dma_wait3A_540] : memref<200x8x32x8x128xf32, #tpu.memory_space<hbm>> -> memref<1x8x1x8x128xf32, #tpu.memory_space<hbm>>
      %dma_wait3A_542 = tpu.memref_squeeze %dma_wait3A_541 : memref<1x8x1x8x128xf32, #tpu.memory_space<hbm>> -> memref<8x8x128xf32, #tpu.memory_space<hbm>>
      tpu.wait_dma2 semaphore(%arg9 : memref<!tpu.dma_semaphore, #tpu.memory_space<semaphore_mem>>) src(%dma_wait3A_542 : memref<8x8x128xf32, #tpu.memory_space<hbm>>) dst(%dma_wait3A_537 : memref<8x8x128xf32, #tpu.memory_space<vmem>>)
      %parallel_loop3A_543 = arith.constant 0 : i32
      %parallel_loop3A_544 = arith.constant 128 : i32
      %parallel_loop3A_545 = arith.constant 1 : i32
      scf.for %parallel_loop3A_571 = %parallel_loop3A_543 to %parallel_loop3A_544 step %parallel_loop3A_545  : i32 {
        %parallel_loop3A_572 = vector.broadcast %parallel_loop3A_571 : i32 to vector<16xi32>
        %parallel_loop3A_573 = arith.constant 3 : i32
        %parallel_loop3A_574 = arith.index_cast %select_n3A_347 : i32 to index
        %parallel_loop3A_575 = arith.index_cast %parallel_loop3A_573 : i32 to index
        %parallel_loop3A_576 = arith.index_cast %parallel_loop3A_571 : i32 to index
        %parallel_loop3A_577 = arith.constant 0 : index
        %parallel_loop3A_578 = tpu.vector_load %arg6[%parallel_loop3A_574, %parallel_loop3A_575, %parallel_loop3A_576, %parallel_loop3A_577] {strides = array<i32>} : memref<2x4x128x64xf32, #tpu.memory_space<vmem>>, vector<16xf32>,
        %parallel_loop3A_579 = arith.constant 1 : i32
        %parallel_loop3A_580 = arith.constant 0 : i32
        %parallel_loop3A_581 = arith.constant 0 : i32
        %parallel_loop3A_582 = arith.constant 0 : i32
        %parallel_loop3A_583 = tpu.memref_slice %arg7[%parallel_loop3A_579, %parallel_loop3A_580, %parallel_loop3A_581, %parallel_loop3A_582] : memref<2x8x8x131xf32, #tpu.memory_space<vmem>> -> memref<1x8x8x131xf32, #tpu.memory_space<vmem>>
        %parallel_loop3A_584 = tpu.memref_squeeze %parallel_loop3A_583 : memref<1x8x8x131xf32, #tpu.memory_space<vmem>> -> memref<8x8x131xf32, #tpu.memory_space<vmem>>
        tpu.vector_store_idx %parallel_loop3A_584[%select_n3A, %select_n3A_153, %parallel_loop3A_572], %parallel_loop3A_578 : memref<8x8x131xf32, #tpu.memory_space<vmem>>[vector<16xi32>, vector<16xi32>, vector<16xi32>], vector<16xf32>,
        %parallel_loop3A_585 = arith.constant 3 : i32
        %parallel_loop3A_586 = arith.index_cast %select_n3A_347 : i32 to index
        %parallel_loop3A_587 = arith.index_cast %parallel_loop3A_585 : i32 to index
        %parallel_loop3A_588 = arith.index_cast %parallel_loop3A_571 : i32 to index
        %parallel_loop3A_589 = arith.constant 16 : index
        %parallel_loop3A_590 = tpu.vector_load %arg6[%parallel_loop3A_586, %parallel_loop3A_587, %parallel_loop3A_588, %parallel_loop3A_589] {strides = array<i32>} : memref<2x4x128x64xf32, #tpu.memory_space<vmem>>, vector<16xf32>,
        %parallel_loop3A_591 = arith.constant 1 : i32
        %parallel_loop3A_592 = arith.constant 0 : i32
        %parallel_loop3A_593 = arith.constant 0 : i32
        %parallel_loop3A_594 = arith.constant 0 : i32
        %parallel_loop3A_595 = tpu.memref_slice %arg7[%parallel_loop3A_591, %parallel_loop3A_592, %parallel_loop3A_593, %parallel_loop3A_594] : memref<2x8x8x131xf32, #tpu.memory_space<vmem>> -> memref<1x8x8x131xf32, #tpu.memory_space<vmem>>
        %parallel_loop3A_596 = tpu.memref_squeeze %parallel_loop3A_595 : memref<1x8x8x131xf32, #tpu.memory_space<vmem>> -> memref<8x8x131xf32, #tpu.memory_space<vmem>>
        tpu.vector_store_idx %parallel_loop3A_596[%select_n3A_71, %select_n3A_175, %parallel_loop3A_572], %parallel_loop3A_590 : memref<8x8x131xf32, #tpu.memory_space<vmem>>[vector<16xi32>, vector<16xi32>, vector<16xi32>], vector<16xf32>,
        %parallel_loop3A_597 = arith.constant 3 : i32
        %parallel_loop3A_598 = arith.index_cast %select_n3A_347 : i32 to index
        %parallel_loop3A_599 = arith.index_cast %parallel_loop3A_597 : i32 to index
        %parallel_loop3A_600 = arith.index_cast %parallel_loop3A_571 : i32 to index
        %parallel_loop3A_601 = arith.constant 32 : index
        %parallel_loop3A_602 = tpu.vector_load %arg6[%parallel_loop3A_598, %parallel_loop3A_599, %parallel_loop3A_600, %parallel_loop3A_601] {strides = array<i32>} : memref<2x4x128x64xf32, #tpu.memory_space<vmem>>, vector<16xf32>,
        %parallel_loop3A_603 = arith.constant 1 : i32
        %parallel_loop3A_604 = arith.constant 0 : i32
        %parallel_loop3A_605 = arith.constant 0 : i32
        %parallel_loop3A_606 = arith.constant 0 : i32
        %parallel_loop3A_607 = tpu.memref_slice %arg7[%parallel_loop3A_603, %parallel_loop3A_604, %parallel_loop3A_605, %parallel_loop3A_606] : memref<2x8x8x131xf32, #tpu.memory_space<vmem>> -> memref<1x8x8x131xf32, #tpu.memory_space<vmem>>
        %parallel_loop3A_608 = tpu.memref_squeeze %parallel_loop3A_607 : memref<1x8x8x131xf32, #tpu.memory_space<vmem>> -> memref<8x8x131xf32, #tpu.memory_space<vmem>>
        tpu.vector_store_idx %parallel_loop3A_608[%select_n3A_102, %select_n3A_197, %parallel_loop3A_572], %parallel_loop3A_602 : memref<8x8x131xf32, #tpu.memory_space<vmem>>[vector<16xi32>, vector<16xi32>, vector<16xi32>], vector<16xf32>,
        %parallel_loop3A_609 = arith.constant 3 : i32
        %parallel_loop3A_610 = arith.index_cast %select_n3A_347 : i32 to index
        %parallel_loop3A_611 = arith.index_cast %parallel_loop3A_609 : i32 to index
        %parallel_loop3A_612 = arith.index_cast %parallel_loop3A_571 : i32 to index
        %parallel_loop3A_613 = arith.constant 48 : index
        %parallel_loop3A_614 = tpu.vector_load %arg6[%parallel_loop3A_610, %parallel_loop3A_611, %parallel_loop3A_612, %parallel_loop3A_613] {strides = array<i32>} : memref<2x4x128x64xf32, #tpu.memory_space<vmem>>, vector<16xf32>,
        %parallel_loop3A_615 = arith.constant 1 : i32
        %parallel_loop3A_616 = arith.constant 0 : i32
        %parallel_loop3A_617 = arith.constant 0 : i32
        %parallel_loop3A_618 = arith.constant 0 : i32
        %parallel_loop3A_619 = tpu.memref_slice %arg7[%parallel_loop3A_615, %parallel_loop3A_616, %parallel_loop3A_617, %parallel_loop3A_618] : memref<2x8x8x131xf32, #tpu.memory_space<vmem>> -> memref<1x8x8x131xf32, #tpu.memory_space<vmem>>
        %parallel_loop3A_620 = tpu.memref_squeeze %parallel_loop3A_619 : memref<1x8x8x131xf32, #tpu.memory_space<vmem>> -> memref<8x8x131xf32, #tpu.memory_space<vmem>>
        tpu.vector_store_idx %parallel_loop3A_620[%select_n3A_133, %select_n3A_219, %parallel_loop3A_572], %parallel_loop3A_614 : memref<8x8x131xf32, #tpu.memory_space<vmem>>[vector<16xi32>, vector<16xi32>, vector<16xi32>], vector<16xf32>,
      } {sc.loop_unroll_factor = 16 : i64, sc.parallel_access}
      %mul3A_546 = arith.constant 4 : i32
      %mul3A_547 = arith.muli %scan3A_331, %mul3A_546 : i32
      %add3A_548 = arith.constant 3 : i32
      %add3A_549 = arith.addi %mul3A_547, %add3A_548 : i32
      %dma_start3A_550 = arith.constant 1 : i32
      %dma_start3A_551 = arith.constant 0 : i32
      %dma_start3A_552 = arith.constant 0 : i32
      %dma_start3A_553 = arith.constant 0 : i32
      %dma_start3A_554 = tpu.memref_slice %arg7[%dma_start3A_550, %dma_start3A_551, %dma_start3A_552, %dma_start3A_553] : memref<2x8x8x131xf32, #tpu.memory_space<vmem>> -> memref<1x8x8x128xf32, #tpu.memory_space<vmem>>
      %dma_start3A_555 = tpu.memref_squeeze %dma_start3A_554 : memref<1x8x8x128xf32, #tpu.memory_space<vmem>> -> memref<8x8x128xf32, #tpu.memory_space<vmem>>
      %dma_start3A_556 = arith.constant 0 : i32
      %dma_start3A_557 = arith.constant 0 : i32
      %dma_start3A_558 = arith.constant 0 : i32
      %dma_start3A_559 = tpu.memref_slice %arg4[%add3A_549, %dma_start3A_556, %add3A, %dma_start3A_557, %dma_start3A_558] : memref<200x8x32x8x128xf32, #tpu.memory_space<hbm>> -> memref<1x8x1x8x128xf32, #tpu.memory_space<hbm>>
      %dma_start3A_560 = tpu.memref_squeeze %dma_start3A_559 : memref<1x8x1x8x128xf32, #tpu.memory_space<hbm>> -> memref<8x8x128xf32, #tpu.memory_space<hbm>>
      %dma_start3A_561 = arith.constant 0 : i32
      %dma_start3A_562 = arith.constant 0 : i32
      %dma_start3A_563 = arith.constant 0 : i32
      %dma_start3A_564 = tpu.memref_slice %arg4[%add3A_549, %dma_start3A_561, %add3A, %dma_start3A_562, %dma_start3A_563] : memref<200x8x32x8x128xf32, #tpu.memory_space<hbm>> -> memref<1x8x1x8x128xf32, #tpu.memory_space<hbm>>
      %dma_start3A_565 = tpu.memref_squeeze %dma_start3A_564 : memref<1x8x1x8x128xf32, #tpu.memory_space<hbm>> -> memref<8x8x128xf32, #tpu.memory_space<hbm>>
      %dma_start3A_566 = arith.constant 0 : i32
      %dma_start3A_567 = arith.constant 0 : i32
      %dma_start3A_568 = arith.constant 0 : i32
      %dma_start3A_569 = tpu.memref_slice %arg7[%dma_start3A_550, %dma_start3A_566, %dma_start3A_567, %dma_start3A_568] : memref<2x8x8x131xf32, #tpu.memory_space<vmem>> -> memref<1x8x8x128xf32, #tpu.memory_space<vmem>>
      %dma_start3A_570 = tpu.memref_squeeze %dma_start3A_569 : memref<1x8x8x128xf32, #tpu.memory_space<vmem>> -> memref<8x8x128xf32, #tpu.memory_space<vmem>>
      tpu.enqueue_dma source(%dma_start3A_570 : memref<8x8x128xf32, #tpu.memory_space<vmem>>) target(%dma_start3A_565 : memref<8x8x128xf32, #tpu.memory_space<hbm>>) target_semaphore(%arg9 : memref<!tpu.dma_semaphore, #tpu.memory_space<semaphore_mem>>)
    }
    %scan3A_287 = arith.constant 50 : i32
    %dma_wait3A = arith.constant 0 : i32
    %dma_wait3A_288 = arith.constant 0 : i32
    %dma_wait3A_289 = arith.constant 0 : i32
    %dma_wait3A_290 = arith.constant 0 : i32
    %dma_wait3A_291 = arith.constant 0 : i32
    %dma_wait3A_292 = tpu.memref_slice %arg7[%dma_wait3A_288, %dma_wait3A_289, %dma_wait3A_290, %dma_wait3A_291] : memref<2x8x8x131xf32, #tpu.memory_space<vmem>> -> memref<1x8x8x128xf32, #tpu.memory_space<vmem>>
    %dma_wait3A_293 = tpu.memref_squeeze %dma_wait3A_292 : memref<1x8x8x128xf32, #tpu.memory_space<vmem>> -> memref<8x8x128xf32, #tpu.memory_space<vmem>>
    %dma_wait3A_294 = arith.constant 0 : i32
    %dma_wait3A_295 = arith.constant 0 : i32
    %dma_wait3A_296 = arith.constant 0 : i32
    %dma_wait3A_297 = tpu.memref_slice %arg4[%dma_wait3A, %dma_wait3A_294, %add3A, %dma_wait3A_295, %dma_wait3A_296] : memref<200x8x32x8x128xf32, #tpu.memory_space<hbm>> -> memref<1x8x1x8x128xf32, #tpu.memory_space<hbm>>
    %dma_wait3A_298 = tpu.memref_squeeze %dma_wait3A_297 : memref<1x8x1x8x128xf32, #tpu.memory_space<hbm>> -> memref<8x8x128xf32, #tpu.memory_space<hbm>>
    %dma_wait3A_299 = arith.constant 0 : i32
    %dma_wait3A_300 = arith.constant 0 : i32
    %dma_wait3A_301 = arith.constant 0 : i32
    %dma_wait3A_302 = tpu.memref_slice %arg7[%dma_wait3A_288, %dma_wait3A_299, %dma_wait3A_300, %dma_wait3A_301] : memref<2x8x8x131xf32, #tpu.memory_space<vmem>> -> memref<1x8x8x128xf32, #tpu.memory_space<vmem>>
    %dma_wait3A_303 = tpu.memref_squeeze %dma_wait3A_302 : memref<1x8x8x128xf32, #tpu.memory_space<vmem>> -> memref<8x8x128xf32, #tpu.memory_space<vmem>>
    %dma_wait3A_304 = arith.constant 0 : i32
    %dma_wait3A_305 = arith.constant 0 : i32
    %dma_wait3A_306 = arith.constant 0 : i32
    %dma_wait3A_307 = tpu.memref_slice %arg4[%dma_wait3A, %dma_wait3A_304, %add3A, %dma_wait3A_305, %dma_wait3A_306] : memref<200x8x32x8x128xf32, #tpu.memory_space<hbm>> -> memref<1x8x1x8x128xf32, #tpu.memory_space<hbm>>
    %dma_wait3A_308 = tpu.memref_squeeze %dma_wait3A_307 : memref<1x8x1x8x128xf32, #tpu.memory_space<hbm>> -> memref<8x8x128xf32, #tpu.memory_space<hbm>>
    tpu.wait_dma2 semaphore(%arg9 : memref<!tpu.dma_semaphore, #tpu.memory_space<semaphore_mem>>) src(%dma_wait3A_308 : memref<8x8x128xf32, #tpu.memory_space<hbm>>) dst(%dma_wait3A_303 : memref<8x8x128xf32, #tpu.memory_space<vmem>>)
    %dma_wait3A_309 = arith.constant 0 : i32
    %dma_wait3A_310 = arith.constant 1 : i32
    %dma_wait3A_311 = arith.constant 0 : i32
    %dma_wait3A_312 = arith.constant 0 : i32
    %dma_wait3A_313 = arith.constant 0 : i32
    %dma_wait3A_314 = tpu.memref_slice %arg7[%dma_wait3A_310, %dma_wait3A_311, %dma_wait3A_312, %dma_wait3A_313] : memref<2x8x8x131xf32, #tpu.memory_space<vmem>> -> memref<1x8x8x128xf32, #tpu.memory_space<vmem>>
    %dma_wait3A_315 = tpu.memref_squeeze %dma_wait3A_314 : memref<1x8x8x128xf32, #tpu.memory_space<vmem>> -> memref<8x8x128xf32, #tpu.memory_space<vmem>>
    %dma_wait3A_316 = arith.constant 0 : i32
    %dma_wait3A_317 = arith.constant 0 : i32
    %dma_wait3A_318 = arith.constant 0 : i32
    %dma_wait3A_319 = tpu.memref_slice %arg4[%dma_wait3A_309, %dma_wait3A_316, %add3A, %dma_wait3A_317, %dma_wait3A_318] : memref<200x8x32x8x128xf32, #tpu.memory_space<hbm>> -> memref<1x8x1x8x128xf32, #tpu.memory_space<hbm>>
    %dma_wait3A_320 = tpu.memref_squeeze %dma_wait3A_319 : memref<1x8x1x8x128xf32, #tpu.memory_space<hbm>> -> memref<8x8x128xf32, #tpu.memory_space<hbm>>
    %dma_wait3A_321 = arith.constant 0 : i32
    %dma_wait3A_322 = arith.constant 0 : i32
    %dma_wait3A_323 = arith.constant 0 : i32
    %dma_wait3A_324 = tpu.memref_slice %arg7[%dma_wait3A_310, %dma_wait3A_321, %dma_wait3A_322, %dma_wait3A_323] : memref<2x8x8x131xf32, #tpu.memory_space<vmem>> -> memref<1x8x8x128xf32, #tpu.memory_space<vmem>>
    %dma_wait3A_325 = tpu.memref_squeeze %dma_wait3A_324 : memref<1x8x8x128xf32, #tpu.memory_space<vmem>> -> memref<8x8x128xf32, #tpu.memory_space<vmem>>
    %dma_wait3A_326 = arith.constant 0 : i32
    %dma_wait3A_327 = arith.constant 0 : i32
    %dma_wait3A_328 = arith.constant 0 : i32
    %dma_wait3A_329 = tpu.memref_slice %arg4[%dma_wait3A_309, %dma_wait3A_326, %add3A, %dma_wait3A_327, %dma_wait3A_328] : memref<200x8x32x8x128xf32, #tpu.memory_space<hbm>> -> memref<1x8x1x8x128xf32, #tpu.memory_space<hbm>>
    %dma_wait3A_330 = tpu.memref_squeeze %dma_wait3A_329 : memref<1x8x1x8x128xf32, #tpu.memory_space<hbm>> -> memref<8x8x128xf32, #tpu.memory_space<hbm>>
    tpu.wait_dma2 semaphore(%arg9 : memref<!tpu.dma_semaphore, #tpu.memory_space<semaphore_mem>>) src(%dma_wait3A_330 : memref<8x8x128xf32, #tpu.memory_space<hbm>>) dst(%dma_wait3A_325 : memref<8x8x128xf32, #tpu.memory_space<vmem>>)
    return
  }
}

</mosaic_0001>

<sc_bundles>
// kernel: kernel.3.cloned.1.call-start
scs
__scs_entry_jumppad:
0x0: {  	(pc) =	sbr.rel $0x88, $3  }
0x1: {  	(tag) =	ssettag $0x0;
	lr =	simm.s32 $0x1  }
0x2: {  	[smem:$0x3F9F] =	sst lr;
	_ =	strace $0xD0000000  }
0x3: {  	_ = 	snop  }
0x4: {  	_ = 	snop  }
0x5: {  	_ = 	snop  }
0x6: {  	_ = 	snop  }
0x7: {  	_ = 	snop  }
__scs_overlays_trampoline_lowered:
0x8: {  	[smem:$0x3FAE] =	sst s0  }
0x9: {  	[smem:$0x3FAF] =	sst s1  }
0xa: {  	[smem:$0x3FB0] =	sst s2  }
0xb: {  	[smem:$0x3FB1] =	sst s3  }
0xc: {  	[smem:$0x3FB2] =	sst s4  }
0xd: {  	[smem:$0x3FB3] =	sst s5  }
0xe: {  	[smem:$0x3FB4] =	sst s6  }
0xf: {  	[smem:$0x3FB5] =	sst s7  }
0x10: {  	[smem:$0x3FB6] =	sst s8  }
0x11: {  	[smem:$0x3FB7] =	sst s9;
	s0 =	simm.s32 @!p0 $0x0  }
0x12: {  	s1 =	sld [smem:$0x3F9D];
	s0 =	simm.s32 @p0 $0x1  }
0x13: {  	[smem:$0x3FB8] =	sst s0;
	s0 =	simm.s32 @!p1 $0x0  }
0x14: {  	s2 =	sld [smem:$0x3F9C];
	s0 =	simm.s32 @p1 $0x1  }
0x15: {  	[smem:$0x3FB9] =	sst s0;
	s0 =	simm.s32 @!p2 $0x0  }
0x16: {  	s3 =	sld [smem:$0x3FDB];
	s0 =	simm.s32 @p2 $0x1  }
0x17: {  	s4 =	simm.s32 $0x1BF5;
	[smem:$0x3FBB] =	sst s0  }
0x18: {  	s0 =	sld [smem:$0x3F9E];
	_ =	swait.ge [sflag:s4], $0x0  }
0x19: {  	s7 =	sld [smem:$0x3F9F]  }
0x1a: {  	s8 =	sadd.s32 $0xFFFFE003, lr  }
0x1b: {  	s9 =	sadd.s32 $0xFFFFFEF7, lr;
	s5 =	simm.s32 $0xFFFFFFFF;
	p2 =	slt.u32 s8, $0xFFFFF086  }
0x1c: {  	p1 =	slt.u32 s9, $0xF7A;
	s5 =	simm.s32 @!p2 $0x0  }
0x1d: {  	s5 =	simm.s32 @p1 $0x1;
	p0 =	seq.s32 s7, s2  }
0x1e: {  	s7 =	smul.u32 @!p0 $0xF7A, s2;
	p2 =	seq.s32 @!p0 s5, $0x0  }
0x1f: {  	s9 =	smul.u32 $0xF7A, s1;
	s8 =	simm.s32 @!p0 $0x1BF5;
	p2 =	por !p2, p0  }
0x20: {  	[sflag:s8] =	ssyncset.s32 @!p0 $0xFFFFF086;
	s6 =	sadd.s32 @!p0 s3, s7;
	s7 =	simm.s32 @!p0 $0x108  }
0x21: {  	s3 =	sadd.s32 s3, s9;
	s6 =	sadd.s32 @!p0 $0x88, s6;
	s7 =	simm.s32 @p2 $0x1082  }
0x22: {  	[simem:s7], [sflag:s8] =	dma.local @!p0 [hbm:s6], $0xF7A  }
0x23: {  	s9 =	sor.u32 $0xD0000000, s2;
	s6 =	simm.s32 $0x108;
	_ =	swait.ge @!p0 [sflag:s8], $0x0  }
0x24: {  	s3 =	sadd.s32 $0x88, s3;
	s6 =	simm.s32 @!p1 $0x1082;
	[sflag:s4] =	ssyncset.s32 $0xFFFFF086  }
0x25: {  	[simem:s6], [sflag:s4] =	dma.local [hbm:s3], $0xF7A  }
0x26: {  	[smem:$0x3F9F] =	sst s1;
	(tag) =	ssettag s2;
	_ =	strace s9  }
0x27: {  	s1 =	sld [smem:$0x3FAF]  }
0x28: {  	s2 =	sld [smem:$0x3FB0]  }
0x29: {  	s4 =	sld [smem:$0x3FB2]  }
0x2a: {  	p0 =	seq.s32 s5, $0x0;
	s5 =	sld [smem:$0x3FB3]  }
0x2b: {  	s6 =	sld [smem:$0x3FB4]  }
0x2c: {  	s7 =	sld [smem:$0x3FB5]  }
0x2d: {  	s3 =	simm.s32 $0x108;
	s8 =	sld [smem:$0x3FB6]  }
0x2e: {  	s3 =	simm.s32 @!p0 $0x1082;
	s9 =	sld [smem:$0x3FB7]  }
0x2f: {  	lr =	sadd.s32 s0, s3;
	s0 =	sld [smem:$0x3FAE]  }
0x30: {  	s3 =	sld [smem:$0x3FB1]  }
0x31: {  	[smem:$0x3FBA] =	sst s10  }
0x32: {  	s10 =	sld [smem:$0x3FB8];
	_ =	sdelay $0x3  }
0x33: {  	p0 =	seq.s32 s10, $0x1;
	s10 =	sld [smem:$0x3FBA];
	_ =	sdelay $0x3  }
0x34: {  	[smem:$0x3FBA] =	sst s10  }
0x35: {  	s10 =	sld [smem:$0x3FB9];
	_ =	sdelay $0x3  }
0x36: {  	p1 =	seq.s32 s10, $0x1;
	s10 =	sld [smem:$0x3FBA];
	_ =	sdelay $0x3  }
0x37: {  	[smem:$0x3FBA] =	sst s10  }
0x38: {  	s10 =	sld [smem:$0x3FBB]  }
0x39: {  	_ = 	snop;
	(pc) =	sbr.ind lr, $3  }
0x3a: {  	_ = 	snop  }
0x3b: {  	_ = 	snop  }
0x3c: {  	p2 =	seq.s32 s10, $0x1;
	s10 =	sld [smem:$0x3FBA]  }
0x3d: {  	_ =	shalt  }
0x3e: {  	_ =	shalt  }
0x3f: {  	_ =	shalt  }
0x40: {  	_ =	shalt  }
0x41: {  	_ =	shalt  }
0x42: {  	_ =	shalt  }
0x43: {  	_ =	shalt  }
0x44: {  	_ =	shalt  }
0x45: {  	_ =	shalt  }
0x46: {  	_ =	shalt  }
0x47: {  	_ =	shalt  }
0x48: {  	_ =	shalt  }
0x49: {  	_ =	shalt  }
0x4a: {  	_ =	shalt  }
0x4b: {  	_ =	shalt  }
0x4c: {  	_ =	shalt  }
0x4d: {  	_ =	shalt  }
0x4e: {  	_ =	shalt  }
0x4f: {  	_ =	shalt  }
0x50: {  	_ =	shalt  }
0x51: {  	_ =	shalt  }
0x52: {  	_ =	shalt  }
0x53: {  	_ =	shalt  }
0x54: {  	_ =	shalt  }
0x55: {  	_ =	shalt  }
0x56: {  	_ =	shalt  }
0x57: {  	_ =	shalt  }
0x58: {  	_ =	shalt  }
0x59: {  	_ =	shalt  }
0x5a: {  	_ =	shalt  }
0x5b: {  	_ =	shalt  }
0x5c: {  	_ =	shalt  }
0x5d: {  	_ =	shalt  }
0x5e: {  	_ =	shalt  }
0x5f: {  	_ =	shalt  }
0x60: {  	_ =	shalt  }
0x61: {  	_ =	shalt  }
0x62: {  	_ =	shalt  }
0x63: {  	_ =	shalt  }
0x64: {  	_ =	shalt  }
0x65: {  	_ =	shalt  }
0x66: {  	_ =	shalt  }
0x67: {  	_ =	shalt  }
0x68: {  	_ =	shalt  }
0x69: {  	_ =	shalt  }
0x6a: {  	_ =	shalt  }
0x6b: {  	_ =	shalt  }
0x6c: {  	_ =	shalt  }
0x6d: {  	_ =	shalt  }
0x6e: {  	_ =	shalt  }
0x6f: {  	_ =	shalt  }
0x70: {  	_ =	shalt  }
0x71: {  	_ =	shalt  }
0x72: {  	_ =	shalt  }
0x73: {  	_ =	shalt  }
0x74: {  	_ =	shalt  }
0x75: {  	_ =	shalt  }
0x76: {  	_ =	shalt  }
0x77: {  	_ =	shalt  }
0x78: {  	_ =	shalt  }
0x79: {  	_ =	shalt  }
0x7a: {  	_ =	shalt  }
0x7b: {  	_ =	shalt  }
0x7c: {  	_ =	shalt  }
0x7d: {  	_ =	shalt  }
0x7e: {  	_ =	shalt  }
0x7f: {  	_ =	shalt  }
0x80: {  	_ =	shalt  }
0x81: {  	_ =	shalt  }
0x82: {  	_ =	shalt  }
0x83: {  	_ =	shalt  }
0x84: {  	_ =	shalt  }
0x85: {  	_ =	shalt  }
0x86: {  	_ =	shalt  }
0x87: {  	_ =	shalt  }
.Lfunc_end0:
.L_simem_size_0:
called_computation_lowered:
.L_overlay_start_0:
0x88: {  	s2 =	sld [smem:$0x3FD9]  }
0x89: {  	s3 =	sld [smem:$0x3FFE];
	_ =	sdelay $0x1  }
0x8a: {  	s1 =	srdreg.scid  }
0x8b: {  	s0 =	sand.u32 $0x1, s1  }
0x8c: {  	s14 =	sshll.u32 s0, $0xA;
	s2 =	sadd.s32 s3, s2  }
0x8d: {  	s2 =	sadd.s32 s2, s14  }
0x8e: {  	[smem:$0x3FC6] =	sst s2  }
0x8f: {  	_ = 	snop  }
0x90: {  	s2 =	sld [smem:$0x3FD0];
	_ =	sdelay $0x2  }
0x91: {  	s15 =	simm.s32 $0xA;
	s4 =	simm.s32 $0x10  }
0x92: {  	[smem:s4], [sflag:s15] =	dma.local [hbm:s2], $0x1  }
0x93: {  	_ =	swait.eq [sflag:s15], $0x1  }
0x94: {  	[sflag:s15] =	ssyncset.done $0x0  }
0x95: {  	s16 =	sld [smem:$0x10];
	[sflag:s15] =	ssyncadd.s32 $0xFFFFFFFF  }
0x96: {  	s17 =	sld [smem:$0x11];
	(tm) =	ssettm $0x1  }
0x97: {  	s18 =	sld [smem:$0x3FFB];
	_ =	sdelay $0x3  }
0x98: {  	_ =	strace s18  }
0x99: {  	s4 =	sld [smem:$0x3FFC];
	_ =	sdelay $0x3  }
0x9a: {  	_ =	strace s4  }
0x9b: {  	s4 =	sld [smem:$0x3FFD];
	_ =	sdelay $0x3  }
0x9c: {  	_ =	strace s4  }
0x9d: {  	_ =	strace $0x8FFFFFFF  }
0x9e: {  	s19 =	sld [smem:$0x3FDB];
	_ =	sdelay $0x1  }
0x9f: {  	s5 =	simm.s32 $_scs_section_size  }
0xa0: {  	s6 =	simm.s32 $_size__tile_overlayer_lowered;
	s7 =	simm.s32 $_tile_overlayer_lowered  }
0xa1: {  	s22 =	simm.s32 $0x1BFF;
	s21 =	sshll.u32 s7, $0x1;
	s4 =	sadd.s32 s5, s19  }
0xa2: {  	s8 =	simm.s32 $0x0;
	s20 =	sshll.u32 s6, $0x1;
	s6 =	sadd.s32 s21, s4  }
0xa3: {  	[timem:s8], [sflag:s22] =	dma.local [hbm:s6], s20  }
0xa4: {  	_ =	swait.ge [sflag:s22], s20  }
0xa5: {  	s5 =	ssub.s32 $0x0, s20;
	[sflag:s22] =	ssyncset.done $0x0  }
0xa6: {  	[sflag:s22] =	ssyncadd.s32 s5;
	_ =	sdelay $0x1  }
0xa7: {  	s23 =	simm.s32 $0x1B8B  }
0xa8: {  	_ =	swait.ge [sflag:s23], $0x1  }
0xa9: {  	[sflag:s23] =	ssyncset.done $0x0  }
0xaa: {  	s25 =	simm.s32 $0x1B8E;
	s24 =	sld [smem:$0x3FFE];
	[sflag:s23] =	ssyncadd.s32 $0xFFFFFFFF  }
0xab: {  	s26 =	simm.s32 $execute0_lowered;
	[smem:$0x3FD2] =	sst s25  }
0xac: {  	s6 =	sshll.u32 s26, $0x1;
	_ =	strace $0x80000046;
	[dreg:$0x1] =	wrdreg $0xFFFFFFFF  }
0xad: {  	s28 =	simm.s32 $_size_execute0_lowered;
	s4 =	sadd.s32 s4, s6;
	[dreg:$0x0] =	wrdreg $0x0  }
0xae: {  	s6 =	sshll.u32 s28, $0x1;
	[dreg:$0x2] =	wrdreg s4  }
0xaf: {  	[dreg:$0x3] =	wrdreg s6  }
0xb0: {  	[dreg:$0x4] =	wrdreg $0xC0  }
0xb1: {  	_ =	task [dreg:s8], $0x5FFFF  }
0xb2: {  	[dreg:$0x1] =	wrdreg $0xFFFFFFFF  }
0xb3: {  	[dreg:$0x0] =	wrdreg $0x60  }
0xb4: {  	[dreg:$0x2] =	wrdreg s16  }
0xb5: {  	[dreg:$0x3] =	wrdreg s24  }
0xb6: {  	[dreg:$0x4] =	wrdreg s17  }
0xb7: {  	[dreg:$0x5] =	wrdreg $0x9  }
0xb8: {  	_ =	task.clear_ibuf [dreg:s8], $0x6FFFF;
	_ =	strace $0x90000046  }
0xb9: {  	s29 =	simm.s32 $0x9;
	_ =	strace $0x80000048  }
0xba: {  	_ =	swait.ge [sflag:s29], $0x1  }
0xbb: {  	[sflag:s29] =	ssyncadd.s32 $0xFFFFFFFF  }
0xbc: {  	_ =	strace $0x90000048  }
0xbd: {  	_ =	sfence  }
0xbe: {  	s30 =	sld [smem:$0x0];
	_ =	sdelay $0x2  }
0xbf: {  	s31 =	sshll.u32 s1, $0xD;
	s1 =	sshrl.u32 s1, $0x2  }
0xc0: {  	s3 =	sand.u32 $0x4000, s31;
	s1 =	sadd.s32 s1, s30  }
0xc1: {  	s0 =	sor.u32 s3, s0;
	s1 =	sshll.u32 s1, $0x11  }
0xc2: {  	s0 =	sor.u32 s1, s0  }
0xc3: {  	s0 =	sadd.s32 $0x8F2B, s0  }
0xc4: {  	[sflag:s0] =	ssyncadd.remote.s32 $0x1  }
0xc5: {  	_ =	sfence.sel $0xFFFF  }
0xc6: {  	[dreg:$0x0] =	wrdreg $0xFFFFFFFF;
	(pc) =	sbr.abs _section_cstart, $3  }
0xc7: {  	[dreg:$0x1] =	wrdreg $0xFFFFFFFF  }
0xc8: {  	_ =	task.clear_ibuf [dreg:s8], $0x2FFFF;
	_ =	strace $0x9FFFFFFF  }
0xc9: {  	(tm) =	ssettm $0x7FFFFFFF  }
tec
execute0_lowered:
.L_overlay_start_1:
0x0: {  	(tag) =	ssettag $0x1  }
0x1: {  	v0 =	vlaneseq.u32  }
0x2: {  	v24 =	vmul.u32 $0x88, v0  }
0x3: {  	s0 =	rddreg [dreg:$0x0]  }
0x4: {  	s2 =	rddreg [dreg:$0x1];
	s3 =	simm.s32 $0x0;
	v0 =	vadd.s32 $0x880, v24  }
0x5: {  	[smem:$0x7FF] =	sst s3;
	[tilespmem:$0x1FE00] =	vst v0;
	v0 =	vadd.s32 $0x1985, v24  }
0x6: {  	s1 =	rddreg [dreg:$0x2];
	_ =	strace $0x80000047;
	[tilespmem:$0x1FE10] =	vst v0  }
0x7: {  	v30 =	vadd.s32 $0x1100, v24;
	[tilespmem:$0x1FE30] =	vst v24  }
0x8: {  	v3 =	vadd.s32 $0x1980, v24;
	[tilespmem:$0x1FE40] =	vst v30  }
0x9: {  	v32 =	vor.u32 $0x1, v24;
	[tilespmem:$0x1FE50] =	vst v3  }
0xa: {  	v14 =	vadd.s32 $0x881, v24;
	[tilespmem:$0x1FE60] =	vst v32  }
0xb: {  	v20 =	vadd.s32 $0x1101, v24;
	[tilespmem:$0x1FE70] =	vst v14  }
0xc: {  	v5 =	vadd.s32 $0x1981, v24;
	[tilespmem:$0x1FE80] =	vst v20  }
0xd: {  	v10 =	vor.u32 $0x2, v24;
	[tilespmem:$0x1FE90] =	vst v5  }
0xe: {  	v12 =	vadd.s32 $0x882, v24;
	[tilespmem:$0x1FEA0] =	vst v10  }
0xf: {  	v15 =	vadd.s32 $0x1102, v24;
	[tilespmem:$0x1FEB0] =	vst v12  }
0x10: {  	v4 =	vadd.s32 $0x1982, v24;
	[tilespmem:$0x1FEC0] =	vst v15  }
0x11: {  	v18 =	vor.u32 $0x3, v24;
	[tilespmem:$0x1FED0] =	vst v4  }
0x12: {  	v16 =	vadd.s32 $0x883, v24;
	[tilespmem:$0x1FEE0] =	vst v18  }
0x13: {  	v19 =	vadd.s32 $0x1103, v24;
	[tilespmem:$0x1FEF0] =	vst v16  }
0x14: {  	v6 =	vadd.s32 $0x1983, v24;
	[tilespmem:$0x1FF00] =	vst v19  }
0x15: {  	v22 =	vor.u32 $0x4, v24;
	[tilespmem:$0x1FF10] =	vst v6  }
0x16: {  	v29 =	vadd.s32 $0x884, v24;
	[tilespmem:$0x1FF20] =	vst v22  }
0x17: {  	v26 =	vadd.s32 $0x1104, v24;
	[tilespmem:$0x1FF30] =	vst v29  }
0x18: {  	v7 =	vadd.s32 $0x1984, v24;
	[tilespmem:$0x1FF40] =	vst v26  }
0x19: {  	v25 =	vor.u32 $0x5, v24;
	[tilespmem:$0x1FF50] =	vst v7  }
0x1a: {  	v8 =	vadd.s32 $0x885, v24;
	[tilespmem:$0x1FF60] =	vst v25  }
0x1b: {  	v63 =	vadd.s32 $0x1105, v24;
	[tilespmem:$0x1FF70] =	vst v8  }
0x1c: {  	s4 =	srdreg.scid;
	s5 =	stileid.u32;
	s11 =	simm.s32 $0x80;
	v21 =	vadd.s32 $0x1107, v24;
	[tilespmem:$0x1FF80] =	vst v63  }
0x1d: {  	s13 =	simm.s32 $0x4;
	s15 =	simm.s32 $0x8400;
	s16 =	simm.s32 $0x100;
	v23 =	vadd.s32 $0x887, v24;
	[tilespmem:$0x1FFA0] =	vst v21  }
0x1e: {  	s17 =	simm.s32 $0xA400;
	s18 =	simm.s32 $0x180;
	s19 =	simm.s32 $0xC400;
	v27 =	vadd.s32 $0x1987, v24;
	[tilespmem:$0x1FFB0] =	vst v23  }
0x1f: {  	s20 =	simm.s32 $0x16400;
	s21 =	simm.s32 $0x18600;
	s22 =	simm.s32 $0x3;
	v11 =	vadd.s32 $0x886, v24;
	[tilespmem:$0x1FFC0] =	vst v27  }
0x20: {  	s23 =	simm.s32 $0x0;
	s4 =	sand.u32 $0x1, s4;
	s5 =	sshll.u32 s5, $0x1;
	v13 =	vor.u32 $0x6, v24;
	[tilespmem:$0x1FFD0] =	vst v11  }
0x21: {  	s9 =	sadd.s32 $0x18000, s1;
	s6 =	ssub.s32 $0x2, s4;
	s7 =	sor.u32 s4, s5;
	v17 =	vadd.s32 $0x1106, v24;
	[tilespmem:$0x1FFE0] =	vst v13  }
0x22: {  	s4 =	sadd.s32 $0x800, s2;
	s30 =	sshrl.u32 s6, $0x1;
	s8 =	sshll.u32 s7, $0x4;
	v0 =	vadd.s32 $0x1986, v24;
	[tilespmem:$0x1FFF0] =	vst v17  }
0x23: {  	v1 =	vimm.s32 $0x0;
	vm0 =	vcmask $0x300;
	s31 =	ssub.s32 s6, s30;
	s5 =	sadd.s32 s0, s8;
	s6 =	sshll.u32 s7, $0x7;
	[tilespmem:$0x1FE20] =	vst v0;
	v0 =	vor.u32 $0x7, v24  }
0x24: {  	v1 =	vsel vm0, $0x3, v1;
	s7 =	sadd.s32 $0x8000, s1;
	s8 =	sadd.s32 $0x10000, s1;
	s10 =	smax.u32 s31, $0x1;
	[tilespmem:$0x1FF90] =	vst v0  }
.LBB2_1:
0x25: {  	s0 =	simm.s32 $0x1000  }
0x26: {  	[tilespmem:s3], [sflag:$0x4] =	stream.strided.gather [hbm4b:s5+s11], $0x6400, s0, s11, $0x38;
	[tilespmem:$0x1A800] =	vst v63  }
0x27: {  	_ =	swait.ge [sflag:s13], $0x6400  }
0x28: {  	[sflag:s13] =	ssyncset.done $0x0  }
0x29: {  	s31 =	simm.s32 $0x6400;
	[sflag:s13] =	ssyncadd.s32 $0xFFFF9C00  }
0x2a: {  	[tilespmem:s31], [sflag:$0x1] =	stream.indirect.gather [hbm4b:s4+s11], $0x40, s3, s11, $0xb8;
	[tilespmem:$0x1A800] =	vst v63  }
0x2b: {  	_ = 	snop  }
0x2c: {  	[tilespmem:s15], [sflag:$0x1] =	stream.indirect.gather [hbm4b:s4+s11], $0x40, s11, s11, $0xb8;
	[tilespmem:$0x1A800] =	vst v63  }
0x2d: {  	_ = 	snop  }
0x2e: {  	[tilespmem:s17], [sflag:$0x1] =	stream.indirect.gather [hbm4b:s4+s11], $0x40, s16, s11, $0xb8;
	[tilespmem:$0x1A800] =	vst v63  }
0x2f: {  	p0 =	por $0x0, $0x0;
	s24 =	simm.s32 $0x0  }
0x30: {  	[tilespmem:s19], [sflag:$0x1] =	stream.indirect.gather [hbm4b:s4+s11], $0x40, s18, s11, $0xb8;
	[tilespmem:$0x1A800] =	vst v63  }
.LBB2_2:
0x31: {  	s0 =	sand.u32 $0x1, s24;
	p1 =	seq.s32 s24, $0x31  }
0x32: {  	s2 =	sxor.u32 @!p1 $0x1, s0;
	s25 =	sshll.u32 @!p1 s24, $0x9  }
0x33: {  	s29 =	simm.s32 @!p1 $0x80;
	s12 =	sshll.u32 @!p1 s2, $0xF;
	s25 =	sand.u32 @!p1 $0x3FFFFE00, s25  }
0x34: {  	s2 =	sadd.s32 @!p1 $0x1, s2;
	s26 =	sor.u32 @!p1 $0x6400, s12;
	s28 =	sadd.s32 @!p1 $0x200, s25  }
0x35: {  	[tilespmem:s26], [sflag:s2] =	stream.indirect.gather @!p1 [hbm4b:s4+s29], $0x40, s28, s29, $0xb8;
	[tilespmem:$0x1A800] =	vst v63  }
0x36: {  	s26 =	sadd.s32 @!p1 $0x8400, s12;
	s28 =	sadd.s32 @!p1 $0x280, s25  }
0x37: {  	[tilespmem:s26], [sflag:s2] =	stream.indirect.gather @!p1 [hbm4b:s4+s29], $0x40, s28, s29, $0xb8;
	[tilespmem:$0x1A800] =	vst v63  }
0x38: {  	s26 =	sadd.s32 @!p1 $0xA400, s12;
	s28 =	sadd.s32 @!p1 $0x300, s25  }
0x39: {  	[tilespmem:s26], [sflag:s2] =	stream.indirect.gather @!p1 [hbm4b:s4+s29], $0x40, s28, s29, $0xb8;
	[tilespmem:$0x1A800] =	vst v63  }
0x3a: {  	s0 =	sadd.s32 $0x1, s0;
	s12 =	sadd.s32 @!p1 $0xC400, s12;
	s25 =	sadd.s32 @!p1 $0x380, s25  }
0x3b: {  	[tilespmem:s12], [sflag:s2] =	stream.indirect.gather @!p1 [hbm4b:s4+s29], $0x40, s25, s29, $0xb8;
	[tilespmem:$0x1A800] =	vst v63  }
0x3c: {  	_ =	swait.ge [sflag:s0], $0x2000  }
0x3d: {  	[sflag:s0] =	ssyncset.done $0x0  }
0x3e: {  	[sflag:s0] =	ssyncadd.s32 $0xFFFFE000  }
0x3f: {  	s14 =	simm.s32 $0x0;
	s31 =	simm.s32 $0x3;
	_ =	swait.ge [sflag:s0], $0x2000  }
0x40: {  	v33 =	vmov s14;
	s14 =	simm.s32 $0x4;
	v36 =	vmov s31;
	s31 =	simm.s32 $0x6;
	[sflag:s0] =	ssyncset.done $0x0  }
0x41: {  	v33 =	vshrl.u32 v33, $0x3;
	v37 =	vmov s14;
	s14 =	simm.s32 $0x7;
	v39 =	vmov s31;
	s26 =	simm.s32 $0x2;
	[sflag:s0] =	ssyncadd.s32 $0xFFFFE000  }
0x42: {  	s31 =	simm.s32 $0x9;
	v36 =	vshrl.u32 v36, $0x3;
	v40 =	vmov s14;
	v35 =	vmov s26;
	s26 =	simm.s32 $0x5;
	_ =	swait.ge [sflag:s0], $0x2000  }
0x43: {  	v42 =	vmov s31;
	v33 =	vshll.u32 v33, v1;
	v38 =	vmov s26;
	s26 =	simm.s32 $0x8;
	[sflag:s0] =	ssyncset.done $0x0  }
0x44: {  	s14 =	simm.s32 $0xA;
	v37 =	vshrl.u32 v37, $0x3;
	v39 =	vshrl.u32 v39, $0x3;
	v41 =	vmov s26;
	s26 =	simm.s32 $0xB;
	[sflag:s0] =	ssyncadd.s32 $0xFFFFE000  }
0x45: {  	s31 =	simm.s32 $0xC;
	v62 =	vshll.u32 v36, v1;
	v43 =	vmov s14;
	v44 =	vmov s26;
	s26 =	simm.s32 $0xF;
	_ =	swait.ge [sflag:s0], $0x2000  }
0x46: {  	v48 =	vmov s31;
	v40 =	vshrl.u32 v40, $0x3;
	s25 =	simm.s32 $0x1;
	p1 =	seq.s32 s24, $0x0;
	v45 =	vmov s26;
	[sflag:s0] =	ssyncset.done $0x0  }
0x47: {  	v52 =	vshrl.u32 v42, $0x3;
	v33 =	vbroadcast v33, $0x0;
	s2 =	simm.s32 $0x1;
	v45 =	vshrl.u32 v45, $0x3;
	[sflag:s0] =	ssyncadd.s32 $0xFFFFE000;
	s0 =	simm.s32 @!p1 $0x3  }
0x48: {  	s14 =	simm.s32 $0xD;
	v42 =	vshll.u32 v39, v1;
	v34 =	vmov s25;
	s2 =	simm.s32 @!p0 $0x0;
	v45 =	vshll.u32 v45, v1;
	_ =	swait.ge @!p1 [sflag:s0], $0x2000  }
0x49: {  	v49 =	vmov s14;
	v34 =	vshrl.u32 v34, $0x3;
	s29 =	sshll.u32 s2, $0xF;
	v53 =	vbroadcast v45, $0x0;
	[sflag:s0] =	ssyncset.done @!p1 $0x0  }
0x4a: {  	v54 =	vshrl.u32 v43, $0x3;
	v35 =	vshrl.u32 v35, $0x3;
	s26 =	sor.u32 $0x6600, s29;
	v34 =	vshll.u32 v34, v1;
	[sflag:s0] =	ssyncadd.s32 @!p1 $0xFFFFE000  }
0x4b: {  	v61 =	vshll.u32 v35, v1;
	v47 =	vbroadcast v34, $0x0;
	v43 =	vadd.s32 v0, v53;
	v35 =	vld [tilespmem:s26+$0x1C0]  }
0x4c: {  	v48 =	vshrl.u32 v48, $0x3;
	v56 =	vadd.s32 v24, v33;
	v46 =	vbroadcast v61, $0x0;
	v55 =	vld [tilespmem:s26+$0xFFFFFE00]  }
0x4d: {  	v38 =	vshrl.u32 v38, $0x3;
	v57 =	vadd.s32 v32, v47;
	v45 =	vbroadcast v62, $0x0;
	v36 =	vld [tilespmem:s26+$0xFFFFFE40]  }
0x4e: {  	v51 =	vshrl.u32 v41, $0x3;
	v41 =	vshll.u32 v37, v1;
	v58 =	vadd.s32 v10, v46;
	v37 =	vld [tilespmem:s26+$0xFFFFFE80]  }
0x4f: {  	v38 =	vshll.u32 v38, v1;
	v41 =	vbroadcast v41, $0x0;
	v60 =	vadd.s32 v18, v45;
	v59 =	vld [tilespmem:s26+$0xFFFFFEC0]  }
0x50: {  	v31 =	vbroadcast v42, $0x0;
	v42 =	vshll.u32 v52, v1;
	v28 =	vbroadcast v38, $0x0;
	[tilespmem:v43+s20+$0x0] =	vst.idx.msk $0xffff, v35  }
0x51: {  	v34 =	vshrl.u32 v44, $0x3;
	v44 =	vshll.u32 v51, v1;
	v62 =	vadd.s32 v22, v41;
	v61 =	vld [tilespmem:s26+$0xFFFFFF00];
	[tilespmem:v56+s20+$0x0] =	vst.idx.msk $0xffff, v55  }
0x52: {  	v2 =	vbroadcast v44, $0x0;
	v43 =	vshll.u32 v40, v1;
	[tilespmem:v57+s20+$0x0] =	vst.idx.msk $0xffff, v36;
	v36 =	vld [tilespmem:s26+$0xFFFFFF40];
	v57 =	vadd.s32 v25, v28  }
0x53: {  	v49 =	vshrl.u32 v49, $0x3;
	s25 =	simm.s32 $0xE;
	v38 =	vadd.s32 v13, v31;
	[tilespmem:v58+s20+$0x0] =	vst.idx.msk $0xffff, v37;
	v37 =	vld [tilespmem:s26+$0xFFFFFF80];
	v9 =	vbroadcast v43, $0x0  }
0x54: {  	v50 =	vmov s25;
	v56 =	vadd.s32 v23, v53;
	[tilespmem:v60+s20+$0x0] =	vst.idx.msk $0xffff, v59;
	v59 =	vld [tilespmem:s26+$0x0];
	v60 =	vadd.s32 v24, v2  }
0x55: {  	v40 =	vshll.u32 v48, v1;
	v55 =	vld [tilespmem:s26+$0x1D0];
	v58 =	vadd.s32 v0, v9;
	v0 =	vbroadcast v42, $0x0  }
0x56: {  	v50 =	vshrl.u32 v50, $0x3;
	v52 =	vld [tilespmem:s26+$0xFFFFFFC0];
	[tilespmem:v62+s20+$0x0] =	vst.idx.msk $0xffff, v61;
	v43 =	vshll.u32 v54, v1;
	v35 =	vbroadcast v40, $0x0  }
0x57: {  	v54 =	vld [tilespmem:s26+$0x40];
	v24 =	vbroadcast v43, $0x0;
	v43 =	vshll.u32 v50, v1;
	v44 =	vadd.s32 v32, v0;
	[tilespmem:v57+s20+$0x0] =	vst.idx.msk $0xffff, v36  }
0x58: {  	v50 =	vld [tilespmem:s26+$0x100];
	v42 =	vshll.u32 v49, v1;
	[tilespmem:v38+s20+$0x0] =	vst.idx.msk $0xffff, v37;
	v57 =	vadd.s32 v22, v35  }
0x59: {  	v36 =	vbroadcast v42, $0x0;
	[tilespmem:v60+s20+$0x0] =	vst.idx.msk $0xffff, v59;
	v37 =	vbroadcast v43, $0x0;
	v42 =	vld [tilespmem:s26+$0xFFFFFE50];
	v43 =	vadd.s32 v14, v47  }
0x5a: {  	v62 =	vld [tilespmem:s26+$0xFFFFFE90];
	v38 =	vadd.s32 v12, v46;
	[tilespmem:v56+s20+$0x0] =	vst.idx.msk $0xffff, v55  }
0x5b: {  	v34 =	vshll.u32 v34, v1;
	v55 =	vadd.s32 v21, v53;
	v48 =	vld [tilespmem:s26+$0x1E0];
	[tilespmem:v58+s20+$0x0] =	vst.idx.msk $0xffff, v52  }
0x5c: {  	v34 =	vbroadcast v34, $0x0;
	v51 =	vld [tilespmem:s26+$0x80];
	v56 =	vadd.s32 v10, v24;
	[tilespmem:v44+s20+$0x0] =	vst.idx.msk $0xffff, v54  }
0x5d: {  	v59 =	vld [tilespmem:s26+$0x180];
	v40 =	vadd.s32 v13, v37;
	[tilespmem:v57+s20+$0x0] =	vst.idx.msk $0xffff, v50  }
0x5e: {  	v49 =	vld [tilespmem:s26+$0xC0];
	v52 =	vadd.s32 v18, v34;
	[tilespmem:v43+s20+$0x0] =	vst.idx.msk $0xffff, v42  }
0x5f: {  	v54 =	vld [tilespmem:s26+$0x140];
	v44 =	vadd.s32 v25, v36;
	[tilespmem:v38+s20+$0x0] =	vst.idx.msk $0xffff, v62  }
0x60: {  	v61 =	vadd.s32 v16, v45;
	v50 =	vld [tilespmem:s26+$0xFFFFFED0];
	[tilespmem:v55+s20+$0x0] =	vst.idx.msk $0xffff, v48  }
0x61: {  	[tilespmem:v56+s20+$0x0] =	vst.idx.msk $0xffff, v51;
	v51 =	vadd.s32 v27, v53;
	v48 =	vld [tilespmem:s26+$0x1F0]  }
0x62: {  	[tilespmem:v40+s20+$0x0] =	vst.idx.msk $0xffff, v59  }
0x63: {  	[tilespmem:v52+s20+$0x0] =	vst.idx.msk $0xffff, v49  }
0x64: {  	[tilespmem:v44+s20+$0x0] =	vst.idx.msk $0xffff, v54  }
0x65: {  	v58 =	vld [tilespmem:s26+$0xFFFFFF50];
	v40 =	vadd.s32 v8, v28;
	[tilespmem:v61+s20+$0x0] =	vst.idx.msk $0xffff, v50  }
0x66: {  	v42 =	vld [tilespmem:s26+$0xFFFFFF90];
	v43 =	vadd.s32 v11, v31;
	[tilespmem:v51+s20+$0x0] =	vst.idx.msk $0xffff, v48  }
0x67: {  	v18 =	vld [tilespmem:$0x1FE00]  }
0x68: {  	v54 =	vld [tilespmem:s26+$0xFFFFFF10];
	v44 =	vadd.s32 v29, v41  }
0x69: {  	v62 =	vld [tilespmem:s26+$0xFFFFFFD0];
	v38 =	vadd.s32 v23, v9  }
0x6a: {  	v56 =	vld [tilespmem:s26+$0x90];
	[tilespmem:v40+s20+$0x0] =	vst.idx.msk $0xffff, v58;
	v40 =	vadd.s32 v12, v24  }
0x6b: {  	[tilespmem:v43+s20+$0x0] =	vst.idx.msk $0xffff, v42;
	v42 =	vld [tilespmem:s26+$0xD0];
	v43 =	vadd.s32 v16, v34  }
0x6c: {  	v60 =	vld [tilespmem:s26+$0x10];
	v61 =	vadd.s32 v18, v2  }
0x6d: {  	[tilespmem:v44+s20+$0x0] =	vst.idx.msk $0xffff, v54;
	v54 =	vld [tilespmem:s26+$0x50];
	v44 =	vadd.s32 v14, v0  }
0x6e: {  	[tilespmem:v38+s20+$0x0] =	vst.idx.msk $0xffff, v62;
	v62 =	vld [tilespmem:s26+$0x110];
	v38 =	vadd.s32 v29, v35  }
0x6f: {  	[tilespmem:v40+s20+$0x0] =	vst.idx.msk $0xffff, v56;
	v56 =	vld [tilespmem:s26+$0xFFFFFE60];
	v40 =	vadd.s32 v20, v47  }
0x70: {  	[tilespmem:v43+s20+$0x0] =	vst.idx.msk $0xffff, v42;
	v42 =	vld [tilespmem:s26+$0xFFFFFEA0];
	v43 =	vadd.s32 v15, v46  }
0x71: {  	[tilespmem:v61+s20+$0x0] =	vst.idx.msk $0xffff, v60;
	v60 =	vld [tilespmem:s26+$0x150];
	v61 =	vadd.s32 v8, v36  }
0x72: {  	v55 =	vadd.s32 v11, v37;
	[tilespmem:v44+s20+$0x0] =	vst.idx.msk $0xffff, v54;
	v54 =	vld [tilespmem:s26+$0x190]  }
0x73: {  	v58 =	vld [tilespmem:s26+$0xFFFFFE10];
	[tilespmem:v38+s20+$0x0] =	vst.idx.msk $0xffff, v62;
	v44 =	vadd.s32 v18, v33  }
0x74: {  	v62 =	vld [tilespmem:s26+$0xFFFFFEE0];
	v38 =	vadd.s32 v19, v45;
	[tilespmem:v40+s20+$0x0] =	vst.idx.msk $0xffff, v56  }
0x75: {  	v56 =	vld [tilespmem:s26+$0xFFFFFFA0];
	v40 =	vadd.s32 v17, v31;
	[tilespmem:v43+s20+$0x0] =	vst.idx.msk $0xffff, v42  }
0x76: {  	[tilespmem:v61+s20+$0x0] =	vst.idx.msk $0xffff, v60;
	v60 =	vld [tilespmem:s26+$0xFFFFFF20];
	v61 =	vadd.s32 v26, v41  }
0x77: {  	v42 =	vld [tilespmem:s26+$0xFFFFFFE0];
	v43 =	vadd.s32 v21, v9;
	[tilespmem:v55+s20+$0x0] =	vst.idx.msk $0xffff, v54  }
0x78: {  	[tilespmem:v44+s20+$0x0] =	vst.idx.msk $0xffff, v58;
	v54 =	vld [tilespmem:s26+$0xFFFFFF60];
	v44 =	vadd.s32 v63, v28  }
0x79: {  	[tilespmem:v38+s20+$0x0] =	vst.idx.msk $0xffff, v62;
	v38 =	vadd.s32 v30, v2;
	v62 =	vld [tilespmem:s26+$0x20]  }
0x7a: {  	v53 =	vadd.s32 v17, v37;
	v50 =	vld [tilespmem:s26+$0x1A0];
	[tilespmem:v40+s20+$0x0] =	vst.idx.msk $0xffff, v56  }
0x7b: {  	[tilespmem:v61+s20+$0x0] =	vst.idx.msk $0xffff, v60;
	v60 =	vld [tilespmem:s26+$0x60];
	v61 =	vadd.s32 v20, v0  }
0x7c: {  	v56 =	vld [tilespmem:s26+$0xE0];
	v40 =	vadd.s32 v19, v34;
	[tilespmem:v43+s20+$0x0] =	vst.idx.msk $0xffff, v42  }
0x7d: {  	v42 =	vld [tilespmem:s26+$0x120];
	v43 =	vadd.s32 v26, v35;
	[tilespmem:v44+s20+$0x0] =	vst.idx.msk $0xffff, v54  }
0x7e: {  	v54 =	vld [tilespmem:s26+$0xA0];
	v44 =	vadd.s32 v15, v24;
	[tilespmem:v38+s20+$0x0] =	vst.idx.msk $0xffff, v62  }
0x7f: {  	v52 =	vadd.s32 v63, v36;
	v38 =	vld [tilespmem:s26+$0x160];
	[tilespmem:v53+s20+$0x0] =	vst.idx.msk $0xffff, v50  }
0x80: {  	v59 =	vld [tilespmem:s26+$0xFFFFFE20];
	[tilespmem:v61+s20+$0x0] =	vst.idx.msk $0xffff, v60;
	v60 =	vadd.s32 v30, v33  }
0x81: {  	[tilespmem:v40+s20+$0x0] =	vst.idx.msk $0xffff, v56  }
0x82: {  	[tilespmem:v43+s20+$0x0] =	vst.idx.msk $0xffff, v42  }
0x83: {  	[tilespmem:v44+s20+$0x0] =	vst.idx.msk $0xffff, v54  }
0x84: {  	[tilespmem:v52+s20+$0x0] =	vst.idx.msk $0xffff, v38  }
0x85: {  	s31 =	simm.s32 $0x10;
	v47 =	vadd.s32 v5, v47;
	v55 =	vld [tilespmem:s26+$0xFFFFFE70];
	[tilespmem:v60+s20+$0x0] =	vst.idx.msk $0xffff, v59  }
0x86: {  	s14 =	simm.s32 $0x13;
	s25 =	simm.s32 $0x14;
	v25 =	vmov v26;
	v49 =	vadd.s32 v4, v46;
	v62 =	vmov s31;
	v26 =	vld [tilespmem:$0x1FE10]  }
0x87: {  	v39 =	vmovc v28;
	v28 =	vmovc v63;
	v63 =	vmov s25;
	v57 =	vld [tilespmem:s26+$0xFFFFFEB0];
	s31 =	simm.s32 $0x15;
	v58 =	vshrl.u32 v62, $0x3;
	v62 =	vmov s14;
	s14 =	simm.s32 $0x17  }
0x88: {  	s12 =	simm.s32 $0x12;
	v10 =	vmovc v24;
	v24 =	vmovc v8;
	v8 =	vmov s31;
	s31 =	simm.s32 $0x19;
	v51 =	vmov s14;
	v53 =	vshll.u32 v58, v1;
	v40 =	vld [tilespmem:s26+$0xFFFFFF70]  }
0x89: {  	s25 =	simm.s32 $0x18;
	s14 =	simm.s32 $0x1C;
	v43 =	vadd.s32 v6, v45;
	v45 =	vmov s31;
	v54 =	vmov s12;
	v44 =	vld [tilespmem:s26+$0xFFFFFEF0]  }
0x8a: {  	s12 =	simm.s32 $0x16;
	v52 =	vmov s25;
	v42 =	vld [tilespmem:s26+$0xFFFFFF30];
	v38 =	vadd.s32 v7, v41;
	s25 =	simm.s32 $0x1D;
	v41 =	vmov s14;
	[tilespmem:v47+s20+$0x0] =	vst.idx.msk $0xffff, v55  }
0x8b: {  	s2 =	simm.s32 $0x11;
	v12 =	vmovc v19;
	v21 =	vmovc v15;
	v15 =	vmov s12;
	s12 =	simm.s32 $0x1B;
	v48 =	vmov s25;
	v19 =	vld [tilespmem:$0x1FE20];
	v39 =	vadd.s32 v26, v39  }
0x8c: {  	v58 =	vld [tilespmem:s26+$0x30];
	v54 =	vshrl.u32 v54, $0x3;
	v50 =	vmov s12;
	v61 =	vmov s2;
	s2 =	simm.s32 $0x1A  }
0x8d: {  	s31 =	simm.s32 $0x1E;
	v56 =	vld [tilespmem:s26+$0xFFFFFFB0];
	v46 =	vmov s2;
	v60 =	vadd.s32 v27, v9;
	v55 =	vshrl.u32 v61, $0x3;
	[tilespmem:v49+s20+$0x0] =	vst.idx.msk $0xffff, v57  }
0x8e: {  	v61 =	vadd.s32 v3, v2;
	v49 =	vmov s31;
	v57 =	vld [tilespmem:s26+$0xFFFFFFF0];
	[tilespmem:v43+s20+$0x0] =	vst.idx.msk $0xffff, v44;
	v43 =	vshrl.u32 v62, $0x3  }
0x8f: {  	s30 =	simm.s32 $0x20;
	s28 =	sadd.s32 $0xA7F0, s29;
	v29 =	vmovc v18;
	[tilespmem:v38+s20+$0x0] =	vst.idx.msk $0xffff, v42;
	v38 =	vshrl.u32 v63, $0x3;
	v62 =	vld [tilespmem:s26+$0x70];
	v63 =	vadd.s32 v5, v0;
	v42 =	vshrl.u32 v8, $0x3  }
0x90: {  	s0 =	simm.s32 $0x1F;
	s25 =	sadd.s32 $0xC7F0, s29;
	s29 =	sadd.s32 $0x87F0, s29;
	v44 =	vld [tilespmem:s26+$0xB0];
	v59 =	vadd.s32 v19, v31;
	[tilespmem:v39+s20+$0x0] =	vst.idx.msk $0xffff, v40;
	v39 =	vshrl.u32 v15, $0x3;
	v40 =	vadd.s32 v4, v10  }
.LBB2_3:
0x91: {  	v0 =	vld [tilespmem:$0x1FF90]  }
0x92: {  	v2 =	vld [tilespmem:$0x1FE30]  }
0x93: {  	v8 =	vld [tilespmem:$0x1FEA0]  }
0x94: {  	v9 =	vld [tilespmem:$0x1FEE0]  }
0x95: {  	v10 =	vld [tilespmem:$0x1FF20]  }
0x96: {  	v15 =	vld [tilespmem:$0x1FF60]  }
0x97: {  	v47 =	vshrl.u32 v51, $0x3;
	v51 =	vmov s0;
	v34 =	vadd.s32 v6, v34;
	[tilespmem:v59+s20+$0x0] =	vst.idx.msk $0xffff, v56;
	v56 =	vld [tilespmem:s26+$0xF0]  }
0x98: {  	v35 =	vadd.s32 v7, v35;
	v36 =	vadd.s32 v26, v36;
	v51 =	vshrl.u32 v51, $0x3;
	[tilespmem:v60+s20+$0x0] =	vst.idx.msk $0xffff, v57;
	v57 =	vld [tilespmem:s26+$0x130]  }
0x99: {  	v37 =	vadd.s32 v19, v37;
	v60 =	vshll.u32 v51, v1;
	[tilespmem:v61+s20+$0x0] =	vst.idx.msk $0xffff, v58;
	v51 =	vld [tilespmem:s26+$0x170]  }
0x9a: {  	v59 =	vshrl.u32 v45, $0x3;
	v58 =	vshrl.u32 v46, $0x3;
	[tilespmem:v63+s20+$0x0] =	vst.idx.msk $0xffff, v62;
	v61 =	vld [tilespmem:s26+$0x1B0];
	v60 =	vbroadcast v60, $0x0  }
0x9b: {  	v45 =	vshll.u32 v55, v1;
	v55 =	vld [tilespmem:s26+$0xFFFFFE30];
	v62 =	vadd.s32 v3, v33;
	v33 =	vbroadcast v53, $0x0;
	[tilespmem:v40+s20+$0x0] =	vst.idx.msk $0xffff, v44;
	s26 =	sadd.s32 $0x400, s26  }
0x9c: {  	v63 =	vshll.u32 v54, v1;
	v45 =	vbroadcast v45, $0x0;
	v44 =	vld [tilespmem:s26+$0x1C0];
	v53 =	vadd.s32 v0, v60;
	[tilespmem:v34+s20+$0x0] =	vst.idx.msk $0xffff, v56  }
0x9d: {  	v46 =	vbroadcast v63, $0x0;
	v63 =	vshll.u32 v43, v1;
	v54 =	vadd.s32 v2, v33;
	v34 =	vld [tilespmem:s26+$0xFFFFFE00];
	[tilespmem:v35+s20+$0x0] =	vst.idx.msk $0xffff, v57  }
0x9e: {  	v38 =	vshll.u32 v38, v1;
	v40 =	vbroadcast v63, $0x0;
	v43 =	vadd.s32 v32, v45;
	v35 =	vld [tilespmem:s26+$0xFFFFFE40];
	[tilespmem:v36+s20+$0x0] =	vst.idx.msk $0xffff, v51  }
0x9f: {  	v38 =	vbroadcast v38, $0x0;
	v36 =	vld [tilespmem:s26+$0xFFFFFE80];
	v51 =	vadd.s32 v8, v46;
	[tilespmem:v37+s20+$0x0] =	vst.idx.msk $0xffff, v61  }
0xa0: {  	v37 =	vld [tilespmem:s26+$0xFFFFFEC0];
	v56 =	vadd.s32 v9, v40;
	[tilespmem:v62+s20+$0x0] =	vst.idx.msk $0xffff, v55  }
0xa1: {  	v55 =	vld [tilespmem:s26+$0xFFFFFF00];
	v61 =	vadd.s32 v10, v38;
	[tilespmem:v53+s20+$0x0] =	vst.idx.msk $0xffff, v44  }
0xa2: {  	v52 =	vshrl.u32 v52, $0x3;
	v39 =	vshll.u32 v39, v1;
	v53 =	vld [tilespmem:s26+$0x1D0];
	[tilespmem:v54+s20+$0x0] =	vst.idx.msk $0xffff, v34  }
0xa3: {  	v42 =	vshll.u32 v42, v1;
	v39 =	vbroadcast v39, $0x0;
	v57 =	vshrl.u32 v41, $0x3;
	[tilespmem:v43+s20+$0x0] =	vst.idx.msk $0xffff, v35;
	v35 =	vld [tilespmem:s26+$0xFFFFFF40]  }
0xa4: {  	v41 =	vbroadcast v42, $0x0;
	v44 =	vshll.u32 v47, v1;
	v54 =	vadd.s32 v23, v60;
	[tilespmem:v51+s20+$0x0] =	vst.idx.msk $0xffff, v36;
	v36 =	vld [tilespmem:s26+$0xFFFFFF80]  }
0xa5: {  	v59 =	vshll.u32 v59, v1;
	v42 =	vbroadcast v44, $0x0;
	v51 =	vadd.s32 v13, v39;
	[tilespmem:v56+s20+$0x0] =	vst.idx.msk $0xffff, v37;
	v37 =	vld [tilespmem:s26+$0xFFFFFFC0]  }
0xa6: {  	v62 =	vadd.s32 v15, v41;
	v47 =	vshll.u32 v52, v1;
	[tilespmem:v61+s20+$0x0] =	vst.idx.msk $0xffff, v55;
	v55 =	vld [tilespmem:s26+$0x0]  }
0xa7: {  	v44 =	vbroadcast v59, $0x0;
	v43 =	vbroadcast v47, $0x0;
	v63 =	vadd.s32 v0, v42;
	v0 =	vld [tilespmem:$0x1FFA0]  }
0xa8: {  	v50 =	vshrl.u32 v50, $0x3;
	v47 =	vshll.u32 v58, v1;
	v58 =	vld [tilespmem:s26+$0x40]  }
0xa9: {  	v59 =	vadd.s32 v32, v44;
	v47 =	vbroadcast v47, $0x0;
	v56 =	vadd.s32 v2, v43;
	v2 =	vld [tilespmem:$0x1FEB0];
	[tilespmem:v54+s20+$0x0] =	vst.idx.msk $0xffff, v53  }
0xaa: {  	v48 =	vshrl.u32 v48, $0x3;
	v50 =	vshll.u32 v50, v1;
	v61 =	vshll.u32 v57, v1;
	[tilespmem:v51+s20+$0x0] =	vst.idx.msk $0xffff, v36;
	v51 =	vld [tilespmem:s26+$0x80]  }
0xab: {  	v34 =	vbroadcast v50, $0x0;
	[tilespmem:v62+s20+$0x0] =	vst.idx.msk $0xffff, v35;
	v54 =	vadd.s32 v8, v47;
	v62 =	vshll.u32 v48, v1;
	v48 =	vld [tilespmem:s26+$0xC0]  }
0xac: {  	v49 =	vshrl.u32 v49, $0x3;
	v35 =	vbroadcast v61, $0x0;
	v50 =	vld [tilespmem:s26+$0x1E0];
	v53 =	vadd.s32 v0, v60  }
0xad: {  	v57 =	vshll.u32 v49, v1;
	v61 =	vld [tilespmem:s26+$0x100];
	[tilespmem:v63+s20+$0x0] =	vst.idx.msk $0xffff, v37;
	v63 =	vadd.s32 v9, v34;
	v36 =	vbroadcast v62, $0x0  }
0xae: {  	v8 =	vld [tilespmem:$0x1FF30];
	v37 =	vbroadcast v57, $0x0;
	[tilespmem:v59+s20+$0x0] =	vst.idx.msk $0xffff, v58;
	v62 =	vadd.s32 v10, v35  }
0xaf: {  	[tilespmem:v56+s20+$0x0] =	vst.idx.msk $0xffff, v55;
	v56 =	vld [tilespmem:s26+$0x140];
	v57 =	vadd.s32 v15, v36  }
0xb0: {  	v58 =	vld [tilespmem:s26+$0x180];
	v59 =	vadd.s32 v13, v37;
	[tilespmem:v54+s20+$0x0] =	vst.idx.msk $0xffff, v51  }
0xb1: {  	v54 =	vadd.s32 v14, v45;
	[tilespmem:v53+s20+$0x0] =	vst.idx.msk $0xffff, v50;
	v53 =	vld [tilespmem:s26+$0xFFFFFE50]  }
0xb2: {  	v51 =	vadd.s32 v27, v60;
	v60 =	vadd.s32 v2, v46;
	[tilespmem:v63+s20+$0x0] =	vst.idx.msk $0xffff, v48;
	v63 =	vld [tilespmem:s26+$0xFFFFFE90]  }
0xb3: {  	v50 =	vld [tilespmem:s26+$0x1F0];
	[tilespmem:v62+s20+$0x0] =	vst.idx.msk $0xffff, v61  }
0xb4: {  	v61 =	vld [tilespmem:s26+$0xFFFFFED0];
	v62 =	vadd.s32 v16, v40;
	[tilespmem:v57+s20+$0x0] =	vst.idx.msk $0xffff, v56  }
0xb5: {  	v56 =	vld [tilespmem:s26+$0xFFFFFF10];
	v57 =	vadd.s32 v8, v38;
	[tilespmem:v59+s20+$0x0] =	vst.idx.msk $0xffff, v58  }
0xb6: {  	v58 =	vld [tilespmem:s26+$0xFFFFFF50];
	v59 =	vadd.s32 v24, v41;
	[tilespmem:v54+s20+$0x0] =	vst.idx.msk $0xffff, v53  }
0xb7: {  	[tilespmem:v60+s20+$0x0] =	vst.idx.msk $0xffff, v63;
	v63 =	vld [tilespmem:s26+$0xFFFFFFD0];
	v60 =	vadd.s32 v23, v42  }
0xb8: {  	v55 =	vadd.s32 v14, v44;
	v54 =	vld [tilespmem:s26+$0x50];
	[tilespmem:v51+s20+$0x0] =	vst.idx.msk $0xffff, v50  }
0xb9: {  	v50 =	vld [tilespmem:s26+$0xFFFFFF90];
	v51 =	vadd.s32 v11, v39;
	[tilespmem:v62+s20+$0x0] =	vst.idx.msk $0xffff, v61  }
0xba: {  	v61 =	vld [tilespmem:s26+$0x10];
	v62 =	vadd.s32 v29, v43;
	[tilespmem:v57+s20+$0x0] =	vst.idx.msk $0xffff, v56  }
0xbb: {  	[tilespmem:v59+s20+$0x0] =	vst.idx.msk $0xffff, v58;
	v56 =	vld [tilespmem:s26+$0x90];
	v57 =	vadd.s32 v2, v47  }
0xbc: {  	v58 =	vld [tilespmem:s26+$0xFFFFFE10];
	v59 =	vadd.s32 v29, v33;
	[tilespmem:v60+s20+$0x0] =	vst.idx.msk $0xffff, v63  }
0xbd: {  	v63 =	vld [tilespmem:s26+$0x110];
	[tilespmem:v55+s20+$0x0] =	vst.idx.msk $0xffff, v54  }
0xbe: {  	v60 =	vadd.s32 v8, v35;
	v54 =	vld [tilespmem:s26+$0x190];
	[tilespmem:v51+s20+$0x0] =	vst.idx.msk $0xffff, v50  }
0xbf: {  	v55 =	vadd.s32 v11, v37;
	v50 =	vld [tilespmem:s26+$0xD0];
	[tilespmem:v62+s20+$0x0] =	vst.idx.msk $0xffff, v61  }
0xc0: {  	v51 =	vadd.s32 v16, v34;
	v61 =	vld [tilespmem:s26+$0x150];
	[tilespmem:v57+s20+$0x0] =	vst.idx.msk $0xffff, v56  }
0xc1: {  	v62 =	vadd.s32 v24, v36;
	v56 =	vld [tilespmem:s26+$0xFFFFFE60];
	[tilespmem:v59+s20+$0x0] =	vst.idx.msk $0xffff, v58  }
0xc2: {  	v57 =	vadd.s32 v20, v45;
	v59 =	vld [tilespmem:s26+$0xFFFFFE20]  }
0xc3: {  	[tilespmem:v60+s20+$0x0] =	vst.idx.msk $0xffff, v63;
	v63 =	vld [tilespmem:s26+$0xFFFFFEE0];
	v60 =	vadd.s32 v12, v40  }
0xc4: {  	[tilespmem:v55+s20+$0x0] =	vst.idx.msk $0xffff, v54;
	v54 =	vld [tilespmem:s26+$0xFFFFFF60];
	v55 =	vadd.s32 v28, v41  }
0xc5: {  	[tilespmem:v51+s20+$0x0] =	vst.idx.msk $0xffff, v50;
	v50 =	vld [tilespmem:s26+$0xFFFFFEA0];
	v51 =	vadd.s32 v21, v46  }
0xc6: {  	[tilespmem:v62+s20+$0x0] =	vst.idx.msk $0xffff, v61;
	v61 =	vld [tilespmem:s26+$0xFFFFFF20];
	v62 =	vadd.s32 v25, v38  }
0xc7: {  	v53 =	vadd.s32 v17, v37;
	v49 =	vld [tilespmem:s26+$0x1A0];
	[tilespmem:v57+s20+$0x0] =	vst.idx.msk $0xffff, v56  }
0xc8: {  	v56 =	vld [tilespmem:s26+$0xFFFFFFA0];
	v57 =	vadd.s32 v17, v39;
	[tilespmem:v60+s20+$0x0] =	vst.idx.msk $0xffff, v63  }
0xc9: {  	v52 =	vadd.s32 v28, v36;
	v48 =	vld [tilespmem:s26+$0x160];
	[tilespmem:v55+s20+$0x0] =	vst.idx.msk $0xffff, v54  }
0xca: {  	v63 =	vld [tilespmem:s26+$0x20];
	v60 =	vadd.s32 v30, v43;
	[tilespmem:v51+s20+$0x0] =	vst.idx.msk $0xffff, v50  }
0xcb: {  	v54 =	vld [tilespmem:s26+$0xA0];
	v55 =	vadd.s32 v21, v47;
	[tilespmem:v62+s20+$0x0] =	vst.idx.msk $0xffff, v61  }
0xcc: {  	v50 =	vld [tilespmem:s26+$0xFFFFFFE0];
	v51 =	vadd.s32 v0, v42;
	[tilespmem:v53+s20+$0x0] =	vst.idx.msk $0xffff, v49  }
0xcd: {  	v61 =	vld [tilespmem:s26+$0x60];
	v62 =	vadd.s32 v20, v44;
	[tilespmem:v57+s20+$0x0] =	vst.idx.msk $0xffff, v56  }
0xce: {  	v18 =	vmov v7;
	v7 =	vadd.s32 v7, v38;
	v9 =	vadd.s32 v26, v41;
	v8 =	vld [tilespmem:s26+$0xFFFFFF70];
	[tilespmem:v52+s20+$0x0] =	vst.idx.msk $0xffff, v48  }
0xcf: {  	s12 =	sadd.s32 $0x5, s30;
	v31 =	vmov v3;
	v3 =	vadd.s32 v4, v46;
	v56 =	vld [tilespmem:s26+$0xE0];
	v57 =	vadd.s32 v12, v34;
	[tilespmem:v60+s20+$0x0] =	vst.idx.msk $0xffff, v63  }
0xd0: {  	s31 =	sadd.s32 $0x2, s30;
	v15 =	vmovc v6;
	v2 =	vmov s12;
	v40 =	vadd.s32 v6, v40;
	v6 =	vld [tilespmem:s26+$0xFFFFFF30];
	v63 =	vmov s30;
	[tilespmem:v55+s20+$0x0] =	vst.idx.msk $0xffff, v54  }
0xd1: {  	s14 =	sadd.s32 $0x1, s30;
	s2 =	sadd.s32 $0x3, s30;
	v60 =	vadd.s32 v30, v33;
	v54 =	vmov s31;
	v55 =	vld [tilespmem:s26+$0xFFFFFE70];
	[tilespmem:v51+s20+$0x0] =	vst.idx.msk $0xffff, v50;
	v51 =	vadd.s32 v25, v35  }
0xd2: {  	s12 =	sadd.s32 $0x9, s30;
	v50 =	vld [tilespmem:s26+$0x120];
	[tilespmem:v62+s20+$0x0] =	vst.idx.msk $0xffff, v61;
	v58 =	vshrl.u32 v63, $0x3;
	v61 =	vmov s14;
	v62 =	vmov s2  }
0xd3: {  	v10 =	vmovc v5;
	s2 =	sadd.s32 $0x4, s30;
	v63 =	vadd.s32 v5, v45;
	s14 =	sadd.s32 $0x6, s30;
	v5 =	vld [tilespmem:s26+$0xFFFFFEF0];
	v45 =	vmov s12;
	s12 =	sadd.s32 $0xC, s30;
	v54 =	vshrl.u32 v54, $0x3;
	[tilespmem:v9+s20+$0x0] =	vst.idx.msk $0xffff, v8  }
0xd4: {  	v22 =	vmovc v4;
	[tilespmem:v57+s20+$0x0] =	vst.idx.msk $0xffff, v56;
	v0 =	vmov s2;
	v4 =	vmov s14;
	s2 =	sadd.s32 $0x8, s30;
	s14 =	sadd.s32 $0xA, s30;
	v41 =	vmov s12  }
0xd5: {  	p2 =	slt.u32 s30, $0x70;
	v57 =	vld [tilespmem:s26+$0xFFFFFEB0];
	v53 =	vshll.u32 v58, v1;
	[tilespmem:v7+s20+$0x0] =	vst.idx.msk $0xffff, v6;
	v52 =	vmov s2;
	v46 =	vmov s14;
	s14 =	sadd.s32 $0xD, s30  }
.Ltmp0:
0xd6: {  	s31 =	sadd.s32 $0x7, s30;
	v56 =	vld [tilespmem:s26+$0xFFFFFFB0];
	v38 =	vshrl.u32 v0, $0x3;
	v48 =	vmov s14;
	[tilespmem:v60+s20+$0x0] =	vst.idx.msk $0xffff, v59;
	v59 =	vadd.s32 v19, v39;
	(pc) =	sbr.rel @p2 .LBB2_3-.Ltmp0, $4  }
0xd7: {  	v58 =	vld [tilespmem:s26+$0x30];
	v60 =	vadd.s32 v27, v42;
	v42 =	vshrl.u32 v2, $0x3;
	[tilespmem:v51+s20+$0x0] =	vst.idx.msk $0xffff, v50;
	v51 =	vmov s31  }
0xd8: {  	s31 =	sadd.s32 $0xB, s30;
	[tilespmem:v63+s20+$0x0] =	vst.idx.msk $0xffff, v55;
	v55 =	vshrl.u32 v61, $0x3;
	v61 =	vadd.s32 v31, v43;
	v43 =	vshrl.u32 v62, $0x3;
	v62 =	vld [tilespmem:s26+$0x70]  }
0xd9: {  	v7 =	vmovc v18;
	v6 =	vmovc v15;
	v39 =	vshrl.u32 v4, $0x3;
	[tilespmem:v40+s20+$0x0] =	vst.idx.msk $0xffff, v5;
	v63 =	vadd.s32 v10, v44;
	v44 =	vld [tilespmem:s26+$0xB0];
	v50 =	vmov s31;
	s31 =	sadd.s32 $0xE, s30  }
0xda: {  	s0 =	sadd.s32 $0xF, s30;
	v4 =	vmovc v22;
	v5 =	vmovc v10;
	v40 =	vadd.s32 v22, v47;
	[tilespmem:v3+s20+$0x0] =	vst.idx.msk $0xffff, v57;
	v3 =	vmov v31;
	v57 =	vld [tilespmem:s26+$0xFFFFFFF0];
	s30 =	sadd.s32 $0x10, s30;
	v49 =	vmov s31  }
0xdb: {  	_ =	sdelay $0x3  }
0xdc: {  	[tilespmem:v59+s20+$0x0] =	vst.idx.msk $0xffff, v56;
	v59 =	vmov v3;
	v3 =	vld [tilespmem:s26+$0xF0];
	v4 =	vadd.s32 v6, v34  }
0xdd: {  	[tilespmem:v61+s20+$0x0] =	vst.idx.msk $0xffff, v58  }
0xde: {  	[tilespmem:v63+s20+$0x0] =	vst.idx.msk $0xffff, v62  }
0xdf: {  	v9 =	vld [tilespmem:s26+$0x170];
	[tilespmem:v40+s20+$0x0] =	vst.idx.msk $0xffff, v44  }
0xe0: {  	v0 =	vshrl.u32 v51, $0x3;
	v2 =	vmov s0;
	[tilespmem:v60+s20+$0x0] =	vst.idx.msk $0xffff, v57;
	v57 =	vmovc v6;
	v6 =	vld [tilespmem:s26+$0x130];
	v60 =	vmovc v7;
	v7 =	vadd.s32 v7, v35  }
0xe1: {  	v51 =	vadd.s32 v19, v37;
	v34 =	vbroadcast v53, $0x0;
	v37 =	vshll.u32 v54, v1;
	v54 =	vld [tilespmem:$0x1FF90];
	[tilespmem:v4+s20+$0x0] =	vst.idx.msk $0xffff, v3  }
0xe2: {  	v2 =	vshrl.u32 v2, $0x3;
	v61 =	vadd.s32 v26, v36;
	v36 =	vshll.u32 v55, v1;
	v58 =	vld [tilespmem:$0x1FE30]  }
0xe3: {  	v47 =	vld [tilespmem:s26+$0x1B0];
	v53 =	vadd.s32 v59, v33;
	v2 =	vshll.u32 v2, v1;
	v33 =	vbroadcast v36, $0x0  }
0xe4: {  	v5 =	vshrl.u32 v52, $0x3;
	v52 =	vld [tilespmem:s26+$0xFFFFFE30];
	s0 =	sadd.s32 $0x400, s26;
	v2 =	vbroadcast v2, $0x0  }
0xe5: {  	[tilespmem:v7+s20+$0x0] =	vst.idx.msk $0xffff, v6;
	v6 =	vld [tilespmem:s0+$0xFFFFFE40];
	v7 =	vadd.s32 v32, v33  }
0xe6: {  	v40 =	vld [tilespmem:s0+$0x1C0];
	v44 =	vadd.s32 v54, v2  }
0xe7: {  	v3 =	vld [tilespmem:s0+$0xFFFFFE00];
	[tilespmem:v61+s20+$0x0] =	vst.idx.msk $0xffff, v9;
	v4 =	vadd.s32 v58, v34  }
0xe8: {  	v62 =	vld [tilespmem:$0x1FEA0];
	[tilespmem:v51+s20+$0x0] =	vst.idx.msk $0xffff, v47  }
0xe9: {  	v63 =	vld [tilespmem:$0x1FEE0];
	[tilespmem:v53+s20+$0x0] =	vst.idx.msk $0xffff, v52  }
0xea: {  	v61 =	vld [tilespmem:$0x1FF20];
	[tilespmem:v7+s20+$0x0] =	vst.idx.msk $0xffff, v6  }
0xeb: {  	[tilespmem:v44+s20+$0x0] =	vst.idx.msk $0xffff, v40  }
0xec: {  	v56 =	vshll.u32 v38, v1;
	v55 =	vshll.u32 v43, v1;
	v35 =	vbroadcast v37, $0x0;
	[tilespmem:v4+s20+$0x0] =	vst.idx.msk $0xffff, v3  }
0xed: {  	v36 =	vbroadcast v55, $0x0;
	v37 =	vbroadcast v56, $0x0;
	v56 =	vld [tilespmem:$0x1FF60]  }
0xee: {  	v8 =	vshrl.u32 v45, $0x3;
	v9 =	vld [tilespmem:s0+$0xFFFFFE80];
	v43 =	vadd.s32 v62, v35  }
0xef: {  	v45 =	vshrl.u32 v50, $0x3;
	v42 =	vshll.u32 v42, v1;
	v47 =	vld [tilespmem:s0+$0xFFFFFEC0];
	v50 =	vadd.s32 v63, v36  }
0xf0: {  	v38 =	vbroadcast v42, $0x0;
	v3 =	vld [tilespmem:s0+$0x1D0];
	v4 =	vadd.s32 v23, v2  }
0xf1: {  	v52 =	vld [tilespmem:s0+$0xFFFFFF00];
	v53 =	vadd.s32 v61, v37  }
0xf2: {  	v6 =	vld [tilespmem:s0+$0xFFFFFF40];
	v7 =	vadd.s32 v56, v38  }
0xf3: {  	v39 =	vshll.u32 v39, v1;
	[tilespmem:v43+s20+$0x0] =	vst.idx.msk $0xffff, v9  }
0xf4: {  	v39 =	vbroadcast v39, $0x0;
	v0 =	vshll.u32 v0, v1;
	[tilespmem:v50+s20+$0x0] =	vst.idx.msk $0xffff, v47  }
0xf5: {  	v46 =	vshrl.u32 v46, $0x3;
	v55 =	vshll.u32 v45, v1;
	v40 =	vbroadcast v0, $0x0;
	[tilespmem:v4+s20+$0x0] =	vst.idx.msk $0xffff, v3  }
0xf6: {  	v51 =	vshrl.u32 v41, $0x3;
	v0 =	vshll.u32 v5, v1;
	v5 =	vld [tilespmem:s0+$0xFFFFFF80];
	v9 =	vadd.s32 v13, v39;
	[tilespmem:v53+s20+$0x0] =	vst.idx.msk $0xffff, v52  }
0xf7: {  	v41 =	vbroadcast v0, $0x0;
	v0 =	vshll.u32 v8, v1;
	v8 =	vld [tilespmem:s0+$0xFFFFFFC0];
	v47 =	vadd.s32 v54, v40;
	[tilespmem:v7+s20+$0x0] =	vst.idx.msk $0xffff, v6  }
0xf8: {  	v46 =	vshll.u32 v46, v1;
	v44 =	vbroadcast v55, $0x0;
	v42 =	vbroadcast v0, $0x0;
	v55 =	vld [tilespmem:$0x1FFA0]  }
0xf9: {  	v0 =	vshrl.u32 v48, $0x3;
	v48 =	vld [tilespmem:s0+$0x0];
	v43 =	vbroadcast v46, $0x0;
	v50 =	vadd.s32 v58, v41  }
0xfa: {  	v52 =	vld [tilespmem:s0+$0x40];
	v53 =	vadd.s32 v32, v42  }
0xfb: {  	v3 =	vshll.u32 v51, v1;
	v7 =	vadd.s32 v62, v43;
	[tilespmem:v9+s20+$0x0] =	vst.idx.msk $0xffff, v5;
	v5 =	vld [tilespmem:s0+$0x80]  }
0xfc: {  	v0 =	vshll.u32 v0, v1;
	v45 =	vbroadcast v3, $0x0;
	v3 =	vld [tilespmem:s0+$0xC0];
	[tilespmem:v47+s20+$0x0] =	vst.idx.msk $0xffff, v8;
	v8 =	vadd.s32 v63, v44  }
0xfd: {  	v49 =	vshrl.u32 v49, $0x3;
	v46 =	vbroadcast v0, $0x0;
	v4 =	vld [tilespmem:s0+$0x1E0];
	v6 =	vadd.s32 v55, v2  }
0xfe: {  	v0 =	vshll.u32 v49, v1;
	[tilespmem:v50+s20+$0x0] =	vst.idx.msk $0xffff, v48;
	v9 =	vld [tilespmem:s0+$0x100];
	v48 =	vadd.s32 v61, v45  }
0xff: {  	v49 =	vadd.s32 v56, v46;
	v47 =	vbroadcast v0, $0x0;
	[tilespmem:v53+s20+$0x0] =	vst.idx.msk $0xffff, v52;
	v0 =	vld [tilespmem:s0+$0x140]  }
0x100: {  	[tilespmem:v7+s20+$0x0] =	vst.idx.msk $0xffff, v5  }
0x101: {  	[tilespmem:v8+s20+$0x0] =	vst.idx.msk $0xffff, v3  }
0x102: {  	v50 =	vld [tilespmem:s0+$0x180];
	v51 =	vadd.s32 v13, v47;
	[tilespmem:v6+s20+$0x0] =	vst.idx.msk $0xffff, v4  }
0x103: {  	v52 =	vld [tilespmem:$0x1FEB0];
	[tilespmem:v48+s20+$0x0] =	vst.idx.msk $0xffff, v9  }
0x104: {  	v5 =	vld [tilespmem:s0+$0xFFFFFE50];
	[tilespmem:v49+s20+$0x0] =	vst.idx.msk $0xffff, v0  }
0x105: {  	v6 =	vadd.s32 v14, v33;
	v53 =	vld [tilespmem:$0x1FF30]  }
0x106: {  	v2 =	vadd.s32 v27, v2;
	v4 =	vld [tilespmem:s0+$0x1F0]  }
0x107: {  	v49 =	vld [tilespmem:s0+$0xFFFFFF50];
	[tilespmem:v51+s20+$0x0] =	vst.idx.msk $0xffff, v50;
	v50 =	vadd.s32 v24, v38  }
0x108: {  	v3 =	vld [tilespmem:s0+$0xFFFFFE90];
	v7 =	vadd.s32 v52, v35  }
0x109: {  	v8 =	vld [tilespmem:s0+$0xFFFFFED0];
	v9 =	vadd.s32 v16, v36  }
0x10a: {  	v0 =	vld [tilespmem:s0+$0xFFFFFF10];
	[tilespmem:v6+s20+$0x0] =	vst.idx.msk $0xffff, v5;
	v48 =	vadd.s32 v53, v37  }
0x10b: {  	[tilespmem:v2+s20+$0x0] =	vst.idx.msk $0xffff, v4;
	v2 =	vld [tilespmem:s0+$0xFFFFFF90];
	v4 =	vadd.s32 v11, v39  }
0x10c: {  	[tilespmem:v50+s20+$0x0] =	vst.idx.msk $0xffff, v49;
	v49 =	vld [tilespmem:s0+$0xFFFFFE10];
	v50 =	vadd.s32 v29, v34  }
0x10d: {  	v5 =	vadd.s32 v23, v40;
	[tilespmem:v7+s20+$0x0] =	vst.idx.msk $0xffff, v3;
	v3 =	vld [tilespmem:s0+$0xFFFFFFD0]  }
0x10e: {  	v6 =	vld [tilespmem:s0+$0x10];
	[tilespmem:v9+s20+$0x0] =	vst.idx.msk $0xffff, v8;
	v7 =	vadd.s32 v29, v41  }
0x10f: {  	v8 =	vadd.s32 v14, v42;
	[tilespmem:v48+s20+$0x0] =	vst.idx.msk $0xffff, v0;
	v0 =	vld [tilespmem:s0+$0x50]  }
0x110: {  	[tilespmem:v4+s20+$0x0] =	vst.idx.msk $0xffff, v2;
	v2 =	vld [tilespmem:s0+$0xD0];
	v4 =	vadd.s32 v16, v44  }
0x111: {  	v9 =	vld [tilespmem:s0+$0x90];
	v48 =	vadd.s32 v52, v43;
	[tilespmem:v50+s20+$0x0] =	vst.idx.msk $0xffff, v49  }
0x112: {  	[tilespmem:v5+s20+$0x0] =	vst.idx.msk $0xffff, v3;
	v3 =	vld [tilespmem:s0+$0x110];
	v5 =	vadd.s32 v53, v45  }
0x113: {  	[tilespmem:v7+s20+$0x0] =	vst.idx.msk $0xffff, v6;
	v6 =	vld [tilespmem:s0+$0x150];
	v7 =	vadd.s32 v24, v46  }
0x114: {  	[tilespmem:v8+s20+$0x0] =	vst.idx.msk $0xffff, v0;
	v0 =	vld [tilespmem:s0+$0x190];
	v8 =	vadd.s32 v11, v47  }
0x115: {  	[tilespmem:v4+s20+$0x0] =	vst.idx.msk $0xffff, v2;
	v2 =	vld [tilespmem:s0+$0xFFFFFEA0];
	v4 =	vadd.s32 v21, v35  }
0x116: {  	[tilespmem:v48+s20+$0x0] =	vst.idx.msk $0xffff, v9;
	v9 =	vld [tilespmem:s0+$0xFFFFFE60];
	v48 =	vadd.s32 v20, v33  }
0x117: {  	[tilespmem:v5+s20+$0x0] =	vst.idx.msk $0xffff, v3;
	v3 =	vld [tilespmem:s0+$0xFFFFFEE0];
	v5 =	vadd.s32 v12, v36  }
0x118: {  	[tilespmem:v7+s20+$0x0] =	vst.idx.msk $0xffff, v6;
	v6 =	vld [tilespmem:s0+$0xFFFFFF20];
	v7 =	vadd.s32 v25, v37  }
0x119: {  	[tilespmem:v8+s20+$0x0] =	vst.idx.msk $0xffff, v0;
	v0 =	vld [tilespmem:s0+$0xFFFFFF60];
	v8 =	vadd.s32 v28, v38  }
0x11a: {  	[tilespmem:v4+s20+$0x0] =	vst.idx.msk $0xffff, v2;
	v2 =	vld [tilespmem:s0+$0xFFFFFFE0];
	v4 =	vadd.s32 v55, v40  }
0x11b: {  	[tilespmem:v48+s20+$0x0] =	vst.idx.msk $0xffff, v9;
	v9 =	vld [tilespmem:s0+$0xFFFFFFA0];
	v48 =	vadd.s32 v17, v39  }
0x11c: {  	[tilespmem:v5+s20+$0x0] =	vst.idx.msk $0xffff, v3;
	v3 =	vld [tilespmem:s0+$0x20];
	v5 =	vadd.s32 v30, v41  }
0x11d: {  	[tilespmem:v7+s20+$0x0] =	vst.idx.msk $0xffff, v6;
	v6 =	vld [tilespmem:s0+$0x60];
	v7 =	vadd.s32 v20, v42  }
0x11e: {  	[tilespmem:v8+s20+$0x0] =	vst.idx.msk $0xffff, v0;
	v0 =	vld [tilespmem:s0+$0xA0];
	v8 =	vadd.s32 v21, v43  }
0x11f: {  	[tilespmem:v4+s20+$0x0] =	vst.idx.msk $0xffff, v2  }
0x120: {  	[tilespmem:v48+s20+$0x0] =	vst.idx.msk $0xffff, v9  }
0x121: {  	v9 =	vld [tilespmem:s0+$0xE0];
	v48 =	vadd.s32 v12, v44;
	[tilespmem:v5+s20+$0x0] =	vst.idx.msk $0xffff, v3  }
0x122: {  	v49 =	vld [tilespmem:s0+$0xFFFFFE20];
	[tilespmem:v7+s20+$0x0] =	vst.idx.msk $0xffff, v6  }
0x123: {  	v2 =	vld [tilespmem:s0+$0x120];
	v4 =	vadd.s32 v25, v45;
	[tilespmem:v8+s20+$0x0] =	vst.idx.msk $0xffff, v0  }
0x124: {  	v51 =	vld [tilespmem:$0x1FE90]  }
0x125: {  	v50 =	vadd.s32 v30, v34;
	v3 =	vld [tilespmem:s0+$0x160]  }
0x126: {  	v5 =	vadd.s32 v28, v46;
	v6 =	vld [tilespmem:s0+$0x1A0];
	[tilespmem:v48+s20+$0x0] =	vst.idx.msk $0xffff, v9  }
0x127: {  	v7 =	vadd.s32 v17, v47;
	v48 =	vld [tilespmem:$0x1FED0]  }
0x128: {  	[tilespmem:v4+s20+$0x0] =	vst.idx.msk $0xffff, v2;
	v2 =	vld [tilespmem:s0+$0xFFFFFEF0];
	v4 =	vadd.s32 v57, v36  }
0x129: {  	v0 =	vld [tilespmem:s0+$0xFFFFFE70];
	v8 =	vadd.s32 v51, v33  }
0x12a: {  	v38 =	vadd.s32 v26, v38;
	v36 =	vadd.s32 v60, v37;
	[tilespmem:v50+s20+$0x0] =	vst.idx.msk $0xffff, v49;
	v37 =	vld [tilespmem:s0+$0xFFFFFF70]  }
0x12b: {  	[tilespmem:v5+s20+$0x0] =	vst.idx.msk $0xffff, v3;
	v3 =	vld [tilespmem:s0+$0xFFFFFF30]  }
0x12c: {  	v9 =	vld [tilespmem:s0+$0xFFFFFEB0];
	[tilespmem:v7+s20+$0x0] =	vst.idx.msk $0xffff, v6;
	v33 =	vadd.s32 v48, v35  }
0x12d: {  	v34 =	vadd.s32 v59, v34;
	v50 =	vadd.s32 v60, v45;
	v60 =	vld [tilespmem:s0+$0xFFFFFE30];
	[tilespmem:v4+s20+$0x0] =	vst.idx.msk $0xffff, v2  }
0x12e: {  	[tilespmem:v8+s20+$0x0] =	vst.idx.msk $0xffff, v0;
	v0 =	vld [tilespmem:s0+$0xFFFFFFB0];
	v8 =	vadd.s32 v19, v39  }
0x12f: {  	v2 =	vld [tilespmem:s0+$0x30];
	[tilespmem:v38+s20+$0x0] =	vst.idx.msk $0xffff, v37;
	v39 =	vadd.s32 v27, v40;
	v40 =	vadd.s32 v59, v41  }
0x130: {  	[tilespmem:v36+s20+$0x0] =	vst.idx.msk $0xffff, v3;
	v3 =	vld [tilespmem:s0+$0x70];
	v41 =	vadd.s32 v51, v42  }
0x131: {  	[tilespmem:v33+s20+$0x0] =	vst.idx.msk $0xffff, v9;
	v9 =	vld [tilespmem:s0+$0xFFFFFFF0]  }
0x132: {  	v49 =	vadd.s32 v48, v43;
	[tilespmem:v34+s20+$0x0] =	vst.idx.msk $0xffff, v60;
	v42 =	vld [tilespmem:s0+$0xB0]  }
0x133: {  	[tilespmem:v8+s20+$0x0] =	vst.idx.msk $0xffff, v0;
	v0 =	vld [tilespmem:s0+$0xF0];
	v8 =	vadd.s32 v57, v44  }
0x134: {  	v51 =	vadd.s32 v26, v46;
	[tilespmem:v40+s20+$0x0] =	vst.idx.msk $0xffff, v2;
	v2 =	vld [tilespmem:s0+$0x170]  }
0x135: {  	[tilespmem:v41+s20+$0x0] =	vst.idx.msk $0xffff, v3;
	v3 =	vld [tilespmem:s0+$0x1B0];
	v57 =	vadd.s32 v19, v47  }
0x136: {  	[tilespmem:v39+s20+$0x0] =	vst.idx.msk $0xffff, v9;
	v9 =	vld [tilespmem:s0+$0x130]  }
0x137: {  	[tilespmem:v49+s20+$0x0] =	vst.idx.msk $0xffff, v42  }
0x138: {  	[tilespmem:v8+s20+$0x0] =	vst.idx.msk $0xffff, v0  }
0x139: {  	s2 =	sshll.u32 s24, $0x11;
	[tilespmem:v51+s20+$0x0] =	vst.idx.msk $0xffff, v2  }
0x13a: {  	s26 =	sor.u32 s6, s2;
	[tilespmem:v57+s20+$0x0] =	vst.idx.msk $0xffff, v3  }
0x13b: {  	s12 =	simm.s32 $0x16400;
	s31 =	sadd.s32 s1, s26;
	[tilespmem:v50+s20+$0x0] =	vst.idx.msk $0xffff, v9  }
0x13c: {  	[hbm4b:s31+s3] =	stream.linear.scatter [tilespmem:s12], [sflag:$0x3], $0x80, $0x38;
	[tilespmem:$0x1A800] =	vst v63  }
0x13d: {  	s14 =	simm.s32 $0x16488;
	s2 =	sadd.s32 $0x10, s31  }
0x13e: {  	[hbm4b:s2+s3] =	stream.linear.scatter [tilespmem:s14], [sflag:$0x3], $0x80, $0x38;
	[tilespmem:$0x1A800] =	vst v63  }
0x13f: {  	s12 =	simm.s32 $0x16510;
	s14 =	sadd.s32 $0x20, s31  }
0x140: {  	[hbm4b:s14+s3] =	stream.linear.scatter [tilespmem:s12], [sflag:$0x3], $0x80, $0x38;
	[tilespmem:$0x1A800] =	vst v63  }
0x141: {  	s12 =	simm.s32 $0x16598;
	s14 =	sadd.s32 $0x30, s31  }
0x142: {  	[hbm4b:s14+s3] =	stream.linear.scatter [tilespmem:s12], [sflag:$0x3], $0x80, $0x38;
	[tilespmem:$0x1A800] =	vst v63  }
0x143: {  	s12 =	simm.s32 $0x16620;
	s14 =	sadd.s32 $0x40, s31  }
0x144: {  	[hbm4b:s14+s3] =	stream.linear.scatter [tilespmem:s12], [sflag:$0x3], $0x80, $0x38;
	[tilespmem:$0x1A800] =	vst v63  }
0x145: {  	s30 =	simm.s32 $0x440;
	s12 =	simm.s32 $0x166A8;
	s14 =	sadd.s32 $0x50, s31  }
0x146: {  	[hbm4b:s14+s3] =	stream.linear.scatter [tilespmem:s12], [sflag:$0x3], $0x80, $0x38;
	[tilespmem:$0x1A800] =	vst v63  }
0x147: {  	v29 =	vmov v14;
	v11 =	vmov v23;
	v23 =	vmov v63;
	s0 =	simm.s32 $0x2200;
	s12 =	simm.s32 $0x16730;
	s14 =	sadd.s32 $0x60, s31  }
0x148: {  	v17 =	vmovc v52;
	v60 =	vmovc v53;
	v26 =	vmov v13;
	v13 =	vmov v55;
	v59 =	vmov v28;
	[hbm4b:s14+s3] =	stream.linear.scatter [tilespmem:s12], [sflag:$0x3], $0x80, $0x38;
	[tilespmem:$0x1A800] =	vst v63  }
0x149: {  	v40 =	vmovc v54;
	v54 =	vmovc v27;
	v19 =	vmov v62;
	v27 =	vmov v61;
	v39 =	vmov v12;
	s2 =	simm.s32 $0x167B8;
	s12 =	sadd.s32 $0x70, s31;
	s31 =	sadd.s32 $0x1000, s31  }
.LBB2_5:
0x14a: {  	[hbm4b:s12+s3] =	stream.linear.scatter [tilespmem:s2], [sflag:$0x3], $0x80, $0x38;
	[tilespmem:$0x1A800] =	vst v63  }
0x14b: {  	s2 =	smov.u32 s30;
	s12 =	smov.u32 s0  }
0x14c: {  	s14 =	sadd.s32 $0x1100, s0;
	s30 =	sshra.s32 s12, $0x2;
	s12 =	sadd.s32 $0x16400, s2  }
0x14d: {  	[hbm4b:s31+s3] =	stream.linear.scatter [tilespmem:s12], [sflag:$0x3], $0x80, $0x38;
	[tilespmem:$0x1A800] =	vst v63  }
0x14e: {  	p2 =	sne.s32 s0, $0x7700;
	s0 =	sadd.s32 $0x16488, s2;
	s12 =	sadd.s32 $0x10, s31  }
0x14f: {  	[hbm4b:s12+s3] =	stream.linear.scatter [tilespmem:s0], [sflag:$0x3], $0x80, $0x38;
	[tilespmem:$0x1A800] =	vst v63  }
0x150: {  	s0 =	sadd.s32 $0x16510, s2;
	s12 =	sadd.s32 $0x20, s31  }
0x151: {  	[hbm4b:s12+s3] =	stream.linear.scatter [tilespmem:s0], [sflag:$0x3], $0x80, $0x38;
	[tilespmem:$0x1A800] =	vst v63  }
0x152: {  	s0 =	sadd.s32 $0x16598, s2;
	s12 =	sadd.s32 $0x30, s31  }
0x153: {  	[hbm4b:s12+s3] =	stream.linear.scatter [tilespmem:s0], [sflag:$0x3], $0x80, $0x38;
	[tilespmem:$0x1A800] =	vst v63  }
0x154: {  	s0 =	sadd.s32 $0x16620, s2;
	s12 =	sadd.s32 $0x40, s31  }
0x155: {  	[hbm4b:s12+s3] =	stream.linear.scatter [tilespmem:s0], [sflag:$0x3], $0x80, $0x38;
	[tilespmem:$0x1A800] =	vst v63  }
.Ltmp1:
0x156: {  	s0 =	sadd.s32 $0x166A8, s2;
	s12 =	sadd.s32 $0x50, s31;
	(pc) =	sbr.rel @p2 .LBB2_5-.Ltmp1, $4  }
0x157: {  	[hbm4b:s12+s3] =	stream.linear.scatter [tilespmem:s0], [sflag:$0x3], $0x80, $0x38;
	[tilespmem:$0x1A800] =	vst v63  }
0x158: {  	s0 =	sadd.s32 $0x16730, s2;
	s12 =	sadd.s32 $0x60, s31;
	s2 =	sadd.s32 $0x167B8, s2  }
0x159: {  	[hbm4b:s12+s3] =	stream.linear.scatter [tilespmem:s0], [sflag:$0x3], $0x80, $0x38;
	[tilespmem:$0x1A800] =	vst v63  }
0x15a: {  	s12 =	sadd.s32 $0x70, s31;
	s31 =	sadd.s32 $0x1000, s31;
	s0 =	smov.u32 s14  }
0x15b: {  	[hbm4b:s12+s3] =	stream.linear.scatter [tilespmem:s2], [sflag:$0x3], $0x80, $0x38;
	[tilespmem:$0x1A800] =	vst v63  }
0x15c: {  	s0 =	sadd.s32 $0x16400, s30  }
0x15d: {  	[hbm4b:s31+s3] =	stream.linear.scatter [tilespmem:s0], [sflag:$0x3], $0x80, $0x38;
	[tilespmem:$0x1A800] =	vst v63  }
0x15e: {  	s12 =	sadd.s32 $0x16488, s30;
	s14 =	sadd.s32 $0x10, s31  }
0x15f: {  	[hbm4b:s14+s3] =	stream.linear.scatter [tilespmem:s12], [sflag:$0x3], $0x80, $0x38;
	[tilespmem:$0x1A800] =	vst v63  }
0x160: {  	s12 =	sadd.s32 $0x16510, s30;
	s14 =	sadd.s32 $0x20, s31  }
0x161: {  	[hbm4b:s14+s3] =	stream.linear.scatter [tilespmem:s12], [sflag:$0x3], $0x80, $0x38;
	[tilespmem:$0x1A800] =	vst v63  }
0x162: {  	s12 =	sadd.s32 $0x16598, s30;
	s14 =	sadd.s32 $0x30, s31  }
0x163: {  	[hbm4b:s14+s3] =	stream.linear.scatter [tilespmem:s12], [sflag:$0x3], $0x80, $0x38;
	[tilespmem:$0x1A800] =	vst v63  }
0x164: {  	s2 =	simm.s32 $0x0;
	s12 =	sadd.s32 $0x16620, s30;
	s14 =	sadd.s32 $0x40, s31  }
0x165: {  	[hbm4b:s14+s3] =	stream.linear.scatter [tilespmem:s12], [sflag:$0x3], $0x80, $0x38;
	[tilespmem:$0x1A800] =	vst v63  }
0x166: {  	v0 =	vmov s2;
	s2 =	simm.s32 $0x3;
	s12 =	sadd.s32 $0x166A8, s30;
	s14 =	sadd.s32 $0x50, s31  }
0x167: {  	[hbm4b:s14+s3] =	stream.linear.scatter [tilespmem:s12], [sflag:$0x3], $0x80, $0x38;
	[tilespmem:$0x1A800] =	vst v63  }
0x168: {  	v4 =	vmov s2;
	s2 =	simm.s32 $0x6;
	s12 =	sadd.s32 $0x16730, s30;
	s14 =	sadd.s32 $0x60, s31  }
0x169: {  	v0 =	vshrl.u32 v0, $0x3;
	[hbm4b:s14+s3] =	stream.linear.scatter [tilespmem:s12], [sflag:$0x3], $0x80, $0x38;
	[tilespmem:$0x1A800] =	vst v63  }
0x16a: {  	v7 =	vmov s2;
	s2 =	simm.s32 $0x9;
	v0 =	vshll.u32 v0, v1;
	v4 =	vshrl.u32 v4, $0x3;
	s12 =	simm.s32 $0x1;
	s14 =	simm.s32 $0x2  }
0x16b: {  	v33 =	vmov s2;
	v2 =	vmov s12;
	v3 =	vmov s14;
	s12 =	simm.s32 $0x4;
	s14 =	simm.s32 $0x5  }
0x16c: {  	v7 =	vshrl.u32 v7, $0x3;
	v5 =	vmov s12;
	v6 =	vmov s14;
	s12 =	simm.s32 $0x7;
	s14 =	simm.s32 $0x8  }
0x16d: {  	s0 =	simm.s32 @!p1 $0x3;
	v43 =	vshrl.u32 v33, $0x3;
	v8 =	vmov s12;
	v9 =	vmov s14;
	s12 =	simm.s32 $0xA;
	s14 =	simm.s32 $0xB  }
0x16e: {  	s2 =	simm.s32 $0xE;
	v33 =	vbroadcast v0, $0x0;
	v34 =	vmov s12;
	v35 =	vmov s14;
	s12 =	simm.s32 $0xC;
	s14 =	simm.s32 $0xD  }
0x16f: {  	v44 =	vmov s2;
	v36 =	vmov s12;
	v37 =	vmov s14;
	s12 =	sadd.s32 $0x167B8, s30;
	s14 =	sadd.s32 $0x70, s31;
	s31 =	simm.s32 $0xF  }
0x170: {  	v61 =	vshll.u32 v7, v1;
	v41 =	vadd.s32 v58, v33;
	[hbm4b:s14+s3] =	stream.linear.scatter [tilespmem:s12], [sflag:$0x3], $0x80, $0x38;
	v38 =	vmov s31;
	[tilespmem:$0x1A800] =	vst v63  }
0x171: {  	v2 =	vshrl.u32 v2, $0x3;
	v3 =	vshrl.u32 v3, $0x3;
	v38 =	vshrl.u32 v38, $0x3;
	_ =	swait.ge @!p1 [sflag:s0], $0x2000  }
0x172: {  	v5 =	vshrl.u32 v5, $0x3;
	v6 =	vshrl.u32 v6, $0x3;
	v38 =	vshll.u32 v38, v1;
	[sflag:s0] =	ssyncset.done @!p1 $0x0  }
0x173: {  	v0 =	vshll.u32 v2, v1;
	v8 =	vshrl.u32 v8, $0x3;
	v48 =	vbroadcast v38, $0x0;
	[sflag:s0] =	ssyncadd.s32 @!p1 $0xFFFFE000  }
0x174: {  	v47 =	vbroadcast v0, $0x0;
	v0 =	vshll.u32 v3, v1;
	v6 =	vshll.u32 v6, v1;
	v62 =	vld [tilespmem:s29+$0xFFFFFC10]  }
0x175: {  	v46 =	vbroadcast v0, $0x0;
	v0 =	vshll.u32 v4, v1;
	v2 =	vld [tilespmem:s29+$0xFFFFFFD0];
	v3 =	vadd.s32 v40, v48  }
0x176: {  	v42 =	vadd.s32 v32, v47;
	v45 =	vbroadcast v0, $0x0;
	v0 =	vshll.u32 v5, v1;
	v63 =	vld [tilespmem:s29+$0xFFFFFC50]  }
0x177: {  	v34 =	vshrl.u32 v34, $0x3;
	v49 =	vadd.s32 v19, v46;
	v57 =	vbroadcast v0, $0x0;
	v5 =	vld [tilespmem:s29+$0xFFFFFC90]  }
0x178: {  	v12 =	vmovc v40;
	v0 =	vshrl.u32 v35, $0x3;
	v50 =	vadd.s32 v23, v45;
	v35 =	vld [tilespmem:s29+$0xFFFFFCD0];
	v40 =	vbroadcast v6, $0x0  }
0x179: {  	v9 =	vshrl.u32 v9, $0x3;
	v34 =	vshll.u32 v34, v1;
	v52 =	vadd.s32 v27, v57;
	v51 =	vld [tilespmem:s29+$0xFFFFFD10];
	[tilespmem:v41+s21+$0x0] =	vst.idx.msk $0xffff, v62  }
0x17a: {  	v38 =	vbroadcast v61, $0x0;
	v4 =	vld [tilespmem:s29+$0xFFFFFD50];
	v7 =	vadd.s32 v56, v40;
	[tilespmem:v3+s21+$0x0] =	vst.idx.msk $0xffff, v2;
	v2 =	vshll.u32 v8, v1  }
0x17b: {  	v6 =	vadd.s32 v11, v48;
	[tilespmem:v42+s21+$0x0] =	vst.idx.msk $0xffff, v63;
	v3 =	vld [tilespmem:s29+$0xFFFFFFE0];
	v61 =	vbroadcast v2, $0x0;
	v2 =	vshll.u32 v9, v1  }
0x17c: {  	[tilespmem:v49+s21+$0x0] =	vst.idx.msk $0xffff, v5;
	v5 =	vld [tilespmem:s29+$0xFFFFFD90];
	v63 =	vshrl.u32 v44, $0x3;
	v8 =	vadd.s32 v26, v38;
	v42 =	vbroadcast v2, $0x0  }
0x17d: {  	[tilespmem:v50+s21+$0x0] =	vst.idx.msk $0xffff, v35;
	v44 =	vbroadcast v34, $0x0;
	v9 =	vld [tilespmem:s29+$0xFFFFFDD0];
	v2 =	vshll.u32 v43, v1;
	v62 =	vadd.s32 v12, v61  }
0x17e: {  	[tilespmem:v52+s21+$0x0] =	vst.idx.msk $0xffff, v51;
	v43 =	vbroadcast v2, $0x0;
	v2 =	vshrl.u32 v37, $0x3;
	v37 =	vld [tilespmem:s29+$0xFFFFFE10];
	v50 =	vadd.s32 v58, v42  }
0x17f: {  	v36 =	vshrl.u32 v36, $0x3;
	v0 =	vshll.u32 v0, v1;
	v55 =	vld [tilespmem:s29+$0xFFFFFE90];
	[tilespmem:v7+s21+$0x0] =	vst.idx.msk $0xffff, v4;
	v58 =	vadd.s32 v19, v44  }
0x180: {  	v41 =	vld [tilespmem:s29+$0xFFFFFE50];
	v34 =	vbroadcast v0, $0x0;
	v0 =	vshll.u32 v36, v1;
	v53 =	vadd.s32 v32, v43;
	[tilespmem:v6+s21+$0x0] =	vst.idx.msk $0xffff, v3  }
0x181: {  	v35 =	vbroadcast v0, $0x0;
	v4 =	vadd.s32 v13, v48;
	v0 =	vshll.u32 v2, v1;
	[tilespmem:v8+s21+$0x0] =	vst.idx.msk $0xffff, v5;
	v3 =	vld [tilespmem:s29+$0xFFFFFFF0]  }
0x182: {  	v2 =	vld [tilespmem:s29+$0xFFFFFED0];
	v36 =	vbroadcast v0, $0x0;
	[tilespmem:v62+s21+$0x0] =	vst.idx.msk $0xffff, v9;
	v62 =	vadd.s32 v23, v34  }
0x183: {  	v0 =	vshll.u32 v63, v1;
	v8 =	vld [tilespmem:s29+$0xFFFFFF10];
	v9 =	vadd.s32 v27, v35;
	[tilespmem:v50+s21+$0x0] =	vst.idx.msk $0xffff, v37  }
0x184: {  	v63 =	vadd.s32 v56, v36;
	v37 =	vbroadcast v0, $0x0;
	v0 =	vld [tilespmem:s29+$0xFFFFFF50];
	[tilespmem:v58+s21+$0x0] =	vst.idx.msk $0xffff, v55  }
0x185: {  	v55 =	vld [tilespmem:s29+$0xFFFFFC60];
	v58 =	vadd.s32 v29, v47;
	[tilespmem:v53+s21+$0x0] =	vst.idx.msk $0xffff, v41  }
0x186: {  	v32 =	vld [tilespmem:s29+$0xFFFFFF90];
	v41 =	vadd.s32 v26, v37;
	[tilespmem:v4+s21+$0x0] =	vst.idx.msk $0xffff, v3  }
0x187: {  	v53 =	vadd.s32 v54, v48;
	v3 =	vld [tilespmem:s29+$0x0];
	[tilespmem:v62+s21+$0x0] =	vst.idx.msk $0xffff, v2  }
0x188: {  	v2 =	vld [tilespmem:s29+$0xFFFFFCA0];
	v62 =	vadd.s32 v17, v46;
	[tilespmem:v9+s21+$0x0] =	vst.idx.msk $0xffff, v8  }
0x189: {  	v8 =	vld [tilespmem:s29+$0xFFFFFCE0];
	v9 =	vadd.s32 v16, v45;
	[tilespmem:v63+s21+$0x0] =	vst.idx.msk $0xffff, v0  }
0x18a: {  	[tilespmem:v58+s21+$0x0] =	vst.idx.msk $0xffff, v55  }
0x18b: {  	[tilespmem:v41+s21+$0x0] =	vst.idx.msk $0xffff, v32  }
0x18c: {  	v0 =	vld [tilespmem:s29+$0xFFFFFD20];
	v63 =	vadd.s32 v60, v57;
	[tilespmem:v53+s21+$0x0] =	vst.idx.msk $0xffff, v3  }
0x18d: {  	v12 =	vld [tilespmem:$0x1FFD0];
	[tilespmem:v62+s21+$0x0] =	vst.idx.msk $0xffff, v2  }
0x18e: {  	v32 =	vld [tilespmem:s29+$0xFFFFFD60];
	[tilespmem:v9+s21+$0x0] =	vst.idx.msk $0xffff, v8  }
0x18f: {  	v41 =	vadd.s32 v24, v40;
	v53 =	vadd.s32 v11, v61;
	v11 =	vld [tilespmem:$0x1FE00]  }
0x190: {  	v2 =	vld [tilespmem:s29+$0xFFFFFDE0]  }
0x191: {  	v8 =	vadd.s32 v29, v43;
	[tilespmem:v63+s21+$0x0] =	vst.idx.msk $0xffff, v0;
	v0 =	vld [tilespmem:s29+$0xFFFFFE60]  }
0x192: {  	v3 =	vld [tilespmem:s29+$0xFFFFFDA0];
	v52 =	vadd.s32 v12, v38  }
0x193: {  	v9 =	vld [tilespmem:s29+$0xFFFFFEA0];
	v62 =	vadd.s32 v17, v44  }
0x194: {  	v55 =	vld [tilespmem:s29+$0xFFFFFE20];
	[tilespmem:v41+s21+$0x0] =	vst.idx.msk $0xffff, v32;
	v58 =	vadd.s32 v11, v42  }
0x195: {  	v32 =	vadd.s32 v60, v35;
	[tilespmem:v53+s21+$0x0] =	vst.idx.msk $0xffff, v2;
	v2 =	vld [tilespmem:s29+$0xFFFFFF20]  }
0x196: {  	[tilespmem:v8+s21+$0x0] =	vst.idx.msk $0xffff, v0;
	v0 =	vld [tilespmem:s29+$0xFFFFFFA0];
	v8 =	vadd.s32 v12, v37  }
0x197: {  	v63 =	vadd.s32 v16, v34;
	[tilespmem:v52+s21+$0x0] =	vst.idx.msk $0xffff, v3;
	v3 =	vld [tilespmem:s29+$0xFFFFFEE0]  }
0x198: {  	v41 =	vld [tilespmem:s29+$0xFFFFFF60];
	[tilespmem:v62+s21+$0x0] =	vst.idx.msk $0xffff, v9;
	v52 =	vadd.s32 v24, v36  }
0x199: {  	v53 =	vld [tilespmem:s29+$0xFFFFFC20];
	[tilespmem:v58+s21+$0x0] =	vst.idx.msk $0xffff, v55;
	v55 =	vadd.s32 v11, v33  }
0x19a: {  	v9 =	vld [tilespmem:s29+$0xFFFFFC70];
	[tilespmem:v32+s21+$0x0] =	vst.idx.msk $0xffff, v2;
	v58 =	vadd.s32 v20, v47  }
0x19b: {  	[tilespmem:v8+s21+$0x0] =	vst.idx.msk $0xffff, v0  }
0x19c: {  	v0 =	vld [tilespmem:s29+$0xFFFFFD70];
	v8 =	vadd.s32 v59, v40;
	[tilespmem:v63+s21+$0x0] =	vst.idx.msk $0xffff, v3  }
0x19d: {  	v62 =	vadd.s32 v21, v46;
	v3 =	vld [tilespmem:s29+$0xFFFFFCB0];
	[tilespmem:v52+s21+$0x0] =	vst.idx.msk $0xffff, v41  }
0x19e: {  	v2 =	vld [tilespmem:s29+$0xFFFFFCF0];
	v63 =	vadd.s32 v39, v45;
	[tilespmem:v55+s21+$0x0] =	vst.idx.msk $0xffff, v53  }
0x19f: {  	v32 =	vld [tilespmem:s29+$0xFFFFFD30];
	[tilespmem:v58+s21+$0x0] =	vst.idx.msk $0xffff, v9  }
0x1a0: {  	v52 =	vadd.s32 v25, v57;
	v41 =	vld [tilespmem:$0x1FFF0]  }
0x1a1: {  	[tilespmem:v8+s21+$0x0] =	vst.idx.msk $0xffff, v0;
	v0 =	vld [tilespmem:s29+$0xFFFFFEB0];
	v8 =	vadd.s32 v21, v44  }
0x1a2: {  	v55 =	vadd.s32 v13, v61;
	[tilespmem:v62+s21+$0x0] =	vst.idx.msk $0xffff, v3;
	v3 =	vld [tilespmem:s29+$0xFFFFFDF0]  }
0x1a3: {  	v58 =	vadd.s32 v30, v42;
	[tilespmem:v63+s21+$0x0] =	vst.idx.msk $0xffff, v2;
	v2 =	vld [tilespmem:s29+$0xFFFFFE30]  }
0x1a4: {  	v62 =	vld [tilespmem:s29+$0xFFFFFE70];
	v63 =	vadd.s32 v20, v43  }
0x1a5: {  	v9 =	vld [tilespmem:s29+$0xFFFFFDB0];
	[tilespmem:v52+s21+$0x0] =	vst.idx.msk $0xffff, v32;
	v53 =	vadd.s32 v41, v38  }
0x1a6: {  	v6 =	vld [tilespmem:s29+$0xFFFFFFB0];
	v7 =	vadd.s32 v41, v37;
	[tilespmem:v8+s21+$0x0] =	vst.idx.msk $0xffff, v0  }
0x1a7: {  	v4 =	vadd.s32 v25, v35;
	[tilespmem:v55+s21+$0x0] =	vst.idx.msk $0xffff, v3;
	v3 =	vld [tilespmem:s29+$0xFFFFFF30]  }
0x1a8: {  	v5 =	vadd.s32 v59, v36;
	[tilespmem:v58+s21+$0x0] =	vst.idx.msk $0xffff, v2;
	v2 =	vld [tilespmem:s29+$0xFFFFFF70]  }
0x1a9: {  	v51 =	vld [tilespmem:s29+$0xFFFFFC30];
	[tilespmem:v63+s21+$0x0] =	vst.idx.msk $0xffff, v62;
	v63 =	vmov v54;
	v54 =	vadd.s32 v30, v33  }
0x1aa: {  	v48 =	vadd.s32 v39, v34;
	[tilespmem:v53+s21+$0x0] =	vst.idx.msk $0xffff, v9;
	v9 =	vld [tilespmem:s29+$0xFFFFFEF0]  }
0x1ab: {  	[tilespmem:v7+s21+$0x0] =	vst.idx.msk $0xffff, v6  }
0x1ac: {  	[tilespmem:v4+s21+$0x0] =	vst.idx.msk $0xffff, v3  }
0x1ad: {  	[tilespmem:v5+s21+$0x0] =	vst.idx.msk $0xffff, v2  }
0x1ae: {  	[tilespmem:v54+s21+$0x0] =	vst.idx.msk $0xffff, v51  }
0x1af: {  	v28 =	vmov v25;
	v25 =	vmov v56;
	v56 =	vld [tilespmem:s29+$0xFFFFFC80];
	[tilespmem:v48+s21+$0x0] =	vst.idx.msk $0xffff, v9  }
0x1b0: {  	v7 =	vld [tilespmem:$0x1FE10]  }
0x1b1: {  	v47 =	vadd.s32 v10, v47;
	v58 =	vld [tilespmem:s29+$0xFFFFFCC0]  }
0x1b2: {  	v30 =	vmovc v59;
	v59 =	vadd.s32 v22, v46;
	v61 =	vadd.s32 v63, v61;
	v63 =	vadd.s32 v10, v43;
	v43 =	vld [tilespmem:s29+$0xFFFFFEC0]  }
0x1b3: {  	v62 =	vadd.s32 v15, v45;
	v4 =	vld [tilespmem:s29+$0xFFFFFD00]  }
0x1b4: {  	v41 =	vadd.s32 v18, v57;
	v2 =	vld [tilespmem:s29+$0xFFFFFD40]  }
0x1b5: {  	s2 =	simm.s32 $0x10;
	v6 =	vld [tilespmem:s29+$0xFFFFFD80];
	v7 =	vadd.s32 v7, v40  }
0x1b6: {  	s14 =	simm.s32 $0x12;
	s31 =	simm.s32 $0x13;
	v32 =	vmov s2;
	v57 =	vld [tilespmem:s29+$0xFFFFFDC0];
	[tilespmem:v47+s21+$0x0] =	vst.idx.msk $0xffff, v56  }
0x1b7: {  	s12 =	simm.s32 $0x11;
	v49 =	vshrl.u32 v32, $0x3;
	v32 =	vmov s31;
	s31 =	simm.s32 $0x17;
	v0 =	vmov s14;
	v56 =	vld [tilespmem:$0x1FE20];
	[tilespmem:v59+s21+$0x0] =	vst.idx.msk $0xffff, v58  }
0x1b8: {  	v26 =	vmovc v15;
	v17 =	vmov v16;
	v52 =	vmov s31;
	s31 =	simm.s32 $0x1B;
	v55 =	vmov s12;
	s12 =	simm.s32 $0x15;
	v58 =	vld [tilespmem:s29+$0xFFFFFE00];
	[tilespmem:v62+s21+$0x0] =	vst.idx.msk $0xffff, v4  }
0x1b9: {  	v44 =	vadd.s32 v22, v44;
	v20 =	vmovc v24;
	v24 =	vmovc v39;
	s14 =	simm.s32 $0x16;
	v50 =	vmov s31;
	v39 =	vmov s12;
	s12 =	simm.s32 $0x19;
	v59 =	vld [tilespmem:s29+$0xFFFFFE40];
	[tilespmem:v41+s21+$0x0] =	vst.idx.msk $0xffff, v2  }
0x1ba: {  	v16 =	vmovc v60;
	v12 =	vmovc v11;
	v45 =	vmov s12;
	s12 =	simm.s32 $0x1C;
	v3 =	vmov s14;
	v62 =	vadd.s32 v31, v42;
	v42 =	vld [tilespmem:s29+$0xFFFFFE80];
	[tilespmem:v7+s21+$0x0] =	vst.idx.msk $0xffff, v6  }
0x1bb: {  	s2 =	simm.s32 $0x14;
	v14 =	vmovc v30;
	s14 =	simm.s32 $0x1A;
	v51 =	vmov s12;
	v54 =	vshll.u32 v49, v1;
	v40 =	vshrl.u32 v32, $0x3;
	v32 =	vmovc v20;
	v20 =	vld [tilespmem:$0x1FEB0]  }
0x1bc: {  	s31 =	simm.s32 $0x1E;
	v46 =	vmov s14;
	s14 =	simm.s32 $0x1D;
	v9 =	vmov s2;
	s2 =	simm.s32 $0x18;
	v31 =	vmovc v25;
	v25 =	vmovc v24;
	v24 =	vmov v17;
	v17 =	vld [tilespmem:$0x1FE80]  }
0x1bd: {  	v30 =	vmovc v18;
	v18 =	vmovc v10;
	v49 =	vmov s31;
	v48 =	vmov s14;
	v53 =	vmov s2;
	v15 =	vld [tilespmem:$0x1FE60]  }
0x1be: {  	v2 =	vmovc v29;
	v41 =	vshrl.u32 v39, $0x3;
	v39 =	vshrl.u32 v3, $0x3;
	v29 =	vmovc v28;
	v60 =	vadd.s32 v56, v38;
	v13 =	vld [tilespmem:$0x1FE40]  }
0x1bf: {  	s30 =	simm.s32 $0x20;
	s0 =	simm.s32 $0x1F;
	v28 =	vmovc v16;
	v16 =	vmovc v2;
	v56 =	vshrl.u32 v55, $0x3;
	v55 =	vshrl.u32 v0, $0x3;
	v38 =	vshrl.u32 v9, $0x3;
	v11 =	vld [tilespmem:$0x1FE30]  }
.LBB2_7:
0x1c0: {  	v3 =	vld [tilespmem:s29+$0xFFFFFF00]  }
0x1c1: {  	v6 =	vld [tilespmem:s29+$0xFFFFFF40]  }
0x1c2: {  	v9 =	vld [tilespmem:s29+$0xFFFFFF80]  }
0x1c3: {  	v47 =	vld [tilespmem:s29+$0xFFFFFC40]  }
0x1c4: {  	v2 =	vmov s0;
	v10 =	vld [tilespmem:$0x1FF90];
	[tilespmem:v60+s21+$0x0] =	vst.idx.msk $0xffff, v57  }
0x1c5: {  	v7 =	vadd.s32 v30, v35;
	v2 =	vshrl.u32 v2, $0x3;
	[tilespmem:v62+s21+$0x0] =	vst.idx.msk $0xffff, v59;
	v62 =	vld [tilespmem:$0x1FE10]  }
0x1c6: {  	v2 =	vshll.u32 v2, v1;
	[tilespmem:v61+s21+$0x0] =	vst.idx.msk $0xffff, v58;
	v60 =	vld [tilespmem:$0x1FE20]  }
0x1c7: {  	v4 =	vadd.s32 v26, v34;
	v2 =	vbroadcast v2, $0x0;
	[tilespmem:v63+s21+$0x0] =	vst.idx.msk $0xffff, v42;
	v58 =	vshll.u32 v56, v1;
	v63 =	vld [tilespmem:$0x1FE50]  }
0x1c8: {  	v8 =	vshrl.u32 v45, $0x3;
	v57 =	vld [tilespmem:s29+$0xFFFFFFC0];
	s29 =	sadd.s32 $0x400, s29;
	v45 =	vbroadcast v58, $0x0  }
0x1c9: {  	[tilespmem:v44+s21+$0x0] =	vst.idx.msk $0xffff, v43;
	v43 =	vld [tilespmem:s29+$0xFFFFFFD0];
	v44 =	vadd.s32 v10, v2  }
0x1ca: {  	v55 =	vshll.u32 v55, v1;
	[tilespmem:v7+s21+$0x0] =	vst.idx.msk $0xffff, v6;
	v6 =	vld [tilespmem:s29+$0xFFFFFC50];
	v7 =	vadd.s32 v15, v45  }
0x1cb: {  	v35 =	vshrl.u32 v46, $0x3;
	v46 =	vbroadcast v55, $0x0;
	v55 =	vld [tilespmem:$0x1FFE0];
	v34 =	vadd.s32 v62, v36  }
0x1cc: {  	[tilespmem:v4+s21+$0x0] =	vst.idx.msk $0xffff, v3;
	v3 =	vld [tilespmem:s29+$0xFFFFFC10];
	v37 =	vadd.s32 v60, v37;
	v59 =	vadd.s32 v63, v33;
	v33 =	vbroadcast v54, $0x0  }
0x1cd: {  	v0 =	vshrl.u32 v52, $0x3;
	v40 =	vshll.u32 v40, v1;
	v38 =	vshll.u32 v38, v1;
	v58 =	vld [tilespmem:s29+$0xFFFFFD10]  }
0x1ce: {  	v5 =	vshrl.u32 v53, $0x3;
	v41 =	vshll.u32 v41, v1;
	v54 =	vld [tilespmem:$0x1FFB0];
	[tilespmem:v44+s21+$0x0] =	vst.idx.msk $0xffff, v43;
	v56 =	vadd.s32 v11, v33  }
0x1cf: {  	v40 =	vbroadcast v40, $0x0;
	v38 =	vbroadcast v38, $0x0;
	v0 =	vshll.u32 v0, v1;
	v36 =	vld [tilespmem:s29+$0xFFFFFCD0];
	[tilespmem:v7+s21+$0x0] =	vst.idx.msk $0xffff, v6  }
0x1d0: {  	v61 =	vadd.s32 v19, v46;
	v42 =	vbroadcast v0, $0x0;
	v0 =	vshll.u32 v5, v1;
	[tilespmem:v34+s21+$0x0] =	vst.idx.msk $0xffff, v9;
	v9 =	vld [tilespmem:s29+$0xFFFFFC90]  }
0x1d1: {  	v43 =	vbroadcast v0, $0x0;
	v0 =	vshll.u32 v8, v1;
	v8 =	vld [tilespmem:s29+$0xFFFFFDD0];
	[tilespmem:v37+s21+$0x0] =	vst.idx.msk $0xffff, v57;
	v57 =	vadd.s32 v23, v40  }
0x1d2: {  	v39 =	vshll.u32 v39, v1;
	v41 =	vbroadcast v41, $0x0;
	v6 =	vld [tilespmem:s29+$0xFFFFFD50];
	[tilespmem:v59+s21+$0x0] =	vst.idx.msk $0xffff, v47;
	v59 =	vadd.s32 v27, v38  }
0x1d3: {  	v39 =	vbroadcast v39, $0x0;
	v4 =	vadd.s32 v54, v2;
	[tilespmem:v56+s21+$0x0] =	vst.idx.msk $0xffff, v3;
	v3 =	vld [tilespmem:s29+$0xFFFFFFE0]  }
0x1d4: {  	v7 =	vadd.s32 v31, v41;
	v37 =	vld [tilespmem:s29+$0xFFFFFE10]  }
0x1d5: {  	v44 =	vbroadcast v0, $0x0;
	[tilespmem:v61+s21+$0x0] =	vst.idx.msk $0xffff, v9;
	v61 =	vld [tilespmem:s29+$0xFFFFFD90];
	v9 =	vadd.s32 v55, v39  }
0x1d6: {  	v0 =	vshrl.u32 v48, $0x3;
	v48 =	vadd.s32 v11, v43;
	[tilespmem:v57+s21+$0x0] =	vst.idx.msk $0xffff, v36;
	v36 =	vadd.s32 v10, v42;
	v10 =	vld [tilespmem:$0x1FFA0]  }
0x1d7: {  	v53 =	vld [tilespmem:s29+$0xFFFFFC60];
	v56 =	vshll.u32 v35, v1;
	[tilespmem:v59+s21+$0x0] =	vst.idx.msk $0xffff, v58  }
0x1d8: {  	v50 =	vshrl.u32 v50, $0x3;
	v47 =	vbroadcast v56, $0x0;
	v57 =	vld [tilespmem:s29+$0xFFFFFE50];
	v58 =	vadd.s32 v15, v44;
	[tilespmem:v4+s21+$0x0] =	vst.idx.msk $0xffff, v3  }
0x1d9: {  	v51 =	vshrl.u32 v51, $0x3;
	v49 =	vshrl.u32 v49, $0x3;
	[tilespmem:v7+s21+$0x0] =	vst.idx.msk $0xffff, v6;
	v59 =	vshll.u32 v50, v1;
	v4 =	vld [tilespmem:s29+$0xFFFFFFF0]  }
0x1da: {  	v56 =	vadd.s32 v19, v47;
	v34 =	vbroadcast v59, $0x0;
	v3 =	vshll.u32 v51, v1;
	[tilespmem:v9+s21+$0x0] =	vst.idx.msk $0xffff, v61;
	v61 =	vld [tilespmem:s29+$0xFFFFFE90]  }
0x1db: {  	v0 =	vshll.u32 v0, v1;
	[tilespmem:v48+s21+$0x0] =	vst.idx.msk $0xffff, v37;
	v35 =	vbroadcast v3, $0x0;
	v3 =	vld [tilespmem:s29+$0xFFFFFED0];
	v6 =	vadd.s32 v10, v2  }
0x1dc: {  	[tilespmem:v36+s21+$0x0] =	vst.idx.msk $0xffff, v8;
	v8 =	vadd.s32 v23, v34;
	v36 =	vbroadcast v0, $0x0;
	v0 =	vshll.u32 v49, v1;
	v9 =	vld [tilespmem:s29+$0xFFFFFF10]  }
0x1dd: {  	v48 =	vadd.s32 v27, v35;
	[tilespmem:v58+s21+$0x0] =	vst.idx.msk $0xffff, v57;
	v58 =	vld [tilespmem:s29+$0xFFFFFF90];
	v37 =	vbroadcast v0, $0x0  }
0x1de: {  	v0 =	vld [tilespmem:s29+$0xFFFFFF50];
	v57 =	vadd.s32 v31, v36  }
0x1df: {  	v59 =	vadd.s32 v55, v37;
	[tilespmem:v56+s21+$0x0] =	vst.idx.msk $0xffff, v61;
	v61 =	vld [tilespmem:$0x1FFC0]  }
0x1e0: {  	v51 =	vld [tilespmem:$0x1FFD0];
	v55 =	vadd.s32 v16, v45;
	[tilespmem:v6+s21+$0x0] =	vst.idx.msk $0xffff, v4  }
0x1e1: {  	[tilespmem:v8+s21+$0x0] =	vst.idx.msk $0xffff, v3;
	v3 =	vld [tilespmem:s29+$0xFFFFFCA0];
	v56 =	vadd.s32 v20, v46  }
0x1e2: {  	[tilespmem:v48+s21+$0x0] =	vst.idx.msk $0xffff, v9;
	v8 =	vld [tilespmem:s29+$0xFFFFFCE0];
	v9 =	vadd.s32 v24, v40  }
0x1e3: {  	[tilespmem:v57+s21+$0x0] =	vst.idx.msk $0xffff, v0;
	v0 =	vld [tilespmem:s29+$0xFFFFFD20];
	v57 =	vadd.s32 v28, v38  }
0x1e4: {  	v4 =	vld [tilespmem:s29+$0x0];
	[tilespmem:v59+s21+$0x0] =	vst.idx.msk $0xffff, v58;
	v2 =	vadd.s32 v61, v2  }
0x1e5: {  	[tilespmem:v55+s21+$0x0] =	vst.idx.msk $0xffff, v53  }
0x1e6: {  	v58 =	vld [tilespmem:s29+$0xFFFFFD60];
	[tilespmem:v56+s21+$0x0] =	vst.idx.msk $0xffff, v3  }
0x1e7: {  	v54 =	vadd.s32 v54, v42;
	v3 =	vld [tilespmem:s29+$0xFFFFFDE0];
	[tilespmem:v9+s21+$0x0] =	vst.idx.msk $0xffff, v8  }
0x1e8: {  	v8 =	vadd.s32 v16, v44;
	[tilespmem:v57+s21+$0x0] =	vst.idx.msk $0xffff, v0;
	v0 =	vld [tilespmem:s29+$0xFFFFFE60]  }
0x1e9: {  	v53 =	vadd.s32 v51, v39;
	[tilespmem:v2+s21+$0x0] =	vst.idx.msk $0xffff, v4;
	v2 =	vld [tilespmem:s29+$0xFFFFFDA0]  }
0x1ea: {  	v59 =	vadd.s32 v32, v41;
	v55 =	vld [tilespmem:s29+$0xFFFFFE20]  }
0x1eb: {  	v52 =	vld [tilespmem:s29+$0xFFFFFF60];
	v56 =	vadd.s32 v12, v43  }
0x1ec: {  	v9 =	vld [tilespmem:s29+$0xFFFFFEA0];
	v57 =	vadd.s32 v20, v47;
	[tilespmem:v54+s21+$0x0] =	vst.idx.msk $0xffff, v3  }
0x1ed: {  	[tilespmem:v8+s21+$0x0] =	vst.idx.msk $0xffff, v0;
	v0 =	vld [tilespmem:s29+$0xFFFFFFA0];
	v8 =	vadd.s32 v51, v37  }
0x1ee: {  	v3 =	vld [tilespmem:s29+$0xFFFFFF20];
	[tilespmem:v53+s21+$0x0] =	vst.idx.msk $0xffff, v2;
	v53 =	vadd.s32 v32, v36  }
0x1ef: {  	[tilespmem:v59+s21+$0x0] =	vst.idx.msk $0xffff, v58;
	v58 =	vadd.s32 v24, v34;
	v2 =	vld [tilespmem:s29+$0xFFFFFEE0]  }
0x1f0: {  	v59 =	vadd.s32 v28, v35;
	[tilespmem:v56+s21+$0x0] =	vst.idx.msk $0xffff, v55;
	v54 =	vld [tilespmem:s29+$0xFFFFFC20]  }
0x1f1: {  	v55 =	vadd.s32 v12, v33;
	[tilespmem:v57+s21+$0x0] =	vst.idx.msk $0xffff, v9;
	v9 =	vld [tilespmem:s29+$0xFFFFFC70]  }
0x1f2: {  	[tilespmem:v8+s21+$0x0] =	vst.idx.msk $0xffff, v0;
	v0 =	vld [tilespmem:s29+$0xFFFFFD70];
	v8 =	vadd.s32 v14, v41  }
0x1f3: {  	v56 =	vadd.s32 v17, v45;
	[tilespmem:v53+s21+$0x0] =	vst.idx.msk $0xffff, v52;
	v53 =	vld [tilespmem:$0x1FFF0]  }
0x1f4: {  	v57 =	vadd.s32 v21, v46;
	[tilespmem:v58+s21+$0x0] =	vst.idx.msk $0xffff, v2;
	v2 =	vld [tilespmem:s29+$0xFFFFFCB0]  }
0x1f5: {  	[tilespmem:v59+s21+$0x0] =	vst.idx.msk $0xffff, v3;
	v3 =	vld [tilespmem:s29+$0xFFFFFCF0];
	v58 =	vadd.s32 v25, v40  }
0x1f6: {  	v59 =	vld [tilespmem:s29+$0xFFFFFD30];
	[tilespmem:v55+s21+$0x0] =	vst.idx.msk $0xffff, v54;
	v52 =	vadd.s32 v29, v38  }
0x1f7: {  	[tilespmem:v8+s21+$0x0] =	vst.idx.msk $0xffff, v0;
	v0 =	vld [tilespmem:s29+$0xFFFFFEB0];
	v8 =	vadd.s32 v21, v47  }
0x1f8: {  	[tilespmem:v56+s21+$0x0] =	vst.idx.msk $0xffff, v9;
	v9 =	vld [tilespmem:s29+$0xFFFFFDB0];
	v54 =	vadd.s32 v53, v39  }
0x1f9: {  	v55 =	vadd.s32 v10, v42;
	[tilespmem:v57+s21+$0x0] =	vst.idx.msk $0xffff, v2;
	v2 =	vld [tilespmem:s29+$0xFFFFFDF0]  }
0x1fa: {  	v56 =	vadd.s32 v13, v43;
	[tilespmem:v58+s21+$0x0] =	vst.idx.msk $0xffff, v3;
	v3 =	vld [tilespmem:s29+$0xFFFFFE30]  }
0x1fb: {  	[tilespmem:v52+s21+$0x0] =	vst.idx.msk $0xffff, v59;
	v57 =	vld [tilespmem:s29+$0xFFFFFE70];
	v58 =	vadd.s32 v17, v44  }
0x1fc: {  	v6 =	vld [tilespmem:s29+$0xFFFFFFB0];
	v7 =	vadd.s32 v53, v37;
	[tilespmem:v8+s21+$0x0] =	vst.idx.msk $0xffff, v0  }
0x1fd: {  	v48 =	vadd.s32 v25, v34;
	[tilespmem:v54+s21+$0x0] =	vst.idx.msk $0xffff, v9;
	v9 =	vld [tilespmem:s29+$0xFFFFFEF0]  }
0x1fe: {  	v4 =	vadd.s32 v29, v35;
	[tilespmem:v55+s21+$0x0] =	vst.idx.msk $0xffff, v2;
	v2 =	vld [tilespmem:s29+$0xFFFFFF30]  }
0x1ff: {  	s12 =	sadd.s32 $0x5, s30;
	v60 =	vadd.s32 v60, v39;
	v5 =	vadd.s32 v14, v36;
	[tilespmem:v56+s21+$0x0] =	vst.idx.msk $0xffff, v3;
	v3 =	vld [tilespmem:s29+$0xFFFFFF70]  }
0x200: {  	v61 =	vadd.s32 v61, v42;
	v10 =	vmov s12;
	v51 =	vld [tilespmem:s29+$0xFFFFFC30];
	[tilespmem:v58+s21+$0x0] =	vst.idx.msk $0xffff, v57;
	v54 =	vadd.s32 v13, v33  }
0x201: {  	s31 =	sadd.s32 $0x2, s30;
	v40 =	vadd.s32 v26, v40;
	v59 =	vmov s30;
	v56 =	vld [tilespmem:s29+$0xFFFFFC80];
	v57 =	vadd.s32 v18, v45;
	[tilespmem:v7+s21+$0x0] =	vst.idx.msk $0xffff, v6  }
0x202: {  	s2 =	sadd.s32 $0x3, s30;
	v49 =	vshrl.u32 v59, $0x3;
	v59 =	vadd.s32 v22, v46;
	v0 =	vmov s31;
	s31 =	sadd.s32 $0x7, s30;
	v58 =	vld [tilespmem:s29+$0xFFFFFCC0];
	[tilespmem:v48+s21+$0x0] =	vst.idx.msk $0xffff, v9  }
0x203: {  	s14 =	sadd.s32 $0x1, s30;
	v8 =	vmov s2;
	v52 =	vmov s31;
	s31 =	sadd.s32 $0xB, s30;
	v6 =	vld [tilespmem:s29+$0xFFFFFD80];
	v7 =	vadd.s32 v62, v41;
	[tilespmem:v4+s21+$0x0] =	vst.idx.msk $0xffff, v2  }
0x204: {  	s12 =	sadd.s32 $0x9, s30;
	v50 =	vmov s31;
	v55 =	vmov s14;
	v62 =	vadd.s32 v63, v43;
	v4 =	vld [tilespmem:s29+$0xFFFFFD00];
	[tilespmem:v5+s21+$0x0] =	vst.idx.msk $0xffff, v3  }
0x205: {  	p1 =	slt.u32 s30, $0x70;
	s2 =	sadd.s32 $0x4, s30;
	v45 =	vmov s12;
	v63 =	vadd.s32 v18, v44;
	v3 =	vld [tilespmem:s29+$0xFFFFFD40];
	v5 =	vadd.s32 v30, v38;
	[tilespmem:v54+s21+$0x0] =	vst.idx.msk $0xffff, v51  }
.Ltmp2:
0x206: {  	s14 =	sadd.s32 $0x6, s30;
	s12 =	sadd.s32 $0xC, s30;
	v41 =	vshrl.u32 v10, $0x3;
	v43 =	vld [tilespmem:s29+$0xFFFFFEC0];
	v44 =	vadd.s32 v22, v47;
	v9 =	vmov s2;
	[tilespmem:v57+s21+$0x0] =	vst.idx.msk $0xffff, v56;
	(pc) =	sbr.rel @p1 .LBB2_7-.Ltmp2, $4  }
0x207: {  	s31 =	sadd.s32 $0xE, s30;
	v42 =	vld [tilespmem:s29+$0xFFFFFE80];
	v2 =	vmov s14;
	v51 =	vmov s12;
	v54 =	vshll.u32 v49, v1;
	[tilespmem:v59+s21+$0x0] =	vst.idx.msk $0xffff, v58  }
0x208: {  	s2 =	sadd.s32 $0x8, s30;
	s14 =	sadd.s32 $0xA, s30;
	v57 =	vld [tilespmem:s29+$0xFFFFFDC0];
	v49 =	vmov s31;
	v56 =	vshrl.u32 v55, $0x3;
	v55 =	vshrl.u32 v0, $0x3;
	[tilespmem:v7+s21+$0x0] =	vst.idx.msk $0xffff, v6  }
0x209: {  	v58 =	vld [tilespmem:s29+$0xFFFFFE00];
	v53 =	vmov s2;
	v46 =	vmov s14;
	s14 =	sadd.s32 $0xD, s30;
	v38 =	vshrl.u32 v9, $0x3;
	[tilespmem:v40+s21+$0x0] =	vst.idx.msk $0xffff, v4  }
0x20a: {  	s0 =	sadd.s32 $0xF, s30;
	v59 =	vld [tilespmem:s29+$0xFFFFFE40];
	v39 =	vshrl.u32 v2, $0x3;
	s30 =	sadd.s32 $0x10, s30;
	v48 =	vmov s14;
	v40 =	vshrl.u32 v8, $0x3;
	[tilespmem:v5+s21+$0x0] =	vst.idx.msk $0xffff, v3  }
0x20b: {  	_ =	sdelay $0x2  }
0x20c: {  	v3 =	vld [tilespmem:s29+$0xFFFFFF00]  }
0x20d: {  	v6 =	vld [tilespmem:s29+$0xFFFFFF40];
	[tilespmem:v60+s21+$0x0] =	vst.idx.msk $0xffff, v57  }
0x20e: {  	v9 =	vld [tilespmem:s29+$0xFFFFFF80];
	[tilespmem:v61+s21+$0x0] =	vst.idx.msk $0xffff, v58  }
0x20f: {  	v47 =	vld [tilespmem:s29+$0xFFFFFC40];
	[tilespmem:v62+s21+$0x0] =	vst.idx.msk $0xffff, v59  }
0x210: {  	v4 =	vadd.s32 v26, v34;
	v58 =	vld [tilespmem:$0x1FE10]  }
0x211: {  	[tilespmem:v63+s21+$0x0] =	vst.idx.msk $0xffff, v42;
	v42 =	vld [tilespmem:s29+$0xFFFFFFC0]  }
0x212: {  	v57 =	vld [tilespmem:$0x1FE20]  }
0x213: {  	v34 =	vbroadcast v54, $0x0;
	v59 =	vld [tilespmem:$0x1FE50];
	[tilespmem:v44+s21+$0x0] =	vst.idx.msk $0xffff, v43  }
0x214: {  	v2 =	vmov s0;
	v7 =	vadd.s32 v30, v35;
	s29 =	sadd.s32 $0x400, s29;
	v54 =	vld [tilespmem:$0x1FF90]  }
0x215: {  	v2 =	vshrl.u32 v2, $0x3;
	[tilespmem:v4+s21+$0x0] =	vst.idx.msk $0xffff, v3;
	v3 =	vld [tilespmem:s29+$0xFFFFFC10];
	v4 =	vadd.s32 v11, v34  }
0x216: {  	v8 =	vshrl.u32 v45, $0x3;
	v2 =	vshll.u32 v2, v1;
	v10 =	vadd.s32 v58, v36  }
0x217: {  	v45 =	vshrl.u32 v46, $0x3;
	v2 =	vbroadcast v2, $0x0;
	v46 =	vadd.s32 v57, v37  }
0x218: {  	v0 =	vshrl.u32 v52, $0x3;
	v52 =	vadd.s32 v59, v33  }
0x219: {  	v43 =	vld [tilespmem:s29+$0xFFFFFFD0];
	[tilespmem:v7+s21+$0x0] =	vst.idx.msk $0xffff, v6;
	v44 =	vadd.s32 v54, v2  }
0x21a: {  	v37 =	vshll.u32 v56, v1;
	[tilespmem:v4+s21+$0x0] =	vst.idx.msk $0xffff, v3  }
0x21b: {  	v60 =	vshll.u32 v55, v1;
	v33 =	vbroadcast v37, $0x0;
	[tilespmem:v10+s21+$0x0] =	vst.idx.msk $0xffff, v9  }
0x21c: {  	v35 =	vbroadcast v60, $0x0;
	[tilespmem:v46+s21+$0x0] =	vst.idx.msk $0xffff, v42  }
0x21d: {  	v55 =	vshll.u32 v38, v1;
	v62 =	vld [tilespmem:s29+$0xFFFFFC50];
	v63 =	vadd.s32 v15, v33;
	[tilespmem:v52+s21+$0x0] =	vst.idx.msk $0xffff, v47  }
0x21e: {  	v61 =	vshll.u32 v40, v1;
	v9 =	vld [tilespmem:s29+$0xFFFFFC90];
	v10 =	vadd.s32 v19, v35;
	[tilespmem:v44+s21+$0x0] =	vst.idx.msk $0xffff, v43  }
0x21f: {  	v36 =	vbroadcast v61, $0x0;
	v37 =	vbroadcast v55, $0x0;
	v55 =	vld [tilespmem:$0x1FFB0]  }
0x220: {  	v61 =	vld [tilespmem:s29+$0xFFFFFD50];
	v56 =	vshll.u32 v41, v1  }
0x221: {  	v38 =	vbroadcast v56, $0x0;
	v42 =	vld [tilespmem:s29+$0xFFFFFCD0];
	v46 =	vadd.s32 v23, v36  }
0x222: {  	v60 =	vadd.s32 v27, v37;
	v47 =	vld [tilespmem:s29+$0xFFFFFD10];
	[tilespmem:v63+s21+$0x0] =	vst.idx.msk $0xffff, v62  }
0x223: {  	v3 =	vld [tilespmem:s29+$0xFFFFFFE0];
	v62 =	vadd.s32 v31, v38;
	[tilespmem:v10+s21+$0x0] =	vst.idx.msk $0xffff, v9  }
0x224: {  	v56 =	vld [tilespmem:$0x1FFE0];
	v4 =	vadd.s32 v55, v2;
	_ =	sdelay $0x1  }
0x225: {  	v39 =	vshll.u32 v39, v1;
	[tilespmem:v46+s21+$0x0] =	vst.idx.msk $0xffff, v42  }
0x226: {  	v39 =	vbroadcast v39, $0x0;
	[tilespmem:v60+s21+$0x0] =	vst.idx.msk $0xffff, v47  }
0x227: {  	v5 =	vshrl.u32 v53, $0x3;
	v51 =	vshrl.u32 v51, $0x3;
	v0 =	vshll.u32 v0, v1;
	[tilespmem:v62+s21+$0x0] =	vst.idx.msk $0xffff, v61  }
0x228: {  	v40 =	vbroadcast v0, $0x0;
	v0 =	vshll.u32 v5, v1;
	v63 =	vld [tilespmem:s29+$0xFFFFFD90];
	v9 =	vadd.s32 v56, v39;
	[tilespmem:v4+s21+$0x0] =	vst.idx.msk $0xffff, v3  }
0x229: {  	v41 =	vbroadcast v0, $0x0;
	v0 =	vshll.u32 v8, v1;
	v3 =	vshll.u32 v51, v1;
	v51 =	vld [tilespmem:$0x1FFA0]  }
0x22a: {  	v8 =	vld [tilespmem:s29+$0xFFFFFDD0];
	v10 =	vadd.s32 v54, v40;
	v42 =	vbroadcast v0, $0x0;
	v46 =	vshll.u32 v45, v1  }
0x22b: {  	v0 =	vshrl.u32 v48, $0x3;
	v47 =	vld [tilespmem:s29+$0xFFFFFE10];
	v48 =	vadd.s32 v11, v41;
	v43 =	vbroadcast v46, $0x0  }
0x22c: {  	v52 =	vld [tilespmem:s29+$0xFFFFFE50];
	v53 =	vadd.s32 v15, v42  }
0x22d: {  	v62 =	vld [tilespmem:s29+$0xFFFFFE90];
	[tilespmem:v9+s21+$0x0] =	vst.idx.msk $0xffff, v63;
	v63 =	vadd.s32 v19, v43  }
0x22e: {  	v4 =	vld [tilespmem:s29+$0xFFFFFFF0];
	v61 =	vadd.s32 v51, v2  }
0x22f: {  	[tilespmem:v10+s21+$0x0] =	vst.idx.msk $0xffff, v8  }
0x230: {  	v50 =	vshrl.u32 v50, $0x3;
	[tilespmem:v48+s21+$0x0] =	vst.idx.msk $0xffff, v47  }
0x231: {  	v60 =	vshll.u32 v50, v1;
	[tilespmem:v53+s21+$0x0] =	vst.idx.msk $0xffff, v52  }
0x232: {  	v44 =	vbroadcast v60, $0x0;
	v0 =	vshll.u32 v0, v1;
	v45 =	vbroadcast v3, $0x0;
	[tilespmem:v63+s21+$0x0] =	vst.idx.msk $0xffff, v62  }
0x233: {  	v49 =	vshrl.u32 v49, $0x3;
	v46 =	vbroadcast v0, $0x0;
	v3 =	vld [tilespmem:s29+$0xFFFFFED0];
	[tilespmem:v61+s21+$0x0] =	vst.idx.msk $0xffff, v4  }
0x234: {  	v0 =	vshll.u32 v49, v1;
	v8 =	vadd.s32 v23, v44;
	v10 =	vadd.s32 v27, v45;
	v27 =	vld [tilespmem:$0x1FFC0]  }
0x235: {  	v47 =	vbroadcast v0, $0x0;
	v9 =	vld [tilespmem:s29+$0xFFFFFF10]  }
0x236: {  	v0 =	vld [tilespmem:s29+$0xFFFFFF50];
	v52 =	vadd.s32 v31, v46  }
0x237: {  	v53 =	vld [tilespmem:s29+$0xFFFFFF90];
	v60 =	vadd.s32 v56, v47  }
0x238: {  	v62 =	vadd.s32 v16, v33;
	v61 =	vld [tilespmem:s29+$0xFFFFFC60]  }
0x239: {  	v4 =	vld [tilespmem:s29+$0x0];
	[tilespmem:v8+s21+$0x0] =	vst.idx.msk $0xffff, v3;
	v2 =	vadd.s32 v27, v2  }
0x23a: {  	v63 =	vadd.s32 v20, v35;
	v3 =	vld [tilespmem:s29+$0xFFFFFCA0];
	[tilespmem:v10+s21+$0x0] =	vst.idx.msk $0xffff, v9  }
0x23b: {  	v8 =	vld [tilespmem:s29+$0xFFFFFCE0];
	v9 =	vadd.s32 v24, v36;
	[tilespmem:v52+s21+$0x0] =	vst.idx.msk $0xffff, v0  }
0x23c: {  	v0 =	vld [tilespmem:s29+$0xFFFFFD20];
	v10 =	vadd.s32 v28, v37;
	[tilespmem:v60+s21+$0x0] =	vst.idx.msk $0xffff, v53  }
0x23d: {  	[tilespmem:v62+s21+$0x0] =	vst.idx.msk $0xffff, v61  }
0x23e: {  	v52 =	vld [tilespmem:s29+$0xFFFFFD60];
	[tilespmem:v2+s21+$0x0] =	vst.idx.msk $0xffff, v4  }
0x23f: {  	v53 =	vadd.s32 v32, v38;
	v31 =	vld [tilespmem:$0x1FFD0];
	[tilespmem:v63+s21+$0x0] =	vst.idx.msk $0xffff, v3  }
0x240: {  	v61 =	vadd.s32 v55, v40;
	v3 =	vld [tilespmem:s29+$0xFFFFFDE0];
	[tilespmem:v9+s21+$0x0] =	vst.idx.msk $0xffff, v8  }
0x241: {  	[tilespmem:v10+s21+$0x0] =	vst.idx.msk $0xffff, v0;
	v0 =	vld [tilespmem:s29+$0xFFFFFE60];
	v8 =	vadd.s32 v16, v42  }
0x242: {  	v62 =	vld [tilespmem:s29+$0xFFFFFE20];
	v63 =	vadd.s32 v12, v41  }
0x243: {  	v9 =	vld [tilespmem:s29+$0xFFFFFEA0];
	v10 =	vadd.s32 v20, v43  }
0x244: {  	v2 =	vld [tilespmem:s29+$0xFFFFFDA0];
	[tilespmem:v53+s21+$0x0] =	vst.idx.msk $0xffff, v52;
	v60 =	vadd.s32 v31, v39  }
0x245: {  	v52 =	vadd.s32 v28, v45;
	[tilespmem:v61+s21+$0x0] =	vst.idx.msk $0xffff, v3;
	v3 =	vld [tilespmem:s29+$0xFFFFFF20]  }
0x246: {  	[tilespmem:v8+s21+$0x0] =	vst.idx.msk $0xffff, v0;
	v0 =	vld [tilespmem:s29+$0xFFFFFFA0];
	v8 =	vadd.s32 v31, v47  }
0x247: {  	[tilespmem:v63+s21+$0x0] =	vst.idx.msk $0xffff, v62;
	v61 =	vld [tilespmem:s29+$0xFFFFFC20];
	v62 =	vadd.s32 v12, v34  }
0x248: {  	[tilespmem:v10+s21+$0x0] =	vst.idx.msk $0xffff, v9;
	v9 =	vld [tilespmem:s29+$0xFFFFFC70];
	v10 =	vadd.s32 v17, v33  }
0x249: {  	v24 =	vadd.s32 v24, v44;
	[tilespmem:v60+s21+$0x0] =	vst.idx.msk $0xffff, v2;
	v2 =	vld [tilespmem:s29+$0xFFFFFEE0]  }
0x24a: {  	v53 =	vld [tilespmem:s29+$0xFFFFFF60];
	v60 =	vadd.s32 v32, v46;
	[tilespmem:v52+s21+$0x0] =	vst.idx.msk $0xffff, v3  }
0x24b: {  	[tilespmem:v8+s21+$0x0] =	vst.idx.msk $0xffff, v0  }
0x24c: {  	v3 =	vld [tilespmem:s29+$0xFFFFFCF0];
	[tilespmem:v62+s21+$0x0] =	vst.idx.msk $0xffff, v61  }
0x24d: {  	v0 =	vld [tilespmem:s29+$0xFFFFFD70];
	v8 =	vadd.s32 v14, v38;
	[tilespmem:v10+s21+$0x0] =	vst.idx.msk $0xffff, v9  }
0x24e: {  	v63 =	vadd.s32 v21, v35;
	[tilespmem:v24+s21+$0x0] =	vst.idx.msk $0xffff, v2;
	v2 =	vld [tilespmem:s29+$0xFFFFFCB0]  }
0x24f: {  	v32 =	vld [tilespmem:s29+$0xFFFFFD30];
	v24 =	vadd.s32 v25, v36;
	[tilespmem:v60+s21+$0x0] =	vst.idx.msk $0xffff, v53  }
0x250: {  	v50 =	vadd.s32 v29, v37;
	v11 =	vld [tilespmem:$0x1FFF0]  }
0x251: {  	v61 =	vadd.s32 v17, v42;
	v60 =	vld [tilespmem:s29+$0xFFFFFE70]  }
0x252: {  	[tilespmem:v8+s21+$0x0] =	vst.idx.msk $0xffff, v0;
	v0 =	vld [tilespmem:s29+$0xFFFFFEB0];
	v8 =	vadd.s32 v21, v43  }
0x253: {  	v52 =	vadd.s32 v51, v40;
	[tilespmem:v63+s21+$0x0] =	vst.idx.msk $0xffff, v2;
	v2 =	vld [tilespmem:s29+$0xFFFFFDF0]  }
0x254: {  	v53 =	vadd.s32 v13, v41;
	[tilespmem:v24+s21+$0x0] =	vst.idx.msk $0xffff, v3;
	v3 =	vld [tilespmem:s29+$0xFFFFFE30]  }
0x255: {  	v9 =	vld [tilespmem:s29+$0xFFFFFDB0];
	[tilespmem:v50+s21+$0x0] =	vst.idx.msk $0xffff, v32;
	v10 =	vadd.s32 v11, v39  }
0x256: {  	v48 =	vld [tilespmem:s29+$0xFFFFFC30];
	v32 =	vadd.s32 v13, v34;
	[tilespmem:v61+s21+$0x0] =	vst.idx.msk $0xffff, v60  }
0x257: {  	[tilespmem:v8+s21+$0x0] =	vst.idx.msk $0xffff, v0;
	v0 =	vld [tilespmem:s29+$0xFFFFFC80];
	v8 =	vadd.s32 v18, v33  }
0x258: {  	v62 =	vadd.s32 v29, v45;
	[tilespmem:v52+s21+$0x0] =	vst.idx.msk $0xffff, v2;
	v2 =	vld [tilespmem:s29+$0xFFFFFF30]  }
0x259: {  	v63 =	vadd.s32 v14, v46;
	[tilespmem:v53+s21+$0x0] =	vst.idx.msk $0xffff, v3;
	v3 =	vld [tilespmem:s29+$0xFFFFFF70]  }
0x25a: {  	[tilespmem:v10+s21+$0x0] =	vst.idx.msk $0xffff, v9;
	v9 =	vld [tilespmem:s29+$0xFFFFFEF0];
	v10 =	vadd.s32 v25, v44  }
0x25b: {  	v49 =	vadd.s32 v58, v38;
	[tilespmem:v32+s21+$0x0] =	vst.idx.msk $0xffff, v48;
	v48 =	vld [tilespmem:s29+$0xFFFFFD80]  }
0x25c: {  	v60 =	vadd.s32 v22, v43;
	v53 =	vld [tilespmem:s29+$0xFFFFFEC0];
	[tilespmem:v8+s21+$0x0] =	vst.idx.msk $0xffff, v0  }
0x25d: {  	v36 =	vadd.s32 v26, v36;
	[tilespmem:v62+s21+$0x0] =	vst.idx.msk $0xffff, v2;
	v2 =	vld [tilespmem:s29+$0xFFFFFD00]  }
0x25e: {  	v37 =	vadd.s32 v30, v37;
	[tilespmem:v63+s21+$0x0] =	vst.idx.msk $0xffff, v3;
	v3 =	vld [tilespmem:s29+$0xFFFFFD40]  }
0x25f: {  	[tilespmem:v10+s21+$0x0] =	vst.idx.msk $0xffff, v9;
	v9 =	vld [tilespmem:s29+$0xFFFFFCC0];
	v10 =	vadd.s32 v22, v35  }
0x260: {  	v24 =	vld [tilespmem:s29+$0xFFFFFFB0];
	v25 =	vadd.s32 v11, v47;
	[tilespmem:v49+s21+$0x0] =	vst.idx.msk $0xffff, v48  }
0x261: {  	v8 =	vadd.s32 v57, v39;
	v0 =	vld [tilespmem:s29+$0xFFFFFDC0];
	[tilespmem:v60+s21+$0x0] =	vst.idx.msk $0xffff, v53  }
0x262: {  	v50 =	vadd.s32 v59, v41;
	[tilespmem:v36+s21+$0x0] =	vst.idx.msk $0xffff, v2;
	v2 =	vld [tilespmem:s29+$0xFFFFFE40]  }
0x263: {  	v52 =	vadd.s32 v18, v42;
	[tilespmem:v37+s21+$0x0] =	vst.idx.msk $0xffff, v3;
	v3 =	vld [tilespmem:s29+$0xFFFFFE80]  }
0x264: {  	[tilespmem:v10+s21+$0x0] =	vst.idx.msk $0xffff, v9;
	v9 =	vld [tilespmem:s29+$0xFFFFFE00];
	v10 =	vadd.s32 v27, v40  }
0x265: {  	v34 =	vadd.s32 v59, v34;
	v63 =	vld [tilespmem:s29+$0xFFFFFC40];
	[tilespmem:v25+s21+$0x0] =	vst.idx.msk $0xffff, v24  }
0x266: {  	[tilespmem:v8+s21+$0x0] =	vst.idx.msk $0xffff, v0;
	v0 =	vld [tilespmem:s29+$0xFFFFFF00];
	v8 =	vadd.s32 v26, v44  }
0x267: {  	v61 =	vadd.s32 v58, v46;
	[tilespmem:v50+s21+$0x0] =	vst.idx.msk $0xffff, v2;
	v2 =	vld [tilespmem:s29+$0xFFFFFF80]  }
0x268: {  	v62 =	vadd.s32 v57, v47;
	[tilespmem:v52+s21+$0x0] =	vst.idx.msk $0xffff, v3;
	v3 =	vld [tilespmem:s29+$0xFFFFFFC0]  }
0x269: {  	[tilespmem:v10+s21+$0x0] =	vst.idx.msk $0xffff, v9;
	v9 =	vld [tilespmem:s29+$0xFFFFFF40];
	v10 =	vadd.s32 v30, v45  }
0x26a: {  	[tilespmem:v34+s21+$0x0] =	vst.idx.msk $0xffff, v63  }
0x26b: {  	[tilespmem:v8+s21+$0x0] =	vst.idx.msk $0xffff, v0  }
0x26c: {  	[tilespmem:v61+s21+$0x0] =	vst.idx.msk $0xffff, v2  }
0x26d: {  	[tilespmem:v62+s21+$0x0] =	vst.idx.msk $0xffff, v3  }
0x26e: {  	s14 =	sadd.s32 s26, s7;
	s12 =	simm.s32 $0x18600;
	[tilespmem:v10+s21+$0x0] =	vst.idx.msk $0xffff, v9  }
0x26f: {  	[hbm4b:s14+s3] =	stream.linear.scatter [tilespmem:s12], [sflag:$0x3], $0x80, $0x38;
	[tilespmem:$0x1A800] =	vst v63  }
0x270: {  	s31 =	simm.s32 $0x18688;
	s2 =	sadd.s32 $0x10, s14  }
0x271: {  	[hbm4b:s2+s3] =	stream.linear.scatter [tilespmem:s31], [sflag:$0x3], $0x80, $0x38;
	[tilespmem:$0x1A800] =	vst v63  }
0x272: {  	s12 =	simm.s32 $0x18710;
	s31 =	sadd.s32 $0x20, s14  }
0x273: {  	[hbm4b:s31+s3] =	stream.linear.scatter [tilespmem:s12], [sflag:$0x3], $0x80, $0x38;
	[tilespmem:$0x1A800] =	vst v63  }
0x274: {  	s12 =	simm.s32 $0x18798;
	s31 =	sadd.s32 $0x30, s14  }
0x275: {  	[hbm4b:s31+s3] =	stream.linear.scatter [tilespmem:s12], [sflag:$0x3], $0x80, $0x38;
	[tilespmem:$0x1A800] =	vst v63  }
0x276: {  	s12 =	simm.s32 $0x18820;
	s31 =	sadd.s32 $0x40, s14  }
0x277: {  	[hbm4b:s31+s3] =	stream.linear.scatter [tilespmem:s12], [sflag:$0x3], $0x80, $0x38;
	[tilespmem:$0x1A800] =	vst v63  }
0x278: {  	s0 =	simm.s32 $0x2200;
	s12 =	simm.s32 $0x188A8;
	s31 =	sadd.s32 $0x50, s14  }
0x279: {  	[hbm4b:s31+s3] =	stream.linear.scatter [tilespmem:s12], [sflag:$0x3], $0x80, $0x38;
	[tilespmem:$0x1A800] =	vst v63  }
0x27a: {  	s30 =	sadd.s32 $0x1000, s14;
	s12 =	simm.s32 $0x18930;
	s31 =	sadd.s32 $0x60, s14  }
0x27b: {  	v15 =	vmov v55;
	v23 =	vmov v58;
	[hbm4b:s31+s3] =	stream.linear.scatter [tilespmem:s12], [sflag:$0x3], $0x80, $0x38;
	[tilespmem:$0x1A800] =	vst v63  }
0x27c: {  	v19 =	vmovc v56;
	v16 =	vmovc v54;
	v20 =	vmov v27;
	v17 =	vmov v51;
	v14 =	vmov v57;
	s29 =	simm.s32 $0x440;
	s2 =	simm.s32 $0x189B8;
	s12 =	sadd.s32 $0x70, s14  }
.LBB2_9:
0x27d: {  	[hbm4b:s12+s3] =	stream.linear.scatter [tilespmem:s2], [sflag:$0x3], $0x80, $0x38;
	[tilespmem:$0x1A800] =	vst v63  }
0x27e: {  	s2 =	smov.u32 s29;
	s12 =	smov.u32 s0  }
0x27f: {  	s14 =	sadd.s32 $0x1100, s0;
	s29 =	sshra.s32 s12, $0x2;
	s12 =	sadd.s32 $0x18600, s2  }
0x280: {  	[hbm4b:s30+s3] =	stream.linear.scatter [tilespmem:s12], [sflag:$0x3], $0x80, $0x38;
	[tilespmem:$0x1A800] =	vst v63  }
0x281: {  	p1 =	sne.s32 s0, $0x7700;
	s0 =	sadd.s32 $0x18688, s2;
	s12 =	sadd.s32 $0x10, s30  }
0x282: {  	[hbm4b:s12+s3] =	stream.linear.scatter [tilespmem:s0], [sflag:$0x3], $0x80, $0x38;
	[tilespmem:$0x1A800] =	vst v63  }
0x283: {  	s0 =	sadd.s32 $0x18710, s2;
	s12 =	sadd.s32 $0x20, s30  }
0x284: {  	[hbm4b:s12+s3] =	stream.linear.scatter [tilespmem:s0], [sflag:$0x3], $0x80, $0x38;
	[tilespmem:$0x1A800] =	vst v63  }
0x285: {  	s0 =	sadd.s32 $0x18798, s2;
	s12 =	sadd.s32 $0x30, s30  }
0x286: {  	[hbm4b:s12+s3] =	stream.linear.scatter [tilespmem:s0], [sflag:$0x3], $0x80, $0x38;
	[tilespmem:$0x1A800] =	vst v63  }
0x287: {  	s0 =	sadd.s32 $0x18820, s2;
	s12 =	sadd.s32 $0x40, s30  }
0x288: {  	[hbm4b:s12+s3] =	stream.linear.scatter [tilespmem:s0], [sflag:$0x3], $0x80, $0x38;
	[tilespmem:$0x1A800] =	vst v63  }
.Ltmp3:
0x289: {  	s0 =	sadd.s32 $0x188A8, s2;
	s12 =	sadd.s32 $0x50, s30;
	(pc) =	sbr.rel @p1 .LBB2_9-.Ltmp3, $4  }
0x28a: {  	[hbm4b:s12+s3] =	stream.linear.scatter [tilespmem:s0], [sflag:$0x3], $0x80, $0x38;
	[tilespmem:$0x1A800] =	vst v63  }
0x28b: {  	s0 =	sadd.s32 $0x18930, s2;
	s12 =	sadd.s32 $0x60, s30;
	s2 =	sadd.s32 $0x189B8, s2  }
0x28c: {  	[hbm4b:s12+s3] =	stream.linear.scatter [tilespmem:s0], [sflag:$0x3], $0x80, $0x38;
	[tilespmem:$0x1A800] =	vst v63  }
0x28d: {  	s12 =	sadd.s32 $0x70, s30;
	s30 =	sadd.s32 $0x1000, s30;
	s0 =	smov.u32 s14  }
0x28e: {  	[hbm4b:s12+s3] =	stream.linear.scatter [tilespmem:s2], [sflag:$0x3], $0x80, $0x38;
	[tilespmem:$0x1A800] =	vst v63  }
0x28f: {  	s0 =	sadd.s32 $0x18600, s29  }
0x290: {  	[hbm4b:s30+s3] =	stream.linear.scatter [tilespmem:s0], [sflag:$0x3], $0x80, $0x38;
	[tilespmem:$0x1A800] =	vst v63  }
0x291: {  	s2 =	sadd.s32 $0x18688, s29;
	s12 =	sadd.s32 $0x10, s30  }
0x292: {  	[hbm4b:s12+s3] =	stream.linear.scatter [tilespmem:s2], [sflag:$0x3], $0x80, $0x38;
	[tilespmem:$0x1A800] =	vst v63  }
0x293: {  	s14 =	sadd.s32 $0x18710, s29;
	s31 =	sadd.s32 $0x20, s30  }
0x294: {  	[hbm4b:s31+s3] =	stream.linear.scatter [tilespmem:s14], [sflag:$0x3], $0x80, $0x38;
	[tilespmem:$0x1A800] =	vst v63  }
0x295: {  	s2 =	sadd.s32 $0x18798, s29;
	s12 =	sadd.s32 $0x30, s30  }
0x296: {  	[hbm4b:s12+s3] =	stream.linear.scatter [tilespmem:s2], [sflag:$0x3], $0x80, $0x38;
	[tilespmem:$0x1A800] =	vst v63  }
0x297: {  	s14 =	sadd.s32 $0x18820, s29;
	s31 =	sadd.s32 $0x40, s30  }
0x298: {  	[hbm4b:s31+s3] =	stream.linear.scatter [tilespmem:s14], [sflag:$0x3], $0x80, $0x38;
	[tilespmem:$0x1A800] =	vst v63  }
0x299: {  	s2 =	sadd.s32 $0x188A8, s29;
	s12 =	sadd.s32 $0x50, s30  }
0x29a: {  	[hbm4b:s12+s3] =	stream.linear.scatter [tilespmem:s2], [sflag:$0x3], $0x80, $0x38;
	[tilespmem:$0x1A800] =	vst v63  }
0x29b: {  	s14 =	sadd.s32 $0x18930, s29;
	s31 =	sadd.s32 $0x60, s30  }
0x29c: {  	[hbm4b:s31+s3] =	stream.linear.scatter [tilespmem:s14], [sflag:$0x3], $0x80, $0x38;
	[tilespmem:$0x1A800] =	vst v63  }
0x29d: {  	s14 =	simm.s32 $0x1  }
0x29e: {  	v2 =	vmov s14;
	s14 =	simm.s32 $0x4  }
0x29f: {  	v5 =	vmov s14;
	s14 =	simm.s32 $0x7  }
0x2a0: {  	s12 =	simm.s32 $0x0;
	v8 =	vmov s14;
	s14 =	simm.s32 $0xA  }
0x2a1: {  	v0 =	vmov s12;
	s12 =	simm.s32 $0x6;
	v33 =	vmov s14;
	s14 =	simm.s32 $0xC  }
0x2a2: {  	s30 =	sadd.s32 $0x70, s30;
	v7 =	vmov s12;
	s12 =	simm.s32 $0xF;
	v35 =	vmov s14;
	s14 =	sadd.s32 $0x189B8, s29  }
0x2a3: {  	[hbm4b:s30+s3] =	stream.linear.scatter [tilespmem:s14], [sflag:$0x3], $0x80, $0x38;
	[tilespmem:$0x1A800] =	vst v63  }
0x2a4: {  	v38 =	vmov s12;
	_ =	swait.ge [sflag:s22], $0x2000  }
0x2a5: {  	s31 =	simm.s32 $0x2;
	v0 =	vshrl.u32 v0, $0x3;
	v38 =	vshrl.u32 v38, $0x3;
	v22 =	vld [tilespmem:$0x1FE30]  }
0x2a6: {  	v3 =	vmov s31;
	v0 =	vshll.u32 v0, v1;
	v38 =	vshll.u32 v38, v1;
	v24 =	vld [tilespmem:$0x1FE60]  }
0x2a7: {  	v2 =	vshrl.u32 v2, $0x3;
	v3 =	vshrl.u32 v3, $0x3;
	v48 =	vbroadcast v38, $0x0;
	[sflag:s22] =	ssyncset.done $0x0  }
0x2a8: {  	v44 =	vshrl.u32 v33, $0x3;
	v33 =	vbroadcast v0, $0x0;
	v0 =	vshll.u32 v2, v1;
	v18 =	vld [tilespmem:$0x1FEA0];
	[sflag:s22] =	ssyncadd.s32 $0xFFFFE000  }
0x2a9: {  	s2 =	simm.s32 $0x3;
	v47 =	vbroadcast v0, $0x0;
	v0 =	vshll.u32 v3, v1;
	v3 =	vadd.s32 v16, v48;
	v2 =	vld [tilespmem:s28+$0xFFFFFFD0]  }
0x2aa: {  	v4 =	vmov s2;
	s2 =	simm.s32 $0x9;
	v61 =	vld [tilespmem:s28+$0xFFFFFC10];
	v41 =	vadd.s32 v22, v33  }
0x2ab: {  	v10 =	vmov s2;
	v4 =	vshrl.u32 v4, $0x3;
	s31 =	simm.s32 $0x5;
	v62 =	vld [tilespmem:s28+$0xFFFFFC50];
	v42 =	vadd.s32 v24, v47  }
0x2ac: {  	v7 =	vshrl.u32 v7, $0x3;
	v10 =	vshrl.u32 v10, $0x3;
	v6 =	vmov s31;
	s31 =	simm.s32 $0x8;
	v13 =	vld [tilespmem:$0x1FEE0]  }
0x2ad: {  	v55 =	vshll.u32 v7, v1;
	v9 =	vmov s31;
	v5 =	vshrl.u32 v5, $0x3;
	v12 =	vld [tilespmem:$0x1FF20]  }
0x2ae: {  	s31 =	simm.s32 $0xB;
	v6 =	vshrl.u32 v6, $0x3;
	v46 =	vbroadcast v0, $0x0;
	v0 =	vshll.u32 v4, v1;
	[tilespmem:v3+s20+$0x0] =	vst.idx.msk $0xffff, v2  }
0x2af: {  	v34 =	vmov s31;
	v45 =	vbroadcast v0, $0x0;
	v0 =	vshll.u32 v5, v1;
	v63 =	vld [tilespmem:s28+$0xFFFFFC90];
	[tilespmem:v41+s20+$0x0] =	vst.idx.msk $0xffff, v61  }
0x2b0: {  	v8 =	vshrl.u32 v8, $0x3;
	v39 =	vbroadcast v0, $0x0;
	v54 =	vld [tilespmem:s28+$0xFFFFFCD0];
	v43 =	vadd.s32 v18, v46;
	[tilespmem:v42+s20+$0x0] =	vst.idx.msk $0xffff, v62  }
0x2b1: {  	v9 =	vshrl.u32 v9, $0x3;
	v6 =	vshll.u32 v6, v1;
	v49 =	vadd.s32 v13, v45;
	v21 =	vld [tilespmem:$0x1FF60]  }
0x2b2: {  	v38 =	vbroadcast v55, $0x0;
	v50 =	vld [tilespmem:s28+$0xFFFFFD10];
	v51 =	vadd.s32 v12, v39;
	v2 =	vshll.u32 v8, v1  }
0x2b3: {  	v40 =	vbroadcast v6, $0x0;
	v56 =	vadd.s32 v15, v48;
	v3 =	vld [tilespmem:s28+$0xFFFFFFE0];
	v41 =	vbroadcast v2, $0x0  }
0x2b4: {  	v59 =	vld [tilespmem:s28+$0xFFFFFD90];
	v8 =	vadd.s32 v19, v38;
	v2 =	vshll.u32 v9, v1;
	v62 =	vshll.u32 v44, v1  }
0x2b5: {  	s31 =	simm.s32 $0xD;
	v9 =	vld [tilespmem:s28+$0xFFFFFDD0];
	[tilespmem:v43+s20+$0x0] =	vst.idx.msk $0xffff, v63;
	v42 =	vbroadcast v2, $0x0;
	v2 =	vshll.u32 v10, v1;
	v10 =	vadd.s32 v16, v41  }
0x2b6: {  	v36 =	vmov s31;
	v57 =	vld [tilespmem:s28+$0xFFFFFD50];
	[tilespmem:v49+s20+$0x0] =	vst.idx.msk $0xffff, v54;
	v44 =	vbroadcast v62, $0x0;
	v58 =	vadd.s32 v21, v40  }
0x2b7: {  	v0 =	vshrl.u32 v34, $0x3;
	v60 =	vld [tilespmem:s28+$0xFFFFFE10];
	[tilespmem:v51+s20+$0x0] =	vst.idx.msk $0xffff, v50;
	v43 =	vbroadcast v2, $0x0;
	v61 =	vadd.s32 v22, v42  }
0x2b8: {  	v35 =	vshrl.u32 v35, $0x3;
	v0 =	vshll.u32 v0, v1;
	v55 =	vld [tilespmem:s28+$0xFFFFFE90];
	[tilespmem:v56+s20+$0x0] =	vst.idx.msk $0xffff, v3;
	v56 =	vadd.s32 v18, v44  }
0x2b9: {  	v34 =	vbroadcast v0, $0x0;
	v0 =	vshll.u32 v35, v1;
	v63 =	vld [tilespmem:s28+$0xFFFFFE50];
	[tilespmem:v8+s20+$0x0] =	vst.idx.msk $0xffff, v59;
	v52 =	vadd.s32 v24, v43  }
0x2ba: {  	s2 =	simm.s32 $0xE;
	v35 =	vbroadcast v0, $0x0;
	v54 =	vadd.s32 v17, v48;
	v2 =	vshrl.u32 v36, $0x3;
	v3 =	vld [tilespmem:s28+$0xFFFFFFF0];
	[tilespmem:v10+s20+$0x0] =	vst.idx.msk $0xffff, v9  }
0x2bb: {  	v37 =	vmov s2;
	v0 =	vshll.u32 v2, v1;
	v2 =	vld [tilespmem:s28+$0xFFFFFED0];
	[tilespmem:v58+s20+$0x0] =	vst.idx.msk $0xffff, v57;
	v57 =	vadd.s32 v13, v34  }
0x2bc: {  	v37 =	vshrl.u32 v37, $0x3;
	v8 =	vld [tilespmem:s28+$0xFFFFFF10];
	v9 =	vadd.s32 v12, v35;
	[tilespmem:v61+s20+$0x0] =	vst.idx.msk $0xffff, v60  }
0x2bd: {  	v36 =	vbroadcast v0, $0x0;
	v0 =	vshll.u32 v37, v1;
	[tilespmem:v56+s20+$0x0] =	vst.idx.msk $0xffff, v55  }
0x2be: {  	v37 =	vbroadcast v0, $0x0;
	v0 =	vld [tilespmem:s28+$0xFFFFFF50];
	[tilespmem:v52+s20+$0x0] =	vst.idx.msk $0xffff, v63  }
0x2bf: {  	v61 =	vld [tilespmem:s28+$0xFFFFFC60];
	[tilespmem:v54+s20+$0x0] =	vst.idx.msk $0xffff, v3  }
0x2c0: {  	v10 =	vadd.s32 v21, v36;
	v13 =	vld [tilespmem:$0x1FE70];
	[tilespmem:v57+s20+$0x0] =	vst.idx.msk $0xffff, v2  }
0x2c1: {  	v18 =	vld [tilespmem:$0x1FEB0];
	[tilespmem:v9+s20+$0x0] =	vst.idx.msk $0xffff, v8  }
0x2c2: {  	v24 =	vld [tilespmem:$0x1FEF0]  }
0x2c3: {  	v59 =	vadd.s32 v19, v37;
	v58 =	vld [tilespmem:s28+$0xFFFFFF90]  }
0x2c4: {  	v60 =	vadd.s32 v20, v48;
	v3 =	vld [tilespmem:s28+$0x0]  }
0x2c5: {  	v2 =	vld [tilespmem:s28+$0xFFFFFCA0];
	v62 =	vadd.s32 v13, v47;
	[tilespmem:v10+s20+$0x0] =	vst.idx.msk $0xffff, v0  }
0x2c6: {  	v28 =	vld [tilespmem:$0x1FF30];
	v63 =	vadd.s32 v18, v46  }
0x2c7: {  	v8 =	vld [tilespmem:s28+$0xFFFFFCE0];
	v9 =	vadd.s32 v24, v45  }
0x2c8: {  	[tilespmem:v59+s20+$0x0] =	vst.idx.msk $0xffff, v58  }
0x2c9: {  	v32 =	vld [tilespmem:$0x1FF70];
	[tilespmem:v60+s20+$0x0] =	vst.idx.msk $0xffff, v3  }
0x2ca: {  	[tilespmem:v62+s20+$0x0] =	vst.idx.msk $0xffff, v61  }
0x2cb: {  	v0 =	vld [tilespmem:s28+$0xFFFFFD20];
	v10 =	vadd.s32 v28, v39;
	[tilespmem:v63+s20+$0x0] =	vst.idx.msk $0xffff, v2  }
0x2cc: {  	v3 =	vld [tilespmem:s28+$0xFFFFFDA0];
	[tilespmem:v9+s20+$0x0] =	vst.idx.msk $0xffff, v8  }
0x2cd: {  	v54 =	vadd.s32 v31, v38;
	v12 =	vld [tilespmem:$0x1FE00]  }
0x2ce: {  	v52 =	vld [tilespmem:s28+$0xFFFFFD60];
	v53 =	vadd.s32 v32, v40  }
0x2cf: {  	v55 =	vadd.s32 v15, v41;
	v2 =	vld [tilespmem:s28+$0xFFFFFDE0]  }
0x2d0: {  	v8 =	vadd.s32 v13, v43;
	[tilespmem:v10+s20+$0x0] =	vst.idx.msk $0xffff, v0;
	v0 =	vld [tilespmem:s28+$0xFFFFFE60]  }
0x2d1: {  	v9 =	vld [tilespmem:s28+$0xFFFFFEA0];
	v10 =	vadd.s32 v18, v44  }
0x2d2: {  	v56 =	vld [tilespmem:s28+$0xFFFFFE20];
	[tilespmem:v54+s20+$0x0] =	vst.idx.msk $0xffff, v3;
	v57 =	vadd.s32 v12, v42  }
0x2d3: {  	v58 =	vadd.s32 v24, v34;
	v3 =	vld [tilespmem:s28+$0xFFFFFEE0];
	[tilespmem:v53+s20+$0x0] =	vst.idx.msk $0xffff, v52  }
0x2d4: {  	v59 =	vadd.s32 v28, v35;
	[tilespmem:v55+s20+$0x0] =	vst.idx.msk $0xffff, v2;
	v2 =	vld [tilespmem:s28+$0xFFFFFF20]  }
0x2d5: {  	v60 =	vld [tilespmem:s28+$0xFFFFFF60];
	[tilespmem:v8+s20+$0x0] =	vst.idx.msk $0xffff, v0  }
0x2d6: {  	v62 =	vld [tilespmem:s28+$0xFFFFFC20];
	[tilespmem:v10+s20+$0x0] =	vst.idx.msk $0xffff, v9  }
0x2d7: {  	v61 =	vadd.s32 v32, v36;
	v0 =	vld [tilespmem:s28+$0xFFFFFFA0];
	[tilespmem:v57+s20+$0x0] =	vst.idx.msk $0xffff, v56  }
0x2d8: {  	v8 =	vadd.s32 v31, v37;
	v18 =	vld [tilespmem:$0x1FE80];
	[tilespmem:v58+s20+$0x0] =	vst.idx.msk $0xffff, v3  }
0x2d9: {  	v63 =	vadd.s32 v12, v33;
	v21 =	vld [tilespmem:$0x1FEC0];
	[tilespmem:v59+s20+$0x0] =	vst.idx.msk $0xffff, v2  }
0x2da: {  	v25 =	vld [tilespmem:$0x1FF00]  }
0x2db: {  	v9 =	vld [tilespmem:s28+$0xFFFFFC70]  }
0x2dc: {  	v3 =	vld [tilespmem:s28+$0xFFFFFCB0];
	[tilespmem:v61+s20+$0x0] =	vst.idx.msk $0xffff, v60  }
0x2dd: {  	v29 =	vld [tilespmem:$0x1FF40];
	[tilespmem:v8+s20+$0x0] =	vst.idx.msk $0xffff, v0;
	v10 =	vadd.s32 v18, v47  }
0x2de: {  	v2 =	vld [tilespmem:s28+$0xFFFFFCF0];
	[tilespmem:v63+s20+$0x0] =	vst.idx.msk $0xffff, v62;
	v51 =	vadd.s32 v21, v46  }
0x2df: {  	v27 =	vld [tilespmem:$0x1FF80];
	v52 =	vadd.s32 v25, v45;
	_ =	sdelay $0x2  }
0x2e0: {  	[tilespmem:v10+s20+$0x0] =	vst.idx.msk $0xffff, v9  }
0x2e1: {  	v53 =	vld [tilespmem:s28+$0xFFFFFD30];
	[tilespmem:v51+s20+$0x0] =	vst.idx.msk $0xffff, v3  }
0x2e2: {  	v0 =	vld [tilespmem:s28+$0xFFFFFD70];
	v8 =	vadd.s32 v27, v40;
	[tilespmem:v52+s20+$0x0] =	vst.idx.msk $0xffff, v2  }
0x2e3: {  	v54 =	vadd.s32 v29, v39;
	v13 =	vld [tilespmem:$0x1FE40]  }
0x2e4: {  	v9 =	vld [tilespmem:s28+$0xFFFFFDB0];
	v10 =	vadd.s32 v11, v38  }
0x2e5: {  	v55 =	vadd.s32 v17, v41;
	v3 =	vld [tilespmem:s28+$0xFFFFFDF0]  }
0x2e6: {  	v57 =	vld [tilespmem:s28+$0xFFFFFE70];
	v58 =	vadd.s32 v18, v43  }
0x2e7: {  	[tilespmem:v8+s20+$0x0] =	vst.idx.msk $0xffff, v0;
	v0 =	vld [tilespmem:s28+$0xFFFFFEB0];
	v8 =	vadd.s32 v21, v44  }
0x2e8: {  	v2 =	vld [tilespmem:s28+$0xFFFFFE30];
	[tilespmem:v54+s20+$0x0] =	vst.idx.msk $0xffff, v53;
	v56 =	vadd.s32 v13, v42  }
0x2e9: {  	[tilespmem:v10+s20+$0x0] =	vst.idx.msk $0xffff, v9;
	v9 =	vld [tilespmem:s28+$0xFFFFFEF0];
	v10 =	vadd.s32 v25, v34  }
0x2ea: {  	v4 =	vadd.s32 v29, v35;
	[tilespmem:v55+s20+$0x0] =	vst.idx.msk $0xffff, v3;
	v3 =	vld [tilespmem:s28+$0xFFFFFF30]  }
0x2eb: {  	[tilespmem:v58+s20+$0x0] =	vst.idx.msk $0xffff, v57  }
0x2ec: {  	[tilespmem:v8+s20+$0x0] =	vst.idx.msk $0xffff, v0  }
0x2ed: {  	[tilespmem:v56+s20+$0x0] =	vst.idx.msk $0xffff, v2;
	v2 =	vld [tilespmem:s28+$0xFFFFFF70]  }
0x2ee: {  	v18 =	vld [tilespmem:$0x1FE90];
	[tilespmem:v10+s20+$0x0] =	vst.idx.msk $0xffff, v9  }
0x2ef: {  	v22 =	vld [tilespmem:$0x1FED0];
	[tilespmem:v4+s20+$0x0] =	vst.idx.msk $0xffff, v3  }
0x2f0: {  	v5 =	vadd.s32 v27, v36;
	v26 =	vld [tilespmem:$0x1FF10]  }
0x2f1: {  	v61 =	vadd.s32 v11, v37;
	v60 =	vld [tilespmem:s28+$0xFFFFFFB0]  }
0x2f2: {  	v62 =	vld [tilespmem:s28+$0xFFFFFC30];
	v63 =	vadd.s32 v13, v33  }
0x2f3: {  	s31 =	simm.s32 $0x10;
	v54 =	vld [tilespmem:s28+$0xFFFFFC80];
	v47 =	vadd.s32 v18, v47  }
0x2f4: {  	v59 =	vmov s31;
	v56 =	vld [tilespmem:s28+$0xFFFFFCC0];
	v58 =	vadd.s32 v22, v46  }
0x2f5: {  	v49 =	vshrl.u32 v59, $0x3;
	v4 =	vld [tilespmem:s28+$0xFFFFFD00];
	[tilespmem:v5+s20+$0x0] =	vst.idx.msk $0xffff, v2;
	v59 =	vadd.s32 v26, v45  }
0x2f6: {  	s14 =	simm.s32 $0x13;
	v30 =	vld [tilespmem:$0x1FF50];
	[tilespmem:v61+s20+$0x0] =	vst.idx.msk $0xffff, v60  }
0x2f7: {  	s2 =	simm.s32 $0x11;
	v8 =	vmov s14;
	s14 =	simm.s32 $0x17;
	[tilespmem:v63+s20+$0x0] =	vst.idx.msk $0xffff, v62  }
0x2f8: {  	s12 =	simm.s32 $0x12;
	s30 =	simm.s32 $0x14;
	v7 =	vadd.s32 v23, v40;
	v6 =	vld [tilespmem:s28+$0xFFFFFD80];
	v55 =	vmov s2;
	v52 =	vmov s14;
	s14 =	simm.s32 $0x1C;
	[tilespmem:v47+s20+$0x0] =	vst.idx.msk $0xffff, v54  }
0x2f9: {  	s31 =	simm.s32 $0x15;
	v0 =	vmov s12;
	s12 =	simm.s32 $0x16;
	v51 =	vmov s14;
	v9 =	vmov s30;
	[tilespmem:v58+s20+$0x0] =	vst.idx.msk $0xffff, v56  }
0x2fa: {  	v40 =	vshrl.u32 v8, $0x3;
	v10 =	vmov s31;
	s30 =	simm.s32 $0x18;
	v3 =	vmov s12;
	v2 =	vld [tilespmem:s28+$0xFFFFFD40];
	[tilespmem:v59+s20+$0x0] =	vst.idx.msk $0xffff, v4  }
0x2fb: {  	v53 =	vmov s30;
	s12 =	simm.s32 $0x1B;
	s30 =	simm.s32 $0x1D;
	v60 =	vadd.s32 v14, v38;
	v39 =	vadd.s32 v30, v39;
	v14 =	vld [tilespmem:$0x1FE50]  }
0x2fc: {  	v57 =	vld [tilespmem:s28+$0xFFFFFDC0];
	v50 =	vmov s12;
	v48 =	vmov s30;
	v61 =	vadd.s32 v20, v41  }
0x2fd: {  	s2 =	simm.s32 $0x1A;
	s31 =	simm.s32 $0x19;
	v38 =	vshrl.u32 v9, $0x3;
	v63 =	vadd.s32 v18, v43;
	v41 =	vshrl.u32 v10, $0x3;
	v43 =	vld [tilespmem:s28+$0xFFFFFEC0]  }
0x2fe: {  	v46 =	vmov s2;
	v44 =	vadd.s32 v22, v44;
	v45 =	vmov s31;
	s31 =	simm.s32 $0x1E;
	v58 =	vld [tilespmem:s28+$0xFFFFFE00]  }
0x2ff: {  	v54 =	vshll.u32 v49, v1;
	v49 =	vmov s31;
	v56 =	vshrl.u32 v55, $0x3;
	v59 =	vld [tilespmem:s28+$0xFFFFFE40];
	[tilespmem:v7+s20+$0x0] =	vst.idx.msk $0xffff, v6  }
0x300: {  	s0 =	simm.s32 $0x1F;
	s29 =	simm.s32 $0x20;
	v55 =	vshrl.u32 v0, $0x3;
	[tilespmem:v39+s20+$0x0] =	vst.idx.msk $0xffff, v2;
	v39 =	vshrl.u32 v3, $0x3;
	v62 =	vadd.s32 v14, v42;
	v42 =	vld [tilespmem:s28+$0xFFFFFE80]  }
.LBB2_11:
0x301: {  	v3 =	vld [tilespmem:s28+$0xFFFFFF00]  }
0x302: {  	v6 =	vld [tilespmem:s28+$0xFFFFFF40]  }
0x303: {  	v9 =	vld [tilespmem:s28+$0xFFFFFF80]  }
0x304: {  	v7 =	vadd.s32 v30, v35;
	v35 =	vld [tilespmem:s28+$0xFFFFFFC0]  }
0x305: {  	v0 =	vshrl.u32 v52, $0x3;
	v52 =	vld [tilespmem:$0x1FE30]  }
0x306: {  	v5 =	vshrl.u32 v53, $0x3;
	v53 =	vld [tilespmem:$0x1FE60]  }
0x307: {  	v47 =	vadd.s32 v14, v33;
	v33 =	vbroadcast v54, $0x0;
	v54 =	vld [tilespmem:$0x1FF20]  }
0x308: {  	v2 =	vmov s0;
	[tilespmem:v60+s20+$0x0] =	vst.idx.msk $0xffff, v57;
	v60 =	vld [tilespmem:$0x1FE20]  }
0x309: {  	v4 =	vadd.s32 v26, v34;
	v2 =	vshrl.u32 v2, $0x3;
	[tilespmem:v63+s20+$0x0] =	vst.idx.msk $0xffff, v42;
	v63 =	vld [tilespmem:s28+$0xFFFFFC40]  }
0x30a: {  	v2 =	vshll.u32 v2, v1;
	[tilespmem:v62+s20+$0x0] =	vst.idx.msk $0xffff, v59;
	v62 =	vshll.u32 v56, v1;
	v56 =	vld [tilespmem:$0x1FEA0]  }
0x30b: {  	v10 =	vadd.s32 v23, v36;
	v2 =	vbroadcast v2, $0x0;
	[tilespmem:v61+s20+$0x0] =	vst.idx.msk $0xffff, v58;
	v58 =	vshll.u32 v55, v1;
	v55 =	vld [tilespmem:$0x1FEE0]  }
0x30c: {  	s28 =	sadd.s32 $0x400, s28;
	v57 =	vld [tilespmem:$0x1FF60]  }
0x30d: {  	v8 =	vshrl.u32 v45, $0x3;
	[tilespmem:v44+s20+$0x0] =	vst.idx.msk $0xffff, v43;
	v45 =	vbroadcast v62, $0x0;
	v43 =	vld [tilespmem:s28+$0xFFFFFFD0];
	v44 =	vadd.s32 v16, v2  }
0x30e: {  	v34 =	vshrl.u32 v46, $0x3;
	v41 =	vshll.u32 v41, v1;
	[tilespmem:v4+s20+$0x0] =	vst.idx.msk $0xffff, v3;
	v3 =	vld [tilespmem:s28+$0xFFFFFC10];
	v4 =	vadd.s32 v52, v33  }
0x30f: {  	v61 =	vshll.u32 v38, v1;
	v46 =	vbroadcast v58, $0x0;
	[tilespmem:v7+s20+$0x0] =	vst.idx.msk $0xffff, v6;
	v6 =	vld [tilespmem:s28+$0xFFFFFC50];
	v7 =	vadd.s32 v53, v45  }
0x310: {  	v39 =	vshll.u32 v39, v1;
	[tilespmem:v10+s20+$0x0] =	vst.idx.msk $0xffff, v9;
	v9 =	vld [tilespmem:s28+$0xFFFFFC90];
	v38 =	vbroadcast v61, $0x0;
	v36 =	vadd.s32 v60, v37  }
0x311: {  	v0 =	vshll.u32 v0, v1;
	v62 =	vld [tilespmem:s28+$0xFFFFFD10];
	v10 =	vadd.s32 v56, v46;
	[tilespmem:v47+s20+$0x0] =	vst.idx.msk $0xffff, v63  }
0x312: {  	v41 =	vbroadcast v41, $0x0;
	v59 =	vshll.u32 v40, v1;
	v61 =	vld [tilespmem:s28+$0xFFFFFD90];
	v63 =	vadd.s32 v54, v38;
	[tilespmem:v44+s20+$0x0] =	vst.idx.msk $0xffff, v43  }
0x313: {  	v42 =	vbroadcast v0, $0x0;
	v0 =	vshll.u32 v5, v1;
	[tilespmem:v4+s20+$0x0] =	vst.idx.msk $0xffff, v3;
	v4 =	vadd.s32 v15, v2;
	v3 =	vld [tilespmem:s28+$0xFFFFFFE0]  }
0x314: {  	v40 =	vbroadcast v59, $0x0;
	v43 =	vbroadcast v0, $0x0;
	v0 =	vshll.u32 v8, v1;
	v8 =	vld [tilespmem:s28+$0xFFFFFDD0];
	[tilespmem:v7+s20+$0x0] =	vst.idx.msk $0xffff, v6  }
0x315: {  	v39 =	vbroadcast v39, $0x0;
	v59 =	vadd.s32 v57, v41;
	v6 =	vld [tilespmem:s28+$0xFFFFFD50];
	[tilespmem:v36+s20+$0x0] =	vst.idx.msk $0xffff, v35  }
0x316: {  	v35 =	vld [tilespmem:s28+$0xFFFFFCD0];
	v36 =	vadd.s32 v55, v40;
	[tilespmem:v10+s20+$0x0] =	vst.idx.msk $0xffff, v9  }
0x317: {  	v44 =	vbroadcast v0, $0x0;
	v0 =	vshrl.u32 v48, $0x3;
	v48 =	vld [tilespmem:s28+$0xFFFFFE10];
	v9 =	vadd.s32 v19, v39;
	[tilespmem:v63+s20+$0x0] =	vst.idx.msk $0xffff, v62  }
0x318: {  	v62 =	vadd.s32 v52, v43;
	v63 =	vld [tilespmem:s28+$0xFFFFFE50];
	[tilespmem:v4+s20+$0x0] =	vst.idx.msk $0xffff, v3  }
0x319: {  	v37 =	vshrl.u32 v50, $0x3;
	v50 =	vshrl.u32 v51, $0x3;
	v10 =	vadd.s32 v16, v42;
	v4 =	vld [tilespmem:s28+$0xFFFFFFF0]  }
0x31a: {  	v34 =	vshll.u32 v34, v1;
	v3 =	vshll.u32 v50, v1;
	[tilespmem:v59+s20+$0x0] =	vst.idx.msk $0xffff, v6;
	v59 =	vld [tilespmem:s28+$0xFFFFFE90]  }
0x31b: {  	v47 =	vbroadcast v34, $0x0;
	v53 =	vadd.s32 v53, v44;
	[tilespmem:v36+s20+$0x0] =	vst.idx.msk $0xffff, v35;
	v35 =	vbroadcast v3, $0x0;
	v3 =	vld [tilespmem:s28+$0xFFFFFED0]  }
0x31c: {  	v49 =	vshrl.u32 v49, $0x3;
	v58 =	vadd.s32 v17, v2;
	v0 =	vshll.u32 v0, v1;
	[tilespmem:v9+s20+$0x0] =	vst.idx.msk $0xffff, v61;
	v9 =	vld [tilespmem:s28+$0xFFFFFF10]  }
0x31d: {  	v37 =	vshll.u32 v37, v1;
	v61 =	vadd.s32 v56, v47;
	v36 =	vbroadcast v0, $0x0;
	[tilespmem:v62+s20+$0x0] =	vst.idx.msk $0xffff, v48;
	v62 =	vld [tilespmem:s28+$0xFFFFFF90]  }
0x31e: {  	v34 =	vbroadcast v37, $0x0;
	[tilespmem:v10+s20+$0x0] =	vst.idx.msk $0xffff, v8;
	v0 =	vshll.u32 v49, v1;
	v56 =	vld [tilespmem:s28+$0xFFFFFC60];
	v10 =	vadd.s32 v54, v35  }
0x31f: {  	v37 =	vbroadcast v0, $0x0;
	v0 =	vld [tilespmem:s28+$0xFFFFFF50];
	v48 =	vadd.s32 v57, v36  }
0x320: {  	v8 =	vadd.s32 v55, v34;
	[tilespmem:v53+s20+$0x0] =	vst.idx.msk $0xffff, v63;
	v57 =	vld [tilespmem:$0x1FE70]  }
0x321: {  	v55 =	vadd.s32 v12, v43;
	v54 =	vld [tilespmem:s28+$0xFFFFFE20];
	[tilespmem:v58+s20+$0x0] =	vst.idx.msk $0xffff, v4  }
0x322: {  	v63 =	vadd.s32 v19, v37;
	v4 =	vld [tilespmem:s28+$0x0];
	[tilespmem:v61+s20+$0x0] =	vst.idx.msk $0xffff, v59  }
0x323: {  	v2 =	vadd.s32 v20, v2;
	v59 =	vld [tilespmem:$0x1FEB0];
	[tilespmem:v10+s20+$0x0] =	vst.idx.msk $0xffff, v9  }
0x324: {  	[tilespmem:v48+s20+$0x0] =	vst.idx.msk $0xffff, v0;
	v0 =	vld [tilespmem:s28+$0xFFFFFD20];
	v10 =	vadd.s32 v28, v38  }
0x325: {  	[tilespmem:v8+s20+$0x0] =	vst.idx.msk $0xffff, v3;
	v8 =	vld [tilespmem:s28+$0xFFFFFCE0];
	v9 =	vadd.s32 v24, v40  }
0x326: {  	v3 =	vld [tilespmem:s28+$0xFFFFFCA0];
	v58 =	vadd.s32 v57, v45;
	[tilespmem:v55+s20+$0x0] =	vst.idx.msk $0xffff, v54  }
0x327: {  	[tilespmem:v63+s20+$0x0] =	vst.idx.msk $0xffff, v62;
	v62 =	vld [tilespmem:s28+$0xFFFFFD60];
	v63 =	vadd.s32 v32, v41  }
0x328: {  	[tilespmem:v2+s20+$0x0] =	vst.idx.msk $0xffff, v4;
	v2 =	vld [tilespmem:s28+$0xFFFFFDA0];
	v61 =	vadd.s32 v59, v46  }
0x329: {  	v50 =	vadd.s32 v31, v39;
	[tilespmem:v10+s20+$0x0] =	vst.idx.msk $0xffff, v0;
	v0 =	vld [tilespmem:s28+$0xFFFFFE60]  }
0x32a: {  	[tilespmem:v9+s20+$0x0] =	vst.idx.msk $0xffff, v8;
	v8 =	vadd.s32 v57, v44;
	v9 =	vld [tilespmem:s28+$0xFFFFFEA0]  }
0x32b: {  	[tilespmem:v58+s20+$0x0] =	vst.idx.msk $0xffff, v56;
	v10 =	vadd.s32 v59, v47;
	v58 =	vld [tilespmem:s28+$0xFFFFFF60]  }
0x32c: {  	v59 =	vadd.s32 v32, v36;
	[tilespmem:v63+s20+$0x0] =	vst.idx.msk $0xffff, v62;
	v63 =	vld [tilespmem:$0x1FE80]  }
0x32d: {  	v53 =	vadd.s32 v15, v42;
	[tilespmem:v61+s20+$0x0] =	vst.idx.msk $0xffff, v3;
	v3 =	vld [tilespmem:s28+$0xFFFFFDE0]  }
0x32e: {  	v56 =	vadd.s32 v24, v34;
	[tilespmem:v50+s20+$0x0] =	vst.idx.msk $0xffff, v2;
	v2 =	vld [tilespmem:s28+$0xFFFFFEE0]  }
0x32f: {  	v62 =	vadd.s32 v12, v33;
	v61 =	vld [tilespmem:s28+$0xFFFFFC20];
	[tilespmem:v8+s20+$0x0] =	vst.idx.msk $0xffff, v0  }
0x330: {  	v0 =	vld [tilespmem:s28+$0xFFFFFFA0];
	v8 =	vadd.s32 v31, v37;
	[tilespmem:v10+s20+$0x0] =	vst.idx.msk $0xffff, v9  }
0x331: {  	v9 =	vld [tilespmem:s28+$0xFFFFFC70];
	[tilespmem:v59+s20+$0x0] =	vst.idx.msk $0xffff, v58;
	v10 =	vadd.s32 v63, v45  }
0x332: {  	v57 =	vadd.s32 v28, v35;
	[tilespmem:v53+s20+$0x0] =	vst.idx.msk $0xffff, v3;
	v3 =	vld [tilespmem:s28+$0xFFFFFF20]  }
0x333: {  	v51 =	vadd.s32 v21, v46;
	[tilespmem:v56+s20+$0x0] =	vst.idx.msk $0xffff, v2;
	v2 =	vld [tilespmem:s28+$0xFFFFFCB0]  }
0x334: {  	v54 =	vadd.s32 v29, v38;
	v53 =	vld [tilespmem:s28+$0xFFFFFD30];
	[tilespmem:v62+s20+$0x0] =	vst.idx.msk $0xffff, v61  }
0x335: {  	v61 =	vadd.s32 v13, v33;
	v48 =	vld [tilespmem:s28+$0xFFFFFC30];
	[tilespmem:v8+s20+$0x0] =	vst.idx.msk $0xffff, v0  }
0x336: {  	v0 =	vld [tilespmem:s28+$0xFFFFFD70];
	v8 =	vadd.s32 v27, v41;
	[tilespmem:v10+s20+$0x0] =	vst.idx.msk $0xffff, v9  }
0x337: {  	v52 =	vadd.s32 v25, v40;
	[tilespmem:v57+s20+$0x0] =	vst.idx.msk $0xffff, v3;
	v3 =	vld [tilespmem:s28+$0xFFFFFCF0]  }
0x338: {  	v9 =	vld [tilespmem:s28+$0xFFFFFDB0];
	v10 =	vadd.s32 v11, v39;
	[tilespmem:v51+s20+$0x0] =	vst.idx.msk $0xffff, v2  }
0x339: {  	v7 =	vadd.s32 v11, v37;
	v6 =	vld [tilespmem:s28+$0xFFFFFFB0];
	[tilespmem:v54+s20+$0x0] =	vst.idx.msk $0xffff, v53  }
0x33a: {  	v55 =	vadd.s32 v17, v42;
	v2 =	vld [tilespmem:s28+$0xFFFFFDF0];
	[tilespmem:v61+s20+$0x0] =	vst.idx.msk $0xffff, v48  }
0x33b: {  	v58 =	vadd.s32 v63, v44;
	v63 =	vadd.s32 v18, v45;
	v62 =	vld [tilespmem:s28+$0xFFFFFC80];
	[tilespmem:v8+s20+$0x0] =	vst.idx.msk $0xffff, v0  }
0x33c: {  	v56 =	vadd.s32 v13, v43;
	[tilespmem:v52+s20+$0x0] =	vst.idx.msk $0xffff, v3;
	v3 =	vld [tilespmem:s28+$0xFFFFFE30]  }
0x33d: {  	v57 =	vld [tilespmem:s28+$0xFFFFFE70];
	[tilespmem:v10+s20+$0x0] =	vst.idx.msk $0xffff, v9  }
0x33e: {  	v0 =	vld [tilespmem:s28+$0xFFFFFEB0];
	v8 =	vadd.s32 v21, v47;
	[tilespmem:v7+s20+$0x0] =	vst.idx.msk $0xffff, v6  }
0x33f: {  	v9 =	vld [tilespmem:s28+$0xFFFFFEF0];
	v10 =	vadd.s32 v25, v34;
	[tilespmem:v55+s20+$0x0] =	vst.idx.msk $0xffff, v2  }
0x340: {  	v60 =	vadd.s32 v60, v39;
	v4 =	vadd.s32 v29, v35;
	v59 =	vmov s29;
	v2 =	vld [tilespmem:s28+$0xFFFFFF30];
	[tilespmem:v63+s20+$0x0] =	vst.idx.msk $0xffff, v62  }
0x341: {  	v5 =	vadd.s32 v27, v36;
	v40 =	vadd.s32 v26, v40;
	v49 =	vshrl.u32 v59, $0x3;
	[tilespmem:v56+s20+$0x0] =	vst.idx.msk $0xffff, v3;
	v3 =	vld [tilespmem:s28+$0xFFFFFF70]  }
0x342: {  	v59 =	vadd.s32 v22, v46;
	v54 =	vshll.u32 v49, v1;
	v6 =	vld [tilespmem:s28+$0xFFFFFD80];
	[tilespmem:v58+s20+$0x0] =	vst.idx.msk $0xffff, v57  }
0x343: {  	s12 =	sadd.s32 $0x1, s29;
	v61 =	vadd.s32 v20, v42;
	v7 =	vadd.s32 v23, v41;
	v58 =	vld [tilespmem:s28+$0xFFFFFCC0];
	[tilespmem:v8+s20+$0x0] =	vst.idx.msk $0xffff, v0  }
0x344: {  	p1 =	slt.u32 s29, $0x70;
	s14 =	sadd.s32 $0x2, s29;
	s2 =	sadd.s32 $0x3, s29;
	v55 =	vmov s12;
	v62 =	vadd.s32 v14, v43;
	v63 =	vadd.s32 v18, v44;
	v57 =	vld [tilespmem:s28+$0xFFFFFDC0];
	[tilespmem:v10+s20+$0x0] =	vst.idx.msk $0xffff, v9  }
0x345: {  	s30 =	sadd.s32 $0x4, s29;
	s31 =	sadd.s32 $0x5, s29;
	s12 =	sadd.s32 $0x6, s29;
	v44 =	vadd.s32 v22, v47;
	v0 =	vmov s14;
	v8 =	vmov s2;
	[tilespmem:v4+s20+$0x0] =	vst.idx.msk $0xffff, v2;
	v4 =	vld [tilespmem:s28+$0xFFFFFD00]  }
0x346: {  	s14 =	sadd.s32 $0x7, s29;
	s2 =	sadd.s32 $0xA, s29;
	v9 =	vmov s30;
	v10 =	vmov s31;
	s30 =	sadd.s32 $0x8, s29;
	[tilespmem:v5+s20+$0x0] =	vst.idx.msk $0xffff, v3;
	v3 =	vld [tilespmem:s28+$0xFFFFFD40];
	v5 =	vadd.s32 v30, v38  }
.Ltmp4:
0x347: {  	v42 =	vld [tilespmem:s28+$0xFFFFFE80];
	v52 =	vmov s14;
	s31 =	sadd.s32 $0x9, s29;
	v46 =	vmov s2;
	s14 =	sadd.s32 $0xC, s29;
	v2 =	vmov s12;
	(pc) =	sbr.rel @p1 .LBB2_11-.Ltmp4, $4  }
0x348: {  	[tilespmem:v7+s20+$0x0] =	vst.idx.msk $0xffff, v6;
	v53 =	vmov s30;
	v45 =	vmov s31;
	s12 =	sadd.s32 $0xB, s29;
	s30 =	sadd.s32 $0xD, s29;
	v51 =	vmov s14  }
0x349: {  	v43 =	vld [tilespmem:s28+$0xFFFFFEC0];
	s31 =	sadd.s32 $0xE, s29;
	v41 =	vshrl.u32 v10, $0x3;
	v50 =	vmov s12;
	v48 =	vmov s30;
	[tilespmem:v59+s20+$0x0] =	vst.idx.msk $0xffff, v58  }
0x34a: {  	v49 =	vmov s31;
	v58 =	vld [tilespmem:s28+$0xFFFFFE00];
	v56 =	vshrl.u32 v55, $0x3;
	v55 =	vshrl.u32 v0, $0x3;
	[tilespmem:v40+s20+$0x0] =	vst.idx.msk $0xffff, v4  }
0x34b: {  	s0 =	sadd.s32 $0xF, s29;
	s29 =	sadd.s32 $0x10, s29;
	v39 =	vshrl.u32 v2, $0x3;
	v59 =	vld [tilespmem:s28+$0xFFFFFE40];
	v40 =	vshrl.u32 v8, $0x3;
	v38 =	vshrl.u32 v9, $0x3;
	[tilespmem:v5+s20+$0x0] =	vst.idx.msk $0xffff, v3  }
0x34c: {  	_ =	sdelay $0x3  }
0x34d: {  	[tilespmem:v60+s20+$0x0] =	vst.idx.msk $0xffff, v57  }
0x34e: {  	v3 =	vld [tilespmem:s28+$0xFFFFFF00];
	v4 =	vadd.s32 v26, v34;
	[tilespmem:v63+s20+$0x0] =	vst.idx.msk $0xffff, v42  }
0x34f: {  	v6 =	vld [tilespmem:s28+$0xFFFFFF40];
	v7 =	vadd.s32 v30, v35;
	[tilespmem:v61+s20+$0x0] =	vst.idx.msk $0xffff, v58  }
0x350: {  	[tilespmem:v62+s20+$0x0] =	vst.idx.msk $0xffff, v59  }
0x351: {  	v59 =	vld [tilespmem:$0x1FE20]  }
0x352: {  	[tilespmem:v44+s20+$0x0] =	vst.idx.msk $0xffff, v43  }
0x353: {  	v2 =	vmov s0;
	v9 =	vld [tilespmem:s28+$0xFFFFFF80];
	[tilespmem:v4+s20+$0x0] =	vst.idx.msk $0xffff, v3  }
0x354: {  	v5 =	vshrl.u32 v53, $0x3;
	v2 =	vshrl.u32 v2, $0x3;
	v53 =	vld [tilespmem:$0x1FE30];
	[tilespmem:v7+s20+$0x0] =	vst.idx.msk $0xffff, v6  }
0x355: {  	v10 =	vadd.s32 v23, v36;
	v2 =	vshll.u32 v2, v1;
	v58 =	vld [tilespmem:$0x1FE60]  }
0x356: {  	v0 =	vshrl.u32 v52, $0x3;
	v42 =	vld [tilespmem:s28+$0xFFFFFFC0];
	v2 =	vbroadcast v2, $0x0;
	v60 =	vadd.s32 v59, v37  }
0x357: {  	v34 =	vbroadcast v54, $0x0;
	v47 =	vld [tilespmem:s28+$0xFFFFFC40];
	v52 =	vadd.s32 v14, v33;
	s28 =	sadd.s32 $0x400, s28;
	v61 =	vshll.u32 v56, v1  }
0x358: {  	v33 =	vbroadcast v61, $0x0;
	v43 =	vld [tilespmem:s28+$0xFFFFFFD0];
	v44 =	vadd.s32 v16, v2  }
0x359: {  	v3 =	vld [tilespmem:s28+$0xFFFFFC10];
	v4 =	vadd.s32 v53, v34  }
0x35a: {  	v6 =	vld [tilespmem:s28+$0xFFFFFC50];
	[tilespmem:v10+s20+$0x0] =	vst.idx.msk $0xffff, v9;
	v7 =	vadd.s32 v58, v33  }
0x35b: {  	v56 =	vld [tilespmem:$0x1FEA0];
	[tilespmem:v60+s20+$0x0] =	vst.idx.msk $0xffff, v42  }
0x35c: {  	v62 =	vshll.u32 v55, v1;
	v55 =	vld [tilespmem:$0x1FEE0];
	[tilespmem:v52+s20+$0x0] =	vst.idx.msk $0xffff, v47  }
0x35d: {  	v54 =	vld [tilespmem:$0x1FF20];
	[tilespmem:v44+s20+$0x0] =	vst.idx.msk $0xffff, v43  }
0x35e: {  	[tilespmem:v4+s20+$0x0] =	vst.idx.msk $0xffff, v3  }
0x35f: {  	v63 =	vshll.u32 v40, v1;
	v35 =	vbroadcast v62, $0x0;
	[tilespmem:v7+s20+$0x0] =	vst.idx.msk $0xffff, v6  }
0x360: {  	v40 =	vshll.u32 v38, v1;
	v36 =	vbroadcast v63, $0x0;
	v57 =	vld [tilespmem:$0x1FF60]  }
0x361: {  	v9 =	vld [tilespmem:s28+$0xFFFFFC90];
	v37 =	vbroadcast v40, $0x0;
	v10 =	vadd.s32 v56, v35  }
0x362: {  	v8 =	vshrl.u32 v45, $0x3;
	v61 =	vshll.u32 v41, v1;
	v42 =	vld [tilespmem:s28+$0xFFFFFCD0];
	v60 =	vadd.s32 v55, v36  }
0x363: {  	v39 =	vshll.u32 v39, v1;
	v62 =	vld [tilespmem:s28+$0xFFFFFD10];
	v38 =	vbroadcast v61, $0x0;
	v63 =	vadd.s32 v54, v37  }
0x364: {  	v39 =	vbroadcast v39, $0x0;
	v0 =	vshll.u32 v0, v1;
	v4 =	vadd.s32 v15, v2;
	v3 =	vld [tilespmem:s28+$0xFFFFFFE0]  }
0x365: {  	v40 =	vbroadcast v0, $0x0;
	v0 =	vshll.u32 v5, v1;
	v6 =	vld [tilespmem:s28+$0xFFFFFD50];
	v7 =	vadd.s32 v57, v38  }
0x366: {  	v5 =	vld [tilespmem:s28+$0xFFFFFD90];
	v41 =	vbroadcast v0, $0x0;
	v0 =	vshll.u32 v8, v1;
	[tilespmem:v10+s20+$0x0] =	vst.idx.msk $0xffff, v9;
	v9 =	vadd.s32 v19, v39  }
0x367: {  	v45 =	vshrl.u32 v46, $0x3;
	v8 =	vld [tilespmem:s28+$0xFFFFFDD0];
	[tilespmem:v60+s20+$0x0] =	vst.idx.msk $0xffff, v42;
	v60 =	vadd.s32 v16, v40;
	v42 =	vbroadcast v0, $0x0  }
0x368: {  	v50 =	vshrl.u32 v50, $0x3;
	v61 =	vadd.s32 v53, v41;
	v47 =	vld [tilespmem:s28+$0xFFFFFE10];
	[tilespmem:v63+s20+$0x0] =	vst.idx.msk $0xffff, v62;
	v62 =	vshll.u32 v45, v1  }
0x369: {  	v50 =	vshll.u32 v50, v1;
	v52 =	vld [tilespmem:s28+$0xFFFFFE50];
	[tilespmem:v4+s20+$0x0] =	vst.idx.msk $0xffff, v3;
	v63 =	vadd.s32 v58, v42;
	v43 =	vbroadcast v62, $0x0  }
0x36a: {  	v51 =	vshrl.u32 v51, $0x3;
	v44 =	vbroadcast v50, $0x0;
	v4 =	vld [tilespmem:s28+$0xFFFFFFF0];
	[tilespmem:v7+s20+$0x0] =	vst.idx.msk $0xffff, v6;
	v6 =	vadd.s32 v17, v2  }
0x36b: {  	v3 =	vshll.u32 v51, v1;
	[tilespmem:v9+s20+$0x0] =	vst.idx.msk $0xffff, v5;
	v5 =	vld [tilespmem:s28+$0xFFFFFE90];
	v58 =	vadd.s32 v56, v43  }
0x36c: {  	v45 =	vbroadcast v3, $0x0;
	v3 =	vld [tilespmem:s28+$0xFFFFFED0];
	[tilespmem:v60+s20+$0x0] =	vst.idx.msk $0xffff, v8;
	v60 =	vadd.s32 v55, v44  }
0x36d: {  	[tilespmem:v61+s20+$0x0] =	vst.idx.msk $0xffff, v47;
	v0 =	vshrl.u32 v48, $0x3  }
0x36e: {  	v49 =	vshrl.u32 v49, $0x3;
	v61 =	vld [tilespmem:s28+$0xFFFFFF10];
	v0 =	vshll.u32 v0, v1;
	[tilespmem:v63+s20+$0x0] =	vst.idx.msk $0xffff, v52  }
0x36f: {  	v46 =	vbroadcast v0, $0x0;
	v0 =	vshll.u32 v49, v1;
	v49 =	vld [tilespmem:s28+$0xFFFFFF90];
	[tilespmem:v6+s20+$0x0] =	vst.idx.msk $0xffff, v4  }
0x370: {  	v47 =	vbroadcast v0, $0x0;
	v0 =	vld [tilespmem:s28+$0xFFFFFF50];
	[tilespmem:v58+s20+$0x0] =	vst.idx.msk $0xffff, v5  }
0x371: {  	v62 =	vadd.s32 v54, v45;
	v51 =	vld [tilespmem:$0x1FE70];
	[tilespmem:v60+s20+$0x0] =	vst.idx.msk $0xffff, v3  }
0x372: {  	v56 =	vadd.s32 v19, v47;
	v52 =	vld [tilespmem:$0x1FEB0]  }
0x373: {  	v53 =	vld [tilespmem:s28+$0xFFFFFD60];
	v63 =	vadd.s32 v57, v46  }
0x374: {  	v2 =	vadd.s32 v20, v2;
	v4 =	vld [tilespmem:s28+$0x0]  }
0x375: {  	v54 =	vadd.s32 v32, v38;
	v57 =	vld [tilespmem:s28+$0xFFFFFC60]  }
0x376: {  	[tilespmem:v62+s20+$0x0] =	vst.idx.msk $0xffff, v61;
	v61 =	vld [tilespmem:s28+$0xFFFFFCE0];
	v62 =	vadd.s32 v24, v36  }
0x377: {  	v3 =	vld [tilespmem:s28+$0xFFFFFCA0];
	[tilespmem:v56+s20+$0x0] =	vst.idx.msk $0xffff, v49;
	v60 =	vadd.s32 v52, v35  }
0x378: {  	[tilespmem:v63+s20+$0x0] =	vst.idx.msk $0xffff, v0;
	v0 =	vld [tilespmem:s28+$0xFFFFFD20];
	v63 =	vadd.s32 v28, v37  }
0x379: {  	[tilespmem:v2+s20+$0x0] =	vst.idx.msk $0xffff, v4;
	v2 =	vld [tilespmem:s28+$0xFFFFFDA0];
	v58 =	vadd.s32 v51, v33  }
0x37a: {  	v55 =	vadd.s32 v31, v39;
	[tilespmem:v54+s20+$0x0] =	vst.idx.msk $0xffff, v53;
	v53 =	vld [tilespmem:s28+$0xFFFFFF60]  }
0x37b: {  	[tilespmem:v62+s20+$0x0] =	vst.idx.msk $0xffff, v61;
	v61 =	vld [tilespmem:s28+$0xFFFFFEA0];
	v62 =	vadd.s32 v52, v43  }
0x37c: {  	v56 =	vadd.s32 v15, v40;
	[tilespmem:v60+s20+$0x0] =	vst.idx.msk $0xffff, v3;
	v3 =	vld [tilespmem:s28+$0xFFFFFDE0]  }
0x37d: {  	[tilespmem:v63+s20+$0x0] =	vst.idx.msk $0xffff, v0;
	v0 =	vld [tilespmem:s28+$0xFFFFFE60];
	v60 =	vadd.s32 v51, v42  }
0x37e: {  	[tilespmem:v58+s20+$0x0] =	vst.idx.msk $0xffff, v57;
	v57 =	vld [tilespmem:s28+$0xFFFFFE20];
	v58 =	vadd.s32 v12, v41  }
0x37f: {  	v63 =	vadd.s32 v24, v44;
	[tilespmem:v55+s20+$0x0] =	vst.idx.msk $0xffff, v2;
	v2 =	vld [tilespmem:s28+$0xFFFFFEE0]  }
0x380: {  	v54 =	vadd.s32 v32, v46;
	v49 =	vld [tilespmem:s28+$0xFFFFFDB0];
	[tilespmem:v62+s20+$0x0] =	vst.idx.msk $0xffff, v61  }
0x381: {  	v50 =	vadd.s32 v11, v39;
	[tilespmem:v56+s20+$0x0] =	vst.idx.msk $0xffff, v3;
	v3 =	vld [tilespmem:s28+$0xFFFFFF20]  }
0x382: {  	v52 =	vadd.s32 v28, v45;
	[tilespmem:v60+s20+$0x0] =	vst.idx.msk $0xffff, v0;
	v0 =	vld [tilespmem:s28+$0xFFFFFFA0]  }
0x383: {  	v55 =	vadd.s32 v31, v47;
	[tilespmem:v58+s20+$0x0] =	vst.idx.msk $0xffff, v57;
	v56 =	vld [tilespmem:s28+$0xFFFFFC20]  }
0x384: {  	v57 =	vadd.s32 v12, v34;
	v12 =	vld [tilespmem:$0x1FE80];
	[tilespmem:v63+s20+$0x0] =	vst.idx.msk $0xffff, v2  }
0x385: {  	v61 =	vadd.s32 v21, v35;
	v2 =	vld [tilespmem:s28+$0xFFFFFCB0];
	[tilespmem:v54+s20+$0x0] =	vst.idx.msk $0xffff, v53  }
0x386: {  	v32 =	vadd.s32 v29, v37;
	v63 =	vld [tilespmem:s28+$0xFFFFFD30];
	[tilespmem:v50+s20+$0x0] =	vst.idx.msk $0xffff, v49  }
0x387: {  	v62 =	vadd.s32 v25, v36;
	[tilespmem:v52+s20+$0x0] =	vst.idx.msk $0xffff, v3;
	v3 =	vld [tilespmem:s28+$0xFFFFFCF0]  }
0x388: {  	v48 =	vadd.s32 v27, v38;
	[tilespmem:v55+s20+$0x0] =	vst.idx.msk $0xffff, v0;
	v0 =	vld [tilespmem:s28+$0xFFFFFD70]  }
0x389: {  	[tilespmem:v57+s20+$0x0] =	vst.idx.msk $0xffff, v56;
	v56 =	vld [tilespmem:s28+$0xFFFFFEF0];
	v57 =	vadd.s32 v25, v44  }
0x38a: {  	v58 =	vld [tilespmem:s28+$0xFFFFFC70];
	v60 =	vadd.s32 v12, v33;
	[tilespmem:v61+s20+$0x0] =	vst.idx.msk $0xffff, v2  }
0x38b: {  	v51 =	vadd.s32 v17, v40;
	v2 =	vld [tilespmem:s28+$0xFFFFFDF0];
	[tilespmem:v32+s20+$0x0] =	vst.idx.msk $0xffff, v63  }
0x38c: {  	v53 =	vld [tilespmem:s28+$0xFFFFFE70];
	v54 =	vadd.s32 v12, v42;
	[tilespmem:v62+s20+$0x0] =	vst.idx.msk $0xffff, v3  }
0x38d: {  	v52 =	vadd.s32 v13, v41;
	v3 =	vld [tilespmem:s28+$0xFFFFFE30];
	[tilespmem:v48+s20+$0x0] =	vst.idx.msk $0xffff, v0  }
0x38e: {  	v35 =	vadd.s32 v22, v35;
	v32 =	vadd.s32 v18, v33;
	v33 =	vld [tilespmem:s28+$0xFFFFFCC0];
	[tilespmem:v57+s20+$0x0] =	vst.idx.msk $0xffff, v56  }
0x38f: {  	v55 =	vadd.s32 v21, v43;
	v0 =	vld [tilespmem:s28+$0xFFFFFEB0];
	[tilespmem:v60+s20+$0x0] =	vst.idx.msk $0xffff, v58  }
0x390: {  	v63 =	vadd.s32 v13, v34;
	v48 =	vld [tilespmem:s28+$0xFFFFFC30];
	[tilespmem:v51+s20+$0x0] =	vst.idx.msk $0xffff, v2  }
0x391: {  	v2 =	vld [tilespmem:s28+$0xFFFFFF30];
	v58 =	vadd.s32 v29, v45;
	[tilespmem:v54+s20+$0x0] =	vst.idx.msk $0xffff, v53  }
0x392: {  	v60 =	vadd.s32 v27, v46;
	[tilespmem:v52+s20+$0x0] =	vst.idx.msk $0xffff, v3;
	v3 =	vld [tilespmem:s28+$0xFFFFFF70]  }
0x393: {  	v61 =	vld [tilespmem:s28+$0xFFFFFFB0];
	v62 =	vadd.s32 v11, v47;
	[tilespmem:v35+s20+$0x0] =	vst.idx.msk $0xffff, v33  }
0x394: {  	[tilespmem:v55+s20+$0x0] =	vst.idx.msk $0xffff, v0;
	v0 =	vld [tilespmem:s28+$0xFFFFFC80]  }
0x395: {  	v49 =	vadd.s32 v23, v38;
	[tilespmem:v63+s20+$0x0] =	vst.idx.msk $0xffff, v48;
	v48 =	vld [tilespmem:s28+$0xFFFFFD80]  }
0x396: {  	v36 =	vadd.s32 v26, v36;
	[tilespmem:v58+s20+$0x0] =	vst.idx.msk $0xffff, v2;
	v2 =	vld [tilespmem:s28+$0xFFFFFD00]  }
0x397: {  	v37 =	vadd.s32 v30, v37;
	[tilespmem:v60+s20+$0x0] =	vst.idx.msk $0xffff, v3;
	v3 =	vld [tilespmem:s28+$0xFFFFFD40]  }
0x398: {  	v51 =	vld [tilespmem:s28+$0xFFFFFE00];
	[tilespmem:v62+s20+$0x0] =	vst.idx.msk $0xffff, v61;
	v52 =	vadd.s32 v20, v40  }
0x399: {  	v56 =	vadd.s32 v22, v43;
	v55 =	vld [tilespmem:s28+$0xFFFFFEC0];
	[tilespmem:v32+s20+$0x0] =	vst.idx.msk $0xffff, v0  }
0x39a: {  	v50 =	vadd.s32 v59, v39;
	v0 =	vld [tilespmem:s28+$0xFFFFFDC0];
	[tilespmem:v49+s20+$0x0] =	vst.idx.msk $0xffff, v48  }
0x39b: {  	v53 =	vadd.s32 v14, v41;
	[tilespmem:v36+s20+$0x0] =	vst.idx.msk $0xffff, v2;
	v2 =	vld [tilespmem:s28+$0xFFFFFE40]  }
0x39c: {  	v54 =	vadd.s32 v18, v42;
	[tilespmem:v37+s20+$0x0] =	vst.idx.msk $0xffff, v3;
	v3 =	vld [tilespmem:s28+$0xFFFFFE80]  }
0x39d: {  	v34 =	vadd.s32 v14, v34;
	v63 =	vld [tilespmem:s28+$0xFFFFFC40];
	[tilespmem:v52+s20+$0x0] =	vst.idx.msk $0xffff, v51  }
0x39e: {  	v58 =	vld [tilespmem:s28+$0xFFFFFF40];
	v60 =	vadd.s32 v30, v45;
	[tilespmem:v56+s20+$0x0] =	vst.idx.msk $0xffff, v55  }
0x39f: {  	v57 =	vadd.s32 v26, v44;
	[tilespmem:v50+s20+$0x0] =	vst.idx.msk $0xffff, v0;
	v0 =	vld [tilespmem:s28+$0xFFFFFF00]  }
0x3a0: {  	v61 =	vadd.s32 v23, v46;
	[tilespmem:v53+s20+$0x0] =	vst.idx.msk $0xffff, v2;
	v2 =	vld [tilespmem:s28+$0xFFFFFF80]  }
0x3a1: {  	v62 =	vadd.s32 v59, v47;
	[tilespmem:v54+s20+$0x0] =	vst.idx.msk $0xffff, v3;
	v3 =	vld [tilespmem:s28+$0xFFFFFFC0]  }
0x3a2: {  	[tilespmem:v34+s20+$0x0] =	vst.idx.msk $0xffff, v63  }
0x3a3: {  	[tilespmem:v60+s20+$0x0] =	vst.idx.msk $0xffff, v58  }
0x3a4: {  	[tilespmem:v57+s20+$0x0] =	vst.idx.msk $0xffff, v0  }
0x3a5: {  	[tilespmem:v61+s20+$0x0] =	vst.idx.msk $0xffff, v2  }
0x3a6: {  	s14 =	sadd.s32 s26, s8;
	s2 =	simm.s32 $0x16400;
	[tilespmem:v62+s20+$0x0] =	vst.idx.msk $0xffff, v3  }
0x3a7: {  	[hbm4b:s14+s3] =	stream.linear.scatter [tilespmem:s2], [sflag:$0x3], $0x80, $0x38;
	[tilespmem:$0x1A800] =	vst v63  }
0x3a8: {  	s12 =	simm.s32 $0x16488;
	s2 =	sadd.s32 $0x10, s14  }
0x3a9: {  	[hbm4b:s2+s3] =	stream.linear.scatter [tilespmem:s12], [sflag:$0x3], $0x80, $0x38;
	[tilespmem:$0x1A800] =	vst v63  }
0x3aa: {  	s30 =	simm.s32 $0x16510;
	s0 =	simm.s32 $0x2200;
	s31 =	sadd.s32 $0x20, s14  }
0x3ab: {  	[hbm4b:s31+s3] =	stream.linear.scatter [tilespmem:s30], [sflag:$0x3], $0x80, $0x38;
	[tilespmem:$0x1A800] =	vst v63  }
0x3ac: {  	s29 =	sadd.s32 $0x1000, s14;
	s2 =	simm.s32 $0x16598;
	s12 =	sadd.s32 $0x30, s14  }
0x3ad: {  	[hbm4b:s12+s3] =	stream.linear.scatter [tilespmem:s2], [sflag:$0x3], $0x80, $0x38;
	[tilespmem:$0x1A800] =	vst v63  }
0x3ae: {  	s28 =	simm.s32 $0x440;
	s30 =	simm.s32 $0x16620;
	s31 =	sadd.s32 $0x40, s14  }
0x3af: {  	[hbm4b:s31+s3] =	stream.linear.scatter [tilespmem:s30], [sflag:$0x3], $0x80, $0x38;
	[tilespmem:$0x1A800] =	vst v63  }
0x3b0: {  	s2 =	simm.s32 $0x166A8;
	s12 =	sadd.s32 $0x50, s14;
	s30 =	simm.s32 $0x16730  }
0x3b1: {  	[hbm4b:s12+s3] =	stream.linear.scatter [tilespmem:s2], [sflag:$0x3], $0x80, $0x38;
	[tilespmem:$0x1A800] =	vst v63  }
0x3b2: {  	v28 =	vmovc v31;
	v24 =	vmov v19;
	v13 =	vmov v23;
	v12 =	vmov v59;
	s31 =	sadd.s32 $0x60, s14;
	s2 =	simm.s32 $0x167B8;
	s12 =	sadd.s32 $0x70, s14  }
0x3b3: {  	v22 =	vmovc v15;
	v26 =	vmovc v17;
	v18 =	vmov v16;
	v27 =	vmov v20;
	v32 =	vmov v11;
	[hbm4b:s31+s3] =	stream.linear.scatter [tilespmem:s30], [sflag:$0x3], $0x80, $0x38;
	[tilespmem:$0x1A800] =	vst v63  }
.LBB2_13:
0x3b4: {  	[hbm4b:s12+s3] =	stream.linear.scatter [tilespmem:s2], [sflag:$0x3], $0x80, $0x38;
	[tilespmem:$0x1A800] =	vst v63  }
0x3b5: {  	s2 =	smov.u32 s28;
	s12 =	smov.u32 s0  }
0x3b6: {  	s14 =	sadd.s32 $0x1100, s0;
	s28 =	sshra.s32 s12, $0x2;
	s12 =	sadd.s32 $0x16400, s2  }
0x3b7: {  	[hbm4b:s29+s3] =	stream.linear.scatter [tilespmem:s12], [sflag:$0x3], $0x80, $0x38;
	[tilespmem:$0x1A800] =	vst v63  }
0x3b8: {  	p1 =	sne.s32 s0, $0x7700;
	s0 =	sadd.s32 $0x16488, s2;
	s12 =	sadd.s32 $0x10, s29  }
0x3b9: {  	[hbm4b:s12+s3] =	stream.linear.scatter [tilespmem:s0], [sflag:$0x3], $0x80, $0x38;
	[tilespmem:$0x1A800] =	vst v63  }
0x3ba: {  	s0 =	sadd.s32 $0x16510, s2;
	s12 =	sadd.s32 $0x20, s29  }
0x3bb: {  	[hbm4b:s12+s3] =	stream.linear.scatter [tilespmem:s0], [sflag:$0x3], $0x80, $0x38;
	[tilespmem:$0x1A800] =	vst v63  }
0x3bc: {  	s0 =	sadd.s32 $0x16598, s2;
	s12 =	sadd.s32 $0x30, s29  }
0x3bd: {  	[hbm4b:s12+s3] =	stream.linear.scatter [tilespmem:s0], [sflag:$0x3], $0x80, $0x38;
	[tilespmem:$0x1A800] =	vst v63  }
0x3be: {  	s0 =	sadd.s32 $0x16620, s2;
	s12 =	sadd.s32 $0x40, s29  }
0x3bf: {  	[hbm4b:s12+s3] =	stream.linear.scatter [tilespmem:s0], [sflag:$0x3], $0x80, $0x38;
	[tilespmem:$0x1A800] =	vst v63  }
.Ltmp5:
0x3c0: {  	s0 =	sadd.s32 $0x166A8, s2;
	s12 =	sadd.s32 $0x50, s29;
	(pc) =	sbr.rel @p1 .LBB2_13-.Ltmp5, $4  }
0x3c1: {  	[hbm4b:s12+s3] =	stream.linear.scatter [tilespmem:s0], [sflag:$0x3], $0x80, $0x38;
	[tilespmem:$0x1A800] =	vst v63  }
0x3c2: {  	s0 =	sadd.s32 $0x16730, s2;
	s12 =	sadd.s32 $0x60, s29;
	s2 =	sadd.s32 $0x167B8, s2  }
0x3c3: {  	[hbm4b:s12+s3] =	stream.linear.scatter [tilespmem:s0], [sflag:$0x3], $0x80, $0x38;
	[tilespmem:$0x1A800] =	vst v63  }
0x3c4: {  	s12 =	sadd.s32 $0x70, s29;
	s29 =	sadd.s32 $0x1000, s29;
	s0 =	smov.u32 s14  }
0x3c5: {  	[hbm4b:s12+s3] =	stream.linear.scatter [tilespmem:s2], [sflag:$0x3], $0x80, $0x38;
	[tilespmem:$0x1A800] =	vst v63  }
0x3c6: {  	s0 =	sadd.s32 $0x16400, s28  }
0x3c7: {  	[hbm4b:s29+s3] =	stream.linear.scatter [tilespmem:s0], [sflag:$0x3], $0x80, $0x38;
	[tilespmem:$0x1A800] =	vst v63  }
0x3c8: {  	s30 =	sadd.s32 $0x16488, s28;
	s31 =	sadd.s32 $0x10, s29  }
0x3c9: {  	[hbm4b:s31+s3] =	stream.linear.scatter [tilespmem:s30], [sflag:$0x3], $0x80, $0x38;
	[tilespmem:$0x1A800] =	vst v63  }
0x3ca: {  	s12 =	sadd.s32 $0x16510, s28;
	s14 =	sadd.s32 $0x20, s29  }
0x3cb: {  	[hbm4b:s14+s3] =	stream.linear.scatter [tilespmem:s12], [sflag:$0x3], $0x80, $0x38;
	[tilespmem:$0x1A800] =	vst v63  }
0x3cc: {  	s30 =	sadd.s32 $0x16598, s28;
	s31 =	sadd.s32 $0x30, s29  }
0x3cd: {  	[hbm4b:s31+s3] =	stream.linear.scatter [tilespmem:s30], [sflag:$0x3], $0x80, $0x38;
	[tilespmem:$0x1A800] =	vst v63  }
0x3ce: {  	s2 =	sadd.s32 $0x16730, s28;
	s12 =	sadd.s32 $0x16620, s28;
	s14 =	sadd.s32 $0x40, s29  }
0x3cf: {  	[hbm4b:s14+s3] =	stream.linear.scatter [tilespmem:s12], [sflag:$0x3], $0x80, $0x38;
	[tilespmem:$0x1A800] =	vst v63  }
0x3d0: {  	s30 =	sadd.s32 $0x166A8, s28;
	s31 =	sadd.s32 $0x50, s29;
	s12 =	sadd.s32 $0x60, s29  }
0x3d1: {  	[hbm4b:s31+s3] =	stream.linear.scatter [tilespmem:s30], [sflag:$0x3], $0x80, $0x38;
	[tilespmem:$0x1A800] =	vst v63  }
0x3d2: {  	s14 =	simm.s32 $0x0;
	s30 =	simm.s32 $0x1;
	s31 =	simm.s32 $0x2  }
0x3d3: {  	v0 =	vmov s14;
	s14 =	simm.s32 $0x3;
	v2 =	vmov s30;
	v3 =	vmov s31;
	s30 =	simm.s32 $0x4;
	s31 =	simm.s32 $0x5  }
0x3d4: {  	[hbm4b:s12+s3] =	stream.linear.scatter [tilespmem:s2], [sflag:$0x3], $0x80, $0x38;
	[tilespmem:$0x1A800] =	vst v63  }
0x3d5: {  	v4 =	vmov s14;
	s14 =	simm.s32 $0x6;
	v5 =	vmov s30;
	v6 =	vmov s31;
	s30 =	simm.s32 $0x7;
	s31 =	simm.s32 $0x8  }
0x3d6: {  	v7 =	vmov s14;
	s14 =	simm.s32 $0xB;
	v8 =	vmov s30;
	v9 =	vmov s31;
	s30 =	simm.s32 $0xC;
	s31 =	simm.s32 $0xD  }
0x3d7: {  	v34 =	vmov s14;
	s14 =	simm.s32 $0xF;
	v35 =	vmov s30;
	v36 =	vmov s31;
	s30 =	sadd.s32 $0x167B8, s28;
	s31 =	sadd.s32 $0x70, s29  }
0x3d8: {  	[hbm4b:s31+s3] =	stream.linear.scatter [tilespmem:s30], [sflag:$0x3], $0x80, $0x38;
	[tilespmem:$0x1A800] =	vst v63  }
0x3d9: {  	v38 =	vmov s14;
	_ =	swait.ge [sflag:s22], $0x2000  }
0x3da: {  	v0 =	vshrl.u32 v0, $0x3;
	v38 =	vshrl.u32 v38, $0x3;
	v11 =	vld [tilespmem:$0x1FE30]  }
0x3db: {  	v0 =	vshll.u32 v0, v1;
	s12 =	simm.s32 $0xA;
	v2 =	vshrl.u32 v2, $0x3;
	v38 =	vshll.u32 v38, v1;
	v15 =	vld [tilespmem:$0x1FE60]  }
0x3dc: {  	v3 =	vshrl.u32 v3, $0x3;
	v33 =	vmov s12;
	v48 =	vbroadcast v38, $0x0;
	[sflag:s22] =	ssyncset.done $0x0  }
0x3dd: {  	v44 =	vshrl.u32 v33, $0x3;
	v33 =	vbroadcast v0, $0x0;
	v0 =	vshll.u32 v2, v1;
	[sflag:s22] =	ssyncadd.s32 $0xFFFFE000  }
0x3de: {  	v47 =	vbroadcast v0, $0x0;
	v0 =	vshll.u32 v3, v1;
	v3 =	vadd.s32 v18, v48;
	v2 =	vld [tilespmem:s25+$0xFFFFFFD0]  }
0x3df: {  	v63 =	vld [tilespmem:s25+$0xFFFFFC10];
	v41 =	vadd.s32 v11, v33  }
0x3e0: {  	v54 =	vld [tilespmem:s25+$0xFFFFFC50];
	v42 =	vadd.s32 v15, v47  }
0x3e1: {  	v19 =	vld [tilespmem:$0x1FEA0]  }
0x3e2: {  	v4 =	vshrl.u32 v4, $0x3;
	s2 =	simm.s32 $0x9;
	v16 =	vld [tilespmem:$0x1FEE0]  }
0x3e3: {  	v7 =	vshrl.u32 v7, $0x3;
	v10 =	vmov s2;
	v5 =	vshrl.u32 v5, $0x3;
	v14 =	vld [tilespmem:$0x1FF20];
	[tilespmem:v3+s21+$0x0] =	vst.idx.msk $0xffff, v2  }
0x3e4: {  	v6 =	vshrl.u32 v6, $0x3;
	v46 =	vbroadcast v0, $0x0;
	v0 =	vshll.u32 v4, v1;
	[tilespmem:v41+s21+$0x0] =	vst.idx.msk $0xffff, v63  }
0x3e5: {  	v57 =	vshll.u32 v7, v1;
	v45 =	vbroadcast v0, $0x0;
	v0 =	vshll.u32 v5, v1;
	v55 =	vld [tilespmem:s25+$0xFFFFFC90];
	[tilespmem:v42+s21+$0x0] =	vst.idx.msk $0xffff, v54  }
0x3e6: {  	v8 =	vshrl.u32 v8, $0x3;
	v39 =	vbroadcast v0, $0x0;
	v43 =	vadd.s32 v19, v46;
	v31 =	vld [tilespmem:$0x1FF60]  }
0x3e7: {  	v9 =	vshrl.u32 v9, $0x3;
	v10 =	vshrl.u32 v10, $0x3;
	v56 =	vld [tilespmem:s25+$0xFFFFFCD0];
	v49 =	vadd.s32 v16, v45  }
0x3e8: {  	v6 =	vshll.u32 v6, v1;
	v38 =	vbroadcast v57, $0x0;
	v50 =	vld [tilespmem:s25+$0xFFFFFD10];
	v51 =	vadd.s32 v14, v39  }
0x3e9: {  	v40 =	vbroadcast v6, $0x0;
	v58 =	vadd.s32 v22, v48;
	v2 =	vshll.u32 v8, v1;
	v3 =	vld [tilespmem:s25+$0xFFFFFFE0]  }
0x3ea: {  	v61 =	vld [tilespmem:s25+$0xFFFFFD90];
	v8 =	vadd.s32 v24, v38;
	v41 =	vbroadcast v2, $0x0;
	v2 =	vshll.u32 v9, v1  }
0x3eb: {  	v59 =	vld [tilespmem:s25+$0xFFFFFD50];
	[tilespmem:v43+s21+$0x0] =	vst.idx.msk $0xffff, v55;
	v42 =	vbroadcast v2, $0x0;
	v2 =	vshll.u32 v10, v1;
	v60 =	vadd.s32 v31, v40  }
0x3ec: {  	v35 =	vshrl.u32 v35, $0x3;
	v9 =	vld [tilespmem:s25+$0xFFFFFDD0];
	[tilespmem:v49+s21+$0x0] =	vst.idx.msk $0xffff, v56;
	v10 =	vadd.s32 v18, v41;
	v43 =	vbroadcast v2, $0x0  }
0x3ed: {  	v44 =	vshll.u32 v44, v1;
	v0 =	vshrl.u32 v34, $0x3;
	v62 =	vld [tilespmem:s25+$0xFFFFFE10];
	[tilespmem:v51+s21+$0x0] =	vst.idx.msk $0xffff, v50;
	v63 =	vadd.s32 v11, v42  }
0x3ee: {  	v44 =	vbroadcast v44, $0x0;
	v0 =	vshll.u32 v0, v1;
	v56 =	vld [tilespmem:s25+$0xFFFFFE50];
	[tilespmem:v58+s21+$0x0] =	vst.idx.msk $0xffff, v3;
	v52 =	vadd.s32 v15, v43  }
0x3ef: {  	v57 =	vadd.s32 v26, v48;
	v34 =	vbroadcast v0, $0x0;
	v0 =	vshll.u32 v35, v1;
	[tilespmem:v8+s21+$0x0] =	vst.idx.msk $0xffff, v61;
	v3 =	vld [tilespmem:s25+$0xFFFFFFF0]  }
0x3f0: {  	v35 =	vbroadcast v0, $0x0;
	v2 =	vshrl.u32 v36, $0x3;
	v58 =	vld [tilespmem:s25+$0xFFFFFE90];
	[tilespmem:v60+s21+$0x0] =	vst.idx.msk $0xffff, v59;
	v59 =	vadd.s32 v19, v44  }
0x3f1: {  	s12 =	simm.s32 $0xE;
	v0 =	vshll.u32 v2, v1;
	v2 =	vld [tilespmem:s25+$0xFFFFFED0];
	[tilespmem:v10+s21+$0x0] =	vst.idx.msk $0xffff, v9;
	v60 =	vadd.s32 v16, v34  }
0x3f2: {  	v37 =	vmov s12;
	v8 =	vld [tilespmem:s25+$0xFFFFFF10];
	v9 =	vadd.s32 v14, v35;
	[tilespmem:v63+s21+$0x0] =	vst.idx.msk $0xffff, v62  }
0x3f3: {  	v37 =	vshrl.u32 v37, $0x3;
	[tilespmem:v52+s21+$0x0] =	vst.idx.msk $0xffff, v56  }
0x3f4: {  	v61 =	vld [tilespmem:s25+$0xFFFFFF90];
	v36 =	vbroadcast v0, $0x0;
	v0 =	vshll.u32 v37, v1;
	[tilespmem:v57+s21+$0x0] =	vst.idx.msk $0xffff, v3  }
0x3f5: {  	v37 =	vbroadcast v0, $0x0;
	v0 =	vld [tilespmem:s25+$0xFFFFFF50];
	[tilespmem:v59+s21+$0x0] =	vst.idx.msk $0xffff, v58  }
0x3f6: {  	v10 =	vadd.s32 v31, v36;
	v14 =	vld [tilespmem:$0x1FE70];
	[tilespmem:v60+s21+$0x0] =	vst.idx.msk $0xffff, v2  }
0x3f7: {  	v16 =	vld [tilespmem:$0x1FEB0];
	[tilespmem:v9+s21+$0x0] =	vst.idx.msk $0xffff, v8  }
0x3f8: {  	v17 =	vld [tilespmem:$0x1FEF0]  }
0x3f9: {  	v62 =	vadd.s32 v24, v37;
	v52 =	vld [tilespmem:s25+$0xFFFFFC60]  }
0x3fa: {  	v63 =	vadd.s32 v27, v48;
	v3 =	vld [tilespmem:s25+$0x0]  }
0x3fb: {  	v2 =	vld [tilespmem:s25+$0xFFFFFCA0];
	[tilespmem:v10+s21+$0x0] =	vst.idx.msk $0xffff, v0;
	v53 =	vadd.s32 v14, v47  }
0x3fc: {  	v20 =	vld [tilespmem:$0x1FF30];
	v54 =	vadd.s32 v16, v46  }
0x3fd: {  	v8 =	vld [tilespmem:s25+$0xFFFFFCE0];
	v9 =	vadd.s32 v17, v45  }
0x3fe: {  	[tilespmem:v62+s21+$0x0] =	vst.idx.msk $0xffff, v61  }
0x3ff: {  	v21 =	vld [tilespmem:$0x1FF70];
	[tilespmem:v63+s21+$0x0] =	vst.idx.msk $0xffff, v3  }
0x400: {  	[tilespmem:v53+s21+$0x0] =	vst.idx.msk $0xffff, v52  }
0x401: {  	v0 =	vld [tilespmem:s25+$0xFFFFFD20];
	v10 =	vadd.s32 v20, v39;
	[tilespmem:v54+s21+$0x0] =	vst.idx.msk $0xffff, v2  }
0x402: {  	v3 =	vld [tilespmem:s25+$0xFFFFFDA0];
	[tilespmem:v9+s21+$0x0] =	vst.idx.msk $0xffff, v8  }
0x403: {  	v57 =	vadd.s32 v28, v38;
	v25 =	vld [tilespmem:$0x1FE00]  }
0x404: {  	v55 =	vld [tilespmem:s25+$0xFFFFFD60];
	v56 =	vadd.s32 v21, v40  }
0x405: {  	v58 =	vadd.s32 v22, v41;
	v2 =	vld [tilespmem:s25+$0xFFFFFDE0]  }
0x406: {  	v8 =	vadd.s32 v14, v43;
	[tilespmem:v10+s21+$0x0] =	vst.idx.msk $0xffff, v0;
	v0 =	vld [tilespmem:s25+$0xFFFFFE60]  }
0x407: {  	v9 =	vld [tilespmem:s25+$0xFFFFFEA0];
	v10 =	vadd.s32 v16, v44  }
0x408: {  	v59 =	vld [tilespmem:s25+$0xFFFFFE20];
	[tilespmem:v57+s21+$0x0] =	vst.idx.msk $0xffff, v3;
	v60 =	vadd.s32 v25, v42  }
0x409: {  	v61 =	vadd.s32 v17, v34;
	v3 =	vld [tilespmem:s25+$0xFFFFFEE0];
	[tilespmem:v56+s21+$0x0] =	vst.idx.msk $0xffff, v55  }
0x40a: {  	v62 =	vadd.s32 v20, v35;
	[tilespmem:v58+s21+$0x0] =	vst.idx.msk $0xffff, v2;
	v2 =	vld [tilespmem:s25+$0xFFFFFF20]  }
0x40b: {  	v63 =	vld [tilespmem:s25+$0xFFFFFF60];
	[tilespmem:v8+s21+$0x0] =	vst.idx.msk $0xffff, v0  }
0x40c: {  	v53 =	vld [tilespmem:s25+$0xFFFFFC20];
	[tilespmem:v10+s21+$0x0] =	vst.idx.msk $0xffff, v9  }
0x40d: {  	v52 =	vadd.s32 v21, v36;
	v0 =	vld [tilespmem:s25+$0xFFFFFFA0];
	[tilespmem:v60+s21+$0x0] =	vst.idx.msk $0xffff, v59  }
0x40e: {  	v8 =	vadd.s32 v28, v37;
	v17 =	vld [tilespmem:$0x1FE80];
	[tilespmem:v61+s21+$0x0] =	vst.idx.msk $0xffff, v3  }
0x40f: {  	v54 =	vadd.s32 v25, v33;
	v21 =	vld [tilespmem:$0x1FEC0];
	[tilespmem:v62+s21+$0x0] =	vst.idx.msk $0xffff, v2  }
0x410: {  	v25 =	vld [tilespmem:$0x1FF00]  }
0x411: {  	v9 =	vld [tilespmem:s25+$0xFFFFFC70]  }
0x412: {  	v3 =	vld [tilespmem:s25+$0xFFFFFCB0];
	[tilespmem:v52+s21+$0x0] =	vst.idx.msk $0xffff, v63  }
0x413: {  	v29 =	vld [tilespmem:$0x1FF40];
	[tilespmem:v8+s21+$0x0] =	vst.idx.msk $0xffff, v0;
	v10 =	vadd.s32 v17, v47  }
0x414: {  	v2 =	vld [tilespmem:s25+$0xFFFFFCF0];
	[tilespmem:v54+s21+$0x0] =	vst.idx.msk $0xffff, v53;
	v55 =	vadd.s32 v21, v46  }
0x415: {  	v16 =	vld [tilespmem:$0x1FF80];
	v56 =	vadd.s32 v25, v45;
	_ =	sdelay $0x2  }
0x416: {  	[tilespmem:v10+s21+$0x0] =	vst.idx.msk $0xffff, v9  }
0x417: {  	v57 =	vld [tilespmem:s25+$0xFFFFFD30];
	[tilespmem:v55+s21+$0x0] =	vst.idx.msk $0xffff, v3  }
0x418: {  	v0 =	vld [tilespmem:s25+$0xFFFFFD70];
	v8 =	vadd.s32 v16, v40;
	[tilespmem:v56+s21+$0x0] =	vst.idx.msk $0xffff, v2  }
0x419: {  	v58 =	vadd.s32 v29, v39;
	v14 =	vld [tilespmem:$0x1FE40]  }
0x41a: {  	v9 =	vld [tilespmem:s25+$0xFFFFFDB0];
	v10 =	vadd.s32 v32, v38  }
0x41b: {  	v59 =	vadd.s32 v26, v41;
	v3 =	vld [tilespmem:s25+$0xFFFFFDF0]  }
0x41c: {  	v61 =	vld [tilespmem:s25+$0xFFFFFE70];
	v62 =	vadd.s32 v17, v43  }
0x41d: {  	[tilespmem:v8+s21+$0x0] =	vst.idx.msk $0xffff, v0;
	v0 =	vld [tilespmem:s25+$0xFFFFFEB0];
	v8 =	vadd.s32 v21, v44  }
0x41e: {  	v2 =	vld [tilespmem:s25+$0xFFFFFE30];
	[tilespmem:v58+s21+$0x0] =	vst.idx.msk $0xffff, v57;
	v60 =	vadd.s32 v14, v42  }
0x41f: {  	[tilespmem:v10+s21+$0x0] =	vst.idx.msk $0xffff, v9;
	v9 =	vld [tilespmem:s25+$0xFFFFFEF0];
	v10 =	vadd.s32 v25, v34  }
0x420: {  	v4 =	vadd.s32 v29, v35;
	[tilespmem:v59+s21+$0x0] =	vst.idx.msk $0xffff, v3;
	v3 =	vld [tilespmem:s25+$0xFFFFFF30]  }
0x421: {  	[tilespmem:v62+s21+$0x0] =	vst.idx.msk $0xffff, v61  }
0x422: {  	s14 =	simm.s32 $0x10;
	[tilespmem:v8+s21+$0x0] =	vst.idx.msk $0xffff, v0  }
0x423: {  	v63 =	vmov s14;
	[tilespmem:v60+s21+$0x0] =	vst.idx.msk $0xffff, v2;
	v2 =	vld [tilespmem:s25+$0xFFFFFF70]  }
0x424: {  	v49 =	vshrl.u32 v63, $0x3;
	v63 =	vld [tilespmem:$0x1FE90];
	[tilespmem:v10+s21+$0x0] =	vst.idx.msk $0xffff, v9  }
0x425: {  	v0 =	vld [tilespmem:$0x1FED0];
	[tilespmem:v4+s21+$0x0] =	vst.idx.msk $0xffff, v3  }
0x426: {  	v5 =	vadd.s32 v16, v36;
	v20 =	vld [tilespmem:$0x1FF10]  }
0x427: {  	v7 =	vadd.s32 v32, v37;
	v6 =	vld [tilespmem:s25+$0xFFFFFFB0]  }
0x428: {  	v48 =	vld [tilespmem:s25+$0xFFFFFC30];
	v51 =	vadd.s32 v14, v33  }
0x429: {  	v54 =	vld [tilespmem:s25+$0xFFFFFC80];
	v47 =	vadd.s32 v63, v47  }
0x42a: {  	v56 =	vld [tilespmem:s25+$0xFFFFFCC0];
	v58 =	vadd.s32 v0, v46  }
0x42b: {  	v4 =	vld [tilespmem:s25+$0xFFFFFD00];
	[tilespmem:v5+s21+$0x0] =	vst.idx.msk $0xffff, v2;
	v59 =	vadd.s32 v20, v45  }
0x42c: {  	s29 =	simm.s32 $0x11;
	v30 =	vld [tilespmem:$0x1FF50];
	[tilespmem:v7+s21+$0x0] =	vst.idx.msk $0xffff, v6  }
0x42d: {  	s30 =	simm.s32 $0x12;
	v55 =	vmov s29;
	s29 =	simm.s32 $0x17;
	[tilespmem:v51+s21+$0x0] =	vst.idx.msk $0xffff, v48  }
0x42e: {  	s31 =	simm.s32 $0x13;
	v52 =	vmov s29;
	v62 =	vmov s30;
	s30 =	simm.s32 $0x18;
	v61 =	vadd.s32 v27, v41;
	[tilespmem:v47+s21+$0x0] =	vst.idx.msk $0xffff, v54  }
0x42f: {  	s2 =	simm.s32 $0x14;
	s12 =	simm.s32 $0x15;
	v53 =	vmov s30;
	v8 =	vmov s31;
	v60 =	vadd.s32 v12, v38;
	v2 =	vld [tilespmem:s25+$0xFFFFFD40];
	[tilespmem:v58+s21+$0x0] =	vst.idx.msk $0xffff, v56  }
0x430: {  	s14 =	simm.s32 $0x16;
	v9 =	vmov s2;
	v10 =	vmov s12;
	v6 =	vld [tilespmem:s25+$0xFFFFFD80];
	v7 =	vadd.s32 v13, v40;
	[tilespmem:v59+s21+$0x0] =	vst.idx.msk $0xffff, v4  }
0x431: {  	s29 =	simm.s32 $0x1C;
	v3 =	vmov s14;
	s14 =	simm.s32 $0x1B;
	v38 =	vshrl.u32 v9, $0x3;
	v20 =	vmovc v13;
	v39 =	vadd.s32 v30, v39;
	v13 =	vld [tilespmem:$0x1FE50]  }
0x432: {  	s30 =	simm.s32 $0x1D;
	v57 =	vld [tilespmem:s25+$0xFFFFFDC0];
	v41 =	vshrl.u32 v10, $0x3;
	v50 =	vmov s14;
	v51 =	vmov s29  }
0x433: {  	s31 =	simm.s32 $0x19;
	s12 =	simm.s32 $0x1A;
	v48 =	vmov s30;
	v40 =	vshrl.u32 v8, $0x3;
	v63 =	vadd.s32 v63, v43;
	v43 =	vld [tilespmem:s25+$0xFFFFFEC0]  }
0x434: {  	v46 =	vmov s12;
	v44 =	vadd.s32 v0, v44;
	v45 =	vmov s31;
	s31 =	simm.s32 $0x1E;
	v58 =	vld [tilespmem:s25+$0xFFFFFE00]  }
0x435: {  	v54 =	vshll.u32 v49, v1;
	v49 =	vmov s31;
	v56 =	vshrl.u32 v55, $0x3;
	v59 =	vld [tilespmem:s25+$0xFFFFFE40];
	[tilespmem:v7+s21+$0x0] =	vst.idx.msk $0xffff, v6  }
0x436: {  	s0 =	simm.s32 $0x1F;
	s28 =	simm.s32 $0x20;
	v55 =	vshrl.u32 v62, $0x3;
	[tilespmem:v39+s21+$0x0] =	vst.idx.msk $0xffff, v2;
	v39 =	vshrl.u32 v3, $0x3;
	v62 =	vadd.s32 v13, v42;
	v42 =	vld [tilespmem:s25+$0xFFFFFE80]  }
.LBB2_15:
0x437: {  	v3 =	vld [tilespmem:s25+$0xFFFFFF00]  }
0x438: {  	v6 =	vld [tilespmem:s25+$0xFFFFFF40]  }
0x439: {  	v9 =	vld [tilespmem:s25+$0xFFFFFF80]  }
0x43a: {  	v5 =	vshrl.u32 v53, $0x3;
	v53 =	vld [tilespmem:s25+$0xFFFFFFC0]  }
0x43b: {  	v47 =	vadd.s32 v13, v33;
	v33 =	vbroadcast v54, $0x0;
	v54 =	vld [tilespmem:$0x1FEE0]  }
0x43c: {  	v2 =	vmov s0;
	v23 =	vld [tilespmem:$0x1FF20]  }
0x43d: {  	v0 =	vshrl.u32 v52, $0x3;
	v7 =	vadd.s32 v30, v35;
	v52 =	vld [tilespmem:$0x1FEB0];
	v2 =	vshrl.u32 v2, $0x3;
	[tilespmem:v60+s21+$0x0] =	vst.idx.msk $0xffff, v57  }
0x43e: {  	v8 =	vshrl.u32 v45, $0x3;
	v10 =	vadd.s32 v20, v36;
	v2 =	vshll.u32 v2, v1;
	v57 =	vld [tilespmem:$0x1FF10];
	[tilespmem:v62+s21+$0x0] =	vst.idx.msk $0xffff, v59  }
0x43f: {  	v2 =	vbroadcast v2, $0x0;
	[tilespmem:v63+s21+$0x0] =	vst.idx.msk $0xffff, v42;
	v59 =	vadd.s32 v12, v37;
	v60 =	vshll.u32 v56, v1;
	v42 =	vld [tilespmem:s25+$0xFFFFFC40]  }
0x440: {  	[tilespmem:v61+s21+$0x0] =	vst.idx.msk $0xffff, v58;
	s25 =	sadd.s32 $0x400, s25;
	v37 =	vshrl.u32 v50, $0x3;
	v50 =	vshrl.u32 v51, $0x3;
	v51 =	vld [tilespmem:$0x1FE70];
	v45 =	vbroadcast v60, $0x0  }
0x441: {  	[tilespmem:v44+s21+$0x0] =	vst.idx.msk $0xffff, v43;
	v43 =	vld [tilespmem:s25+$0xFFFFFFD0];
	v44 =	vadd.s32 v18, v2  }
0x442: {  	v61 =	vshll.u32 v55, v1;
	[tilespmem:v7+s21+$0x0] =	vst.idx.msk $0xffff, v6;
	v6 =	vld [tilespmem:s25+$0xFFFFFC50];
	v63 =	vadd.s32 v15, v45  }
0x443: {  	[tilespmem:v10+s21+$0x0] =	vst.idx.msk $0xffff, v9;
	v9 =	vld [tilespmem:s25+$0xFFFFFC90];
	v4 =	vadd.s32 v57, v34;
	v34 =	vshrl.u32 v46, $0x3;
	v46 =	vbroadcast v61, $0x0  }
0x444: {  	v62 =	vshll.u32 v40, v1;
	v58 =	vshll.u32 v38, v1;
	v56 =	vld [tilespmem:s25+$0xFFFFFD90]  }
0x445: {  	v40 =	vbroadcast v62, $0x0;
	v38 =	vbroadcast v58, $0x0;
	v58 =	vld [tilespmem:s25+$0xFFFFFE10];
	[tilespmem:v59+s21+$0x0] =	vst.idx.msk $0xffff, v53;
	v10 =	vadd.s32 v19, v46  }
0x446: {  	v41 =	vshll.u32 v41, v1;
	v39 =	vshll.u32 v39, v1;
	v55 =	vld [tilespmem:s25+$0xFFFFFE90];
	[tilespmem:v44+s21+$0x0] =	vst.idx.msk $0xffff, v43  }
0x447: {  	v49 =	vshrl.u32 v49, $0x3;
	v41 =	vbroadcast v41, $0x0;
	v60 =	vadd.s32 v54, v40;
	v59 =	vld [tilespmem:s25+$0xFFFFFCD0];
	[tilespmem:v63+s21+$0x0] =	vst.idx.msk $0xffff, v6  }
0x448: {  	v39 =	vbroadcast v39, $0x0;
	v0 =	vshll.u32 v0, v1;
	[tilespmem:v4+s21+$0x0] =	vst.idx.msk $0xffff, v3;
	v3 =	vld [tilespmem:s25+$0xFFFFFC10];
	v4 =	vadd.s32 v11, v33  }
0x449: {  	v62 =	vadd.s32 v23, v38;
	v61 =	vld [tilespmem:s25+$0xFFFFFD10];
	[tilespmem:v47+s21+$0x0] =	vst.idx.msk $0xffff, v42;
	v42 =	vbroadcast v0, $0x0;
	v0 =	vshll.u32 v5, v1  }
0x44a: {  	v53 =	vld [tilespmem:$0x1FEF0];
	v34 =	vshll.u32 v34, v1;
	v43 =	vbroadcast v0, $0x0;
	[tilespmem:v10+s21+$0x0] =	vst.idx.msk $0xffff, v9;
	v9 =	vadd.s32 v24, v39  }
0x44b: {  	v63 =	vadd.s32 v31, v41;
	v0 =	vshll.u32 v8, v1;
	v8 =	vld [tilespmem:s25+$0xFFFFFDD0];
	v10 =	vadd.s32 v18, v42  }
0x44c: {  	v6 =	vld [tilespmem:s25+$0xFFFFFD50];
	[tilespmem:v60+s21+$0x0] =	vst.idx.msk $0xffff, v59;
	v44 =	vbroadcast v0, $0x0;
	v0 =	vshrl.u32 v48, $0x3;
	v59 =	vadd.s32 v11, v43  }
0x44d: {  	v47 =	vbroadcast v34, $0x0;
	v0 =	vshll.u32 v0, v1;
	[tilespmem:v4+s21+$0x0] =	vst.idx.msk $0xffff, v3;
	v3 =	vld [tilespmem:s25+$0xFFFFFFE0];
	v4 =	vadd.s32 v22, v2  }
0x44e: {  	[tilespmem:v62+s21+$0x0] =	vst.idx.msk $0xffff, v61;
	v60 =	vld [tilespmem:s25+$0xFFFFFE50];
	v62 =	vshll.u32 v37, v1;
	v36 =	vbroadcast v0, $0x0;
	v0 =	vshll.u32 v49, v1  }
0x44f: {  	v34 =	vbroadcast v62, $0x0;
	v37 =	vbroadcast v0, $0x0;
	v0 =	vld [tilespmem:s25+$0xFFFFFF50];
	[tilespmem:v9+s21+$0x0] =	vst.idx.msk $0xffff, v56  }
0x450: {  	v61 =	vadd.s32 v15, v44;
	[tilespmem:v10+s21+$0x0] =	vst.idx.msk $0xffff, v8;
	v9 =	vld [tilespmem:s25+$0xFFFFFF10]  }
0x451: {  	v8 =	vadd.s32 v54, v34;
	v54 =	vld [tilespmem:$0x1FF30];
	[tilespmem:v59+s21+$0x0] =	vst.idx.msk $0xffff, v58  }
0x452: {  	v58 =	vadd.s32 v31, v36;
	v59 =	vld [tilespmem:s25+$0xFFFFFF90];
	[tilespmem:v4+s21+$0x0] =	vst.idx.msk $0xffff, v3  }
0x453: {  	[tilespmem:v63+s21+$0x0] =	vst.idx.msk $0xffff, v6;
	v63 =	vadd.s32 v26, v2;
	v3 =	vshll.u32 v50, v1;
	v4 =	vld [tilespmem:s25+$0xFFFFFFF0]  }
0x454: {  	v35 =	vbroadcast v3, $0x0;
	v3 =	vld [tilespmem:s25+$0xFFFFFED0]  }
0x455: {  	[tilespmem:v61+s21+$0x0] =	vst.idx.msk $0xffff, v60;
	v61 =	vld [tilespmem:s25+$0xFFFFFC60]  }
0x456: {  	v62 =	vadd.s32 v51, v45;
	v50 =	vld [tilespmem:$0x1FF70]  }
0x457: {  	v10 =	vadd.s32 v23, v35;
	[tilespmem:v58+s21+$0x0] =	vst.idx.msk $0xffff, v0;
	v0 =	vld [tilespmem:s25+$0xFFFFFD20]  }
0x458: {  	v60 =	vadd.s32 v24, v37;
	v58 =	vld [tilespmem:s25+$0xFFFFFD60];
	[tilespmem:v63+s21+$0x0] =	vst.idx.msk $0xffff, v4  }
0x459: {  	[tilespmem:v8+s21+$0x0] =	vst.idx.msk $0xffff, v3;
	v3 =	vld [tilespmem:s25+$0xFFFFFCA0];
	v63 =	vadd.s32 v52, v46  }
0x45a: {  	v56 =	vadd.s32 v19, v47;
	v23 =	vld [tilespmem:$0x1FED0]  }
0x45b: {  	v2 =	vadd.s32 v27, v2;
	[tilespmem:v62+s21+$0x0] =	vst.idx.msk $0xffff, v61;
	v4 =	vld [tilespmem:s25+$0x0]  }
0x45c: {  	v62 =	vld [tilespmem:s25+$0xFFFFFE20];
	[tilespmem:v10+s21+$0x0] =	vst.idx.msk $0xffff, v9;
	v10 =	vadd.s32 v54, v38  }
0x45d: {  	[tilespmem:v60+s21+$0x0] =	vst.idx.msk $0xffff, v59;
	v8 =	vld [tilespmem:s25+$0xFFFFFCE0];
	v9 =	vadd.s32 v53, v40  }
0x45e: {  	v59 =	vadd.s32 v50, v41;
	[tilespmem:v63+s21+$0x0] =	vst.idx.msk $0xffff, v3;
	v3 =	vld [tilespmem:s25+$0xFFFFFDE0]  }
0x45f: {  	[tilespmem:v56+s21+$0x0] =	vst.idx.msk $0xffff, v55;
	v61 =	vadd.s32 v22, v42;
	v63 =	vld [tilespmem:$0x1FE00]  }
0x460: {  	v60 =	vadd.s32 v28, v39;
	[tilespmem:v2+s21+$0x0] =	vst.idx.msk $0xffff, v4;
	v2 =	vld [tilespmem:s25+$0xFFFFFDA0]  }
0x461: {  	[tilespmem:v10+s21+$0x0] =	vst.idx.msk $0xffff, v0;
	v0 =	vld [tilespmem:s25+$0xFFFFFE60]  }
0x462: {  	[tilespmem:v9+s21+$0x0] =	vst.idx.msk $0xffff, v8;
	v8 =	vadd.s32 v51, v44;
	v9 =	vld [tilespmem:s25+$0xFFFFFEA0]  }
0x463: {  	[tilespmem:v59+s21+$0x0] =	vst.idx.msk $0xffff, v58;
	v59 =	vadd.s32 v54, v35;
	v10 =	vadd.s32 v52, v47;
	v54 =	vld [tilespmem:s25+$0xFFFFFD30]  }
0x464: {  	v56 =	vadd.s32 v63, v43;
	[tilespmem:v61+s21+$0x0] =	vst.idx.msk $0xffff, v3;
	v3 =	vld [tilespmem:s25+$0xFFFFFF20]  }
0x465: {  	[tilespmem:v60+s21+$0x0] =	vst.idx.msk $0xffff, v2;
	v2 =	vld [tilespmem:s25+$0xFFFFFEE0]  }
0x466: {  	v58 =	vadd.s32 v53, v34;
	v60 =	vld [tilespmem:s25+$0xFFFFFF60]  }
0x467: {  	v61 =	vadd.s32 v50, v36;
	[tilespmem:v8+s21+$0x0] =	vst.idx.msk $0xffff, v0;
	v0 =	vld [tilespmem:s25+$0xFFFFFFA0]  }
0x468: {  	v8 =	vadd.s32 v28, v37;
	[tilespmem:v10+s21+$0x0] =	vst.idx.msk $0xffff, v9;
	v9 =	vld [tilespmem:s25+$0xFFFFFC70]  }
0x469: {  	v10 =	vadd.s32 v17, v45;
	[tilespmem:v56+s21+$0x0] =	vst.idx.msk $0xffff, v62;
	v62 =	vld [tilespmem:s25+$0xFFFFFC20]  }
0x46a: {  	v55 =	vadd.s32 v29, v38;
	[tilespmem:v59+s21+$0x0] =	vst.idx.msk $0xffff, v3;
	v3 =	vld [tilespmem:s25+$0xFFFFFCF0]  }
0x46b: {  	v63 =	vadd.s32 v63, v33;
	v59 =	vld [tilespmem:s25+$0xFFFFFE70];
	[tilespmem:v58+s21+$0x0] =	vst.idx.msk $0xffff, v2  }
0x46c: {  	v53 =	vadd.s32 v25, v40;
	v2 =	vld [tilespmem:s25+$0xFFFFFCB0];
	[tilespmem:v61+s21+$0x0] =	vst.idx.msk $0xffff, v60  }
0x46d: {  	v52 =	vadd.s32 v21, v46;
	[tilespmem:v8+s21+$0x0] =	vst.idx.msk $0xffff, v0;
	v0 =	vld [tilespmem:s25+$0xFFFFFD70]  }
0x46e: {  	v60 =	vadd.s32 v17, v44;
	[tilespmem:v10+s21+$0x0] =	vst.idx.msk $0xffff, v9;
	v9 =	vld [tilespmem:s25+$0xFFFFFDB0]  }
0x46f: {  	[tilespmem:v55+s21+$0x0] =	vst.idx.msk $0xffff, v54;
	v8 =	vadd.s32 v16, v41;
	v6 =	vld [tilespmem:s25+$0xFFFFFFB0]  }
0x470: {  	v10 =	vadd.s32 v32, v39;
	v54 =	vld [tilespmem:s25+$0xFFFFFC80];
	[tilespmem:v63+s21+$0x0] =	vst.idx.msk $0xffff, v62  }
0x471: {  	v7 =	vadd.s32 v32, v37;
	[tilespmem:v53+s21+$0x0] =	vst.idx.msk $0xffff, v3;
	v3 =	vld [tilespmem:s25+$0xFFFFFE30]  }
0x472: {  	v58 =	vadd.s32 v14, v43;
	v63 =	vld [tilespmem:$0x1FE90];
	[tilespmem:v52+s21+$0x0] =	vst.idx.msk $0xffff, v2  }
0x473: {  	v56 =	vadd.s32 v26, v42;
	v2 =	vld [tilespmem:s25+$0xFFFFFDF0];
	[tilespmem:v60+s21+$0x0] =	vst.idx.msk $0xffff, v59  }
0x474: {  	v51 =	vadd.s32 v14, v33;
	v48 =	vld [tilespmem:s25+$0xFFFFFC30];
	[tilespmem:v8+s21+$0x0] =	vst.idx.msk $0xffff, v0  }
0x475: {  	v0 =	vld [tilespmem:s25+$0xFFFFFEB0];
	v8 =	vadd.s32 v21, v47;
	[tilespmem:v10+s21+$0x0] =	vst.idx.msk $0xffff, v9  }
0x476: {  	v9 =	vld [tilespmem:s25+$0xFFFFFEF0];
	v10 =	vadd.s32 v25, v34;
	[tilespmem:v7+s21+$0x0] =	vst.idx.msk $0xffff, v6  }
0x477: {  	s30 =	sadd.s32 $0x1, s28;
	v5 =	vadd.s32 v16, v36;
	v40 =	vadd.s32 v57, v40;
	[tilespmem:v58+s21+$0x0] =	vst.idx.msk $0xffff, v3;
	v3 =	vld [tilespmem:s25+$0xFFFFFF70]  }
0x478: {  	v4 =	vadd.s32 v29, v35;
	v55 =	vmov s30;
	v61 =	vmov s28;
	[tilespmem:v56+s21+$0x0] =	vst.idx.msk $0xffff, v2;
	v2 =	vld [tilespmem:s25+$0xFFFFFF30]  }
0x479: {  	s30 =	sadd.s32 $0x8, s28;
	v49 =	vshrl.u32 v61, $0x3;
	v61 =	vadd.s32 v27, v42;
	v6 =	vld [tilespmem:s25+$0xFFFFFD80];
	v7 =	vadd.s32 v20, v41;
	[tilespmem:v51+s21+$0x0] =	vst.idx.msk $0xffff, v48  }
0x47a: {  	s29 =	sadd.s32 $0x7, s28;
	v53 =	vmov s30;
	v59 =	vadd.s32 v23, v46;
	v42 =	vld [tilespmem:s25+$0xFFFFFE80];
	v62 =	vadd.s32 v63, v45;
	[tilespmem:v8+s21+$0x0] =	vst.idx.msk $0xffff, v0  }
0x47b: {  	v52 =	vmov s29;
	s29 =	sadd.s32 $0xC, s28;
	v60 =	vadd.s32 v12, v39;
	v58 =	vld [tilespmem:s25+$0xFFFFFCC0];
	v63 =	vadd.s32 v63, v44;
	[tilespmem:v10+s21+$0x0] =	vst.idx.msk $0xffff, v9  }
0x47c: {  	p1 =	slt.u32 s28, $0x70;
	s2 =	sadd.s32 $0x3, s28;
	s30 =	sadd.s32 $0xD, s28;
	v44 =	vadd.s32 v23, v47;
	v51 =	vmov s29;
	[tilespmem:v5+s21+$0x0] =	vst.idx.msk $0xffff, v3;
	v3 =	vld [tilespmem:s25+$0xFFFFFD40];
	v5 =	vadd.s32 v30, v38  }
0x47d: {  	s31 =	sadd.s32 $0x2, s28;
	s12 =	sadd.s32 $0x5, s28;
	v48 =	vmov s30;
	v56 =	vshrl.u32 v55, $0x3;
	v8 =	vmov s2;
	s2 =	sadd.s32 $0x4, s28;
	[tilespmem:v4+s21+$0x0] =	vst.idx.msk $0xffff, v2;
	v4 =	vld [tilespmem:s25+$0xFFFFFD00]  }
.Ltmp6:
0x47e: {  	v0 =	vmov s31;
	v10 =	vmov s12;
	s31 =	sadd.s32 $0x9, s28;
	s12 =	sadd.s32 $0xA, s28;
	v9 =	vmov s2;
	[tilespmem:v7+s21+$0x0] =	vst.idx.msk $0xffff, v6;
	(pc) =	sbr.rel @p1 .LBB2_15-.Ltmp6, $4  }
0x47f: {  	v57 =	vld [tilespmem:s25+$0xFFFFFDC0];
	v45 =	vmov s31;
	v46 =	vmov s12;
	s31 =	sadd.s32 $0xE, s28;
	v55 =	vshrl.u32 v0, $0x3;
	[tilespmem:v62+s21+$0x0] =	vst.idx.msk $0xffff, v54  }
0x480: {  	s14 =	sadd.s32 $0x6, s28;
	v41 =	vshrl.u32 v10, $0x3;
	v54 =	vshll.u32 v49, v1;
	v49 =	vmov s31;
	[tilespmem:v59+s21+$0x0] =	vst.idx.msk $0xffff, v58;
	v58 =	vld [tilespmem:s25+$0xFFFFFE00]  }
0x481: {  	v59 =	vld [tilespmem:s25+$0xFFFFFE40];
	v62 =	vadd.s32 v13, v43;
	v38 =	vshrl.u32 v9, $0x3;
	v2 =	vmov s14;
	s14 =	sadd.s32 $0xB, s28;
	[tilespmem:v5+s21+$0x0] =	vst.idx.msk $0xffff, v3  }
0x482: {  	s0 =	sadd.s32 $0xF, s28;
	v43 =	vld [tilespmem:s25+$0xFFFFFEC0];
	s28 =	sadd.s32 $0x10, s28;
	v50 =	vmov s14;
	v39 =	vshrl.u32 v2, $0x3;
	[tilespmem:v40+s21+$0x0] =	vst.idx.msk $0xffff, v4;
	v40 =	vshrl.u32 v8, $0x3  }
0x483: {  	_ =	sdelay $0x3  }
0x484: {  	[tilespmem:v60+s21+$0x0] =	vst.idx.msk $0xffff, v57  }
0x485: {  	v57 =	vld [tilespmem:$0x1FF10];
	_ =	sdelay $0x1  }
0x486: {  	v6 =	vld [tilespmem:s25+$0xFFFFFF40];
	v7 =	vadd.s32 v30, v35  }
0x487: {  	v9 =	vld [tilespmem:s25+$0xFFFFFF80];
	v10 =	vadd.s32 v20, v36;
	[tilespmem:v61+s21+$0x0] =	vst.idx.msk $0xffff, v58  }
0x488: {  	v2 =	vmov s0;
	v60 =	vld [tilespmem:s25+$0xFFFFFFC0];
	[tilespmem:v63+s21+$0x0] =	vst.idx.msk $0xffff, v42;
	v61 =	vadd.s32 v12, v37  }
0x489: {  	v3 =	vld [tilespmem:s25+$0xFFFFFF00];
	v2 =	vshrl.u32 v2, $0x3;
	[tilespmem:v62+s21+$0x0] =	vst.idx.msk $0xffff, v59;
	v4 =	vadd.s32 v57, v34  }
0x48a: {  	v47 =	vld [tilespmem:s25+$0xFFFFFC40];
	v2 =	vshll.u32 v2, v1;
	v63 =	vadd.s32 v13, v33;
	[tilespmem:v44+s21+$0x0] =	vst.idx.msk $0xffff, v43  }
0x48b: {  	v2 =	vbroadcast v2, $0x0;
	[tilespmem:v7+s21+$0x0] =	vst.idx.msk $0xffff, v6  }
0x48c: {  	s14 =	sadd.s32 $0x400, s25;
	[tilespmem:v10+s21+$0x0] =	vst.idx.msk $0xffff, v9;
	v34 =	vbroadcast v54, $0x0  }
0x48d: {  	v43 =	vld [tilespmem:s14+$0xFFFFFFD0];
	v44 =	vadd.s32 v18, v2;
	[tilespmem:v61+s21+$0x0] =	vst.idx.msk $0xffff, v60  }
0x48e: {  	v62 =	vshll.u32 v56, v1;
	[tilespmem:v4+s21+$0x0] =	vst.idx.msk $0xffff, v3;
	v3 =	vld [tilespmem:s14+$0xFFFFFC10];
	v4 =	vadd.s32 v11, v34  }
0x48f: {  	v0 =	vshrl.u32 v52, $0x3;
	v55 =	vshll.u32 v55, v1;
	v33 =	vbroadcast v62, $0x0;
	v54 =	vld [tilespmem:$0x1FEE0];
	[tilespmem:v63+s21+$0x0] =	vst.idx.msk $0xffff, v47  }
0x490: {  	v5 =	vshrl.u32 v53, $0x3;
	v8 =	vshrl.u32 v45, $0x3;
	v35 =	vbroadcast v55, $0x0;
	v23 =	vld [tilespmem:$0x1FF20]  }
0x491: {  	v45 =	vshrl.u32 v46, $0x3;
	v56 =	vshll.u32 v40, v1;
	v6 =	vld [tilespmem:s14+$0xFFFFFC50];
	v7 =	vadd.s32 v15, v33  }
0x492: {  	v58 =	vshll.u32 v38, v1;
	v36 =	vbroadcast v56, $0x0;
	v9 =	vld [tilespmem:s14+$0xFFFFFC90];
	v10 =	vadd.s32 v19, v35;
	[tilespmem:v44+s21+$0x0] =	vst.idx.msk $0xffff, v43  }
0x493: {  	v37 =	vbroadcast v58, $0x0;
	v61 =	vshll.u32 v41, v1;
	[tilespmem:v4+s21+$0x0] =	vst.idx.msk $0xffff, v3;
	v3 =	vld [tilespmem:s14+$0xFFFFFFE0];
	v4 =	vadd.s32 v22, v2  }
0x494: {  	v39 =	vshll.u32 v39, v1;
	v59 =	vld [tilespmem:s14+$0xFFFFFCD0];
	v38 =	vbroadcast v61, $0x0;
	v60 =	vadd.s32 v54, v36  }
0x495: {  	v39 =	vbroadcast v39, $0x0;
	v0 =	vshll.u32 v0, v1;
	v62 =	vld [tilespmem:s14+$0xFFFFFD10];
	v63 =	vadd.s32 v23, v37  }
0x496: {  	v40 =	vbroadcast v0, $0x0;
	v0 =	vshll.u32 v5, v1;
	[tilespmem:v7+s21+$0x0] =	vst.idx.msk $0xffff, v6;
	v6 =	vld [tilespmem:s14+$0xFFFFFD50];
	v7 =	vadd.s32 v31, v38  }
0x497: {  	v5 =	vld [tilespmem:s14+$0xFFFFFD90];
	v41 =	vbroadcast v0, $0x0;
	v0 =	vshll.u32 v8, v1;
	[tilespmem:v10+s21+$0x0] =	vst.idx.msk $0xffff, v9;
	v9 =	vadd.s32 v24, v39  }
0x498: {  	v50 =	vshrl.u32 v50, $0x3;
	v8 =	vld [tilespmem:s14+$0xFFFFFDD0];
	v42 =	vbroadcast v0, $0x0;
	v10 =	vadd.s32 v18, v40;
	[tilespmem:v4+s21+$0x0] =	vst.idx.msk $0xffff, v3  }
0x499: {  	v51 =	vshrl.u32 v51, $0x3;
	v56 =	vld [tilespmem:s14+$0xFFFFFE10];
	v58 =	vadd.s32 v11, v41;
	[tilespmem:v60+s21+$0x0] =	vst.idx.msk $0xffff, v59;
	v59 =	vshll.u32 v45, v1  }
0x49a: {  	v61 =	vadd.s32 v15, v42;
	v60 =	vld [tilespmem:s14+$0xFFFFFE50];
	[tilespmem:v63+s21+$0x0] =	vst.idx.msk $0xffff, v62;
	v43 =	vbroadcast v59, $0x0;
	v62 =	vshll.u32 v50, v1  }
0x49b: {  	[tilespmem:v7+s21+$0x0] =	vst.idx.msk $0xffff, v6;
	v6 =	vadd.s32 v26, v2;
	v3 =	vshll.u32 v51, v1;
	v4 =	vld [tilespmem:s14+$0xFFFFFFF0];
	v44 =	vbroadcast v62, $0x0  }
0x49c: {  	[tilespmem:v9+s21+$0x0] =	vst.idx.msk $0xffff, v5;
	v5 =	vld [tilespmem:s14+$0xFFFFFE90];
	v45 =	vbroadcast v3, $0x0;
	v7 =	vadd.s32 v19, v43  }
0x49d: {  	[tilespmem:v10+s21+$0x0] =	vst.idx.msk $0xffff, v8;
	v3 =	vld [tilespmem:s14+$0xFFFFFED0];
	v8 =	vadd.s32 v54, v44  }
0x49e: {  	v0 =	vshrl.u32 v48, $0x3;
	[tilespmem:v58+s21+$0x0] =	vst.idx.msk $0xffff, v56;
	v9 =	vld [tilespmem:s14+$0xFFFFFF10];
	v10 =	vadd.s32 v23, v45  }
0x49f: {  	v49 =	vshrl.u32 v49, $0x3;
	v0 =	vshll.u32 v0, v1;
	[tilespmem:v61+s21+$0x0] =	vst.idx.msk $0xffff, v60  }
0x4a0: {  	v55 =	vld [tilespmem:s14+$0xFFFFFF90];
	v46 =	vbroadcast v0, $0x0;
	v0 =	vshll.u32 v49, v1;
	[tilespmem:v6+s21+$0x0] =	vst.idx.msk $0xffff, v4  }
0x4a1: {  	v63 =	vbroadcast v0, $0x0;
	v0 =	vld [tilespmem:s14+$0xFFFFFF50];
	[tilespmem:v7+s21+$0x0] =	vst.idx.msk $0xffff, v5  }
0x4a2: {  	v54 =	vadd.s32 v31, v46;
	v11 =	vld [tilespmem:$0x1FE70];
	[tilespmem:v8+s21+$0x0] =	vst.idx.msk $0xffff, v3  }
0x4a3: {  	v15 =	vld [tilespmem:$0x1FEB0];
	[tilespmem:v10+s21+$0x0] =	vst.idx.msk $0xffff, v9  }
0x4a4: {  	v19 =	vld [tilespmem:$0x1FEF0]  }
0x4a5: {  	v56 =	vadd.s32 v24, v63;
	v4 =	vld [tilespmem:s14+$0x0]  }
0x4a6: {  	v2 =	vadd.s32 v27, v2;
	v5 =	vld [tilespmem:s14+$0xFFFFFC60]  }
0x4a7: {  	v3 =	vld [tilespmem:s14+$0xFFFFFCA0];
	[tilespmem:v54+s21+$0x0] =	vst.idx.msk $0xffff, v0;
	v6 =	vadd.s32 v11, v33  }
0x4a8: {  	v23 =	vld [tilespmem:$0x1FF30];
	v7 =	vadd.s32 v15, v35  }
0x4a9: {  	v8 =	vld [tilespmem:s14+$0xFFFFFCE0];
	v9 =	vadd.s32 v19, v36  }
0x4aa: {  	[tilespmem:v56+s21+$0x0] =	vst.idx.msk $0xffff, v55  }
0x4ab: {  	v31 =	vld [tilespmem:$0x1FF70];
	[tilespmem:v2+s21+$0x0] =	vst.idx.msk $0xffff, v4  }
0x4ac: {  	[tilespmem:v6+s21+$0x0] =	vst.idx.msk $0xffff, v5  }
0x4ad: {  	v0 =	vld [tilespmem:s14+$0xFFFFFD20];
	v10 =	vadd.s32 v23, v37;
	[tilespmem:v7+s21+$0x0] =	vst.idx.msk $0xffff, v3  }
0x4ae: {  	v2 =	vld [tilespmem:s14+$0xFFFFFDA0];
	[tilespmem:v9+s21+$0x0] =	vst.idx.msk $0xffff, v8  }
0x4af: {  	v4 =	vadd.s32 v28, v39;
	v50 =	vld [tilespmem:$0x1FE00]  }
0x4b0: {  	v58 =	vld [tilespmem:s14+$0xFFFFFD60];
	v59 =	vadd.s32 v31, v38  }
0x4b1: {  	v5 =	vadd.s32 v22, v40;
	v3 =	vld [tilespmem:s14+$0xFFFFFDE0]  }
0x4b2: {  	v8 =	vadd.s32 v11, v42;
	[tilespmem:v10+s21+$0x0] =	vst.idx.msk $0xffff, v0;
	v0 =	vld [tilespmem:s14+$0xFFFFFE60]  }
0x4b3: {  	v9 =	vld [tilespmem:s14+$0xFFFFFEA0];
	v10 =	vadd.s32 v15, v43  }
0x4b4: {  	v6 =	vld [tilespmem:s14+$0xFFFFFE20];
	[tilespmem:v4+s21+$0x0] =	vst.idx.msk $0xffff, v2;
	v7 =	vadd.s32 v50, v41  }
0x4b5: {  	v2 =	vld [tilespmem:s14+$0xFFFFFEE0];
	v4 =	vadd.s32 v19, v44;
	[tilespmem:v59+s21+$0x0] =	vst.idx.msk $0xffff, v58  }
0x4b6: {  	[tilespmem:v5+s21+$0x0] =	vst.idx.msk $0xffff, v3;
	v3 =	vld [tilespmem:s14+$0xFFFFFF20];
	v5 =	vadd.s32 v23, v45  }
0x4b7: {  	[tilespmem:v8+s21+$0x0] =	vst.idx.msk $0xffff, v0;
	v0 =	vld [tilespmem:s14+$0xFFFFFFA0];
	v8 =	vadd.s32 v28, v63  }
0x4b8: {  	v60 =	vld [tilespmem:s14+$0xFFFFFC20];
	v61 =	vadd.s32 v50, v34;
	[tilespmem:v10+s21+$0x0] =	vst.idx.msk $0xffff, v9  }
0x4b9: {  	[tilespmem:v7+s21+$0x0] =	vst.idx.msk $0xffff, v6;
	v6 =	vld [tilespmem:s14+$0xFFFFFF60];
	v7 =	vadd.s32 v31, v46  }
0x4ba: {  	v9 =	vld [tilespmem:s14+$0xFFFFFC70];
	v10 =	vadd.s32 v17, v33;
	[tilespmem:v4+s21+$0x0] =	vst.idx.msk $0xffff, v2  }
0x4bb: {  	v2 =	vld [tilespmem:s14+$0xFFFFFCB0];
	v4 =	vadd.s32 v21, v35;
	[tilespmem:v5+s21+$0x0] =	vst.idx.msk $0xffff, v3  }
0x4bc: {  	v3 =	vld [tilespmem:s14+$0xFFFFFCF0];
	v5 =	vadd.s32 v25, v36;
	[tilespmem:v8+s21+$0x0] =	vst.idx.msk $0xffff, v0  }
0x4bd: {  	[tilespmem:v61+s21+$0x0] =	vst.idx.msk $0xffff, v60;
	v0 =	vld [tilespmem:s14+$0xFFFFFD70];
	v8 =	vadd.s32 v16, v38  }
0x4be: {  	[tilespmem:v7+s21+$0x0] =	vst.idx.msk $0xffff, v6;
	v6 =	vld [tilespmem:s14+$0xFFFFFD30];
	v7 =	vadd.s32 v29, v37  }
0x4bf: {  	[tilespmem:v10+s21+$0x0] =	vst.idx.msk $0xffff, v9;
	v9 =	vld [tilespmem:s14+$0xFFFFFDB0];
	v10 =	vadd.s32 v32, v39  }
0x4c0: {  	[tilespmem:v4+s21+$0x0] =	vst.idx.msk $0xffff, v2;
	v2 =	vld [tilespmem:s14+$0xFFFFFDF0];
	v4 =	vadd.s32 v26, v40  }
0x4c1: {  	[tilespmem:v5+s21+$0x0] =	vst.idx.msk $0xffff, v3;
	v3 =	vld [tilespmem:s14+$0xFFFFFE30];
	v5 =	vadd.s32 v14, v41  }
0x4c2: {  	[tilespmem:v8+s21+$0x0] =	vst.idx.msk $0xffff, v0;
	v0 =	vld [tilespmem:s14+$0xFFFFFEB0];
	v8 =	vadd.s32 v21, v43  }
0x4c3: {  	[tilespmem:v7+s21+$0x0] =	vst.idx.msk $0xffff, v6;
	v6 =	vld [tilespmem:s14+$0xFFFFFE70];
	v7 =	vadd.s32 v17, v42  }
0x4c4: {  	[tilespmem:v10+s21+$0x0] =	vst.idx.msk $0xffff, v9;
	v9 =	vld [tilespmem:s14+$0xFFFFFEF0];
	v10 =	vadd.s32 v25, v44  }
0x4c5: {  	v48 =	vld [tilespmem:s14+$0xFFFFFC30];
	[tilespmem:v4+s21+$0x0] =	vst.idx.msk $0xffff, v2  }
0x4c6: {  	v2 =	vld [tilespmem:s14+$0xFFFFFF30];
	v4 =	vadd.s32 v29, v45;
	[tilespmem:v5+s21+$0x0] =	vst.idx.msk $0xffff, v3  }
0x4c7: {  	v3 =	vld [tilespmem:s14+$0xFFFFFF70];
	v5 =	vadd.s32 v16, v46;
	[tilespmem:v8+s21+$0x0] =	vst.idx.msk $0xffff, v0  }
0x4c8: {  	[tilespmem:v7+s21+$0x0] =	vst.idx.msk $0xffff, v6;
	v6 =	vld [tilespmem:s14+$0xFFFFFFB0];
	v7 =	vadd.s32 v32, v63  }
0x4c9: {  	v16 =	vld [tilespmem:$0x1FE90];
	[tilespmem:v10+s21+$0x0] =	vst.idx.msk $0xffff, v9  }
0x4ca: {  	v62 =	vadd.s32 v14, v34;
	v17 =	vld [tilespmem:$0x1FED0]  }
0x4cb: {  	[tilespmem:v4+s21+$0x0] =	vst.idx.msk $0xffff, v2;
	v2 =	vld [tilespmem:s14+$0xFFFFFD00];
	v4 =	vadd.s32 v57, v36  }
0x4cc: {  	[tilespmem:v5+s21+$0x0] =	vst.idx.msk $0xffff, v3;
	v3 =	vld [tilespmem:s14+$0xFFFFFD40];
	v5 =	vadd.s32 v30, v37  }
0x4cd: {  	[tilespmem:v7+s21+$0x0] =	vst.idx.msk $0xffff, v6;
	v6 =	vld [tilespmem:s14+$0xFFFFFD80];
	v7 =	vadd.s32 v20, v38  }
0x4ce: {  	v0 =	vld [tilespmem:s14+$0xFFFFFC80];
	v8 =	vadd.s32 v16, v33  }
0x4cf: {  	v9 =	vld [tilespmem:s14+$0xFFFFFCC0];
	[tilespmem:v62+s21+$0x0] =	vst.idx.msk $0xffff, v48;
	v10 =	vadd.s32 v17, v35  }
0x4d0: {  	[tilespmem:v4+s21+$0x0] =	vst.idx.msk $0xffff, v2;
	v2 =	vld [tilespmem:s14+$0xFFFFFE40];
	v4 =	vadd.s32 v13, v41  }
0x4d1: {  	[tilespmem:v5+s21+$0x0] =	vst.idx.msk $0xffff, v3;
	v3 =	vld [tilespmem:s14+$0xFFFFFE80];
	v5 =	vadd.s32 v16, v42  }
0x4d2: {  	[tilespmem:v7+s21+$0x0] =	vst.idx.msk $0xffff, v6;
	v6 =	vld [tilespmem:s14+$0xFFFFFEC0];
	v7 =	vadd.s32 v17, v43  }
0x4d3: {  	[tilespmem:v8+s21+$0x0] =	vst.idx.msk $0xffff, v0;
	v0 =	vld [tilespmem:s14+$0xFFFFFDC0];
	v8 =	vadd.s32 v12, v39  }
0x4d4: {  	[tilespmem:v10+s21+$0x0] =	vst.idx.msk $0xffff, v9;
	v9 =	vld [tilespmem:s14+$0xFFFFFE00];
	v10 =	vadd.s32 v27, v40  }
0x4d5: {  	[tilespmem:v4+s21+$0x0] =	vst.idx.msk $0xffff, v2;
	v2 =	vld [tilespmem:s14+$0xFFFFFF80];
	v4 =	vadd.s32 v20, v46  }
0x4d6: {  	[tilespmem:v5+s21+$0x0] =	vst.idx.msk $0xffff, v3;
	v3 =	vld [tilespmem:s14+$0xFFFFFFC0];
	v5 =	vadd.s32 v12, v63  }
0x4d7: {  	v34 =	vadd.s32 v13, v34;
	v63 =	vld [tilespmem:s14+$0xFFFFFC40];
	[tilespmem:v7+s21+$0x0] =	vst.idx.msk $0xffff, v6  }
0x4d8: {  	[tilespmem:v8+s21+$0x0] =	vst.idx.msk $0xffff, v0;
	v0 =	vld [tilespmem:s14+$0xFFFFFF00];
	v8 =	vadd.s32 v57, v44  }
0x4d9: {  	[tilespmem:v10+s21+$0x0] =	vst.idx.msk $0xffff, v9;
	v9 =	vld [tilespmem:s14+$0xFFFFFF40];
	v10 =	vadd.s32 v30, v45  }
0x4da: {  	[tilespmem:v4+s21+$0x0] =	vst.idx.msk $0xffff, v2  }
0x4db: {  	[tilespmem:v5+s21+$0x0] =	vst.idx.msk $0xffff, v3  }
0x4dc: {  	[tilespmem:v34+s21+$0x0] =	vst.idx.msk $0xffff, v63  }
0x4dd: {  	[tilespmem:v8+s21+$0x0] =	vst.idx.msk $0xffff, v0  }
0x4de: {  	s28 =	simm.s32 $0x18600;
	s14 =	sadd.s32 s26, s9;
	[tilespmem:v10+s21+$0x0] =	vst.idx.msk $0xffff, v9  }
0x4df: {  	[hbm4b:s14+s3] =	stream.linear.scatter [tilespmem:s28], [sflag:$0x3], $0x80, $0x38;
	[tilespmem:$0x1A800] =	vst v63  }
0x4e0: {  	s29 =	simm.s32 $0x18688;
	s2 =	sadd.s32 $0x10, s14  }
0x4e1: {  	[hbm4b:s2+s3] =	stream.linear.scatter [tilespmem:s29], [sflag:$0x3], $0x80, $0x38;
	[tilespmem:$0x1A800] =	vst v63  }
0x4e2: {  	s30 =	simm.s32 $0x18710;
	s0 =	simm.s32 $0x2200;
	s31 =	sadd.s32 $0x20, s14  }
0x4e3: {  	[hbm4b:s31+s3] =	stream.linear.scatter [tilespmem:s30], [sflag:$0x3], $0x80, $0x38;
	[tilespmem:$0x1A800] =	vst v63  }
0x4e4: {  	s25 =	simm.s32 $0x18820;
	s12 =	sadd.s32 $0x30, s14;
	s2 =	simm.s32 $0x18798  }
0x4e5: {  	[hbm4b:s12+s3] =	stream.linear.scatter [tilespmem:s2], [sflag:$0x3], $0x80, $0x38;
	[tilespmem:$0x1A800] =	vst v63  }
0x4e6: {  	s26 =	sadd.s32 $0x40, s14;
	s28 =	simm.s32 $0x188A8;
	s29 =	sadd.s32 $0x50, s14  }
0x4e7: {  	[hbm4b:s26+s3] =	stream.linear.scatter [tilespmem:s25], [sflag:$0x3], $0x80, $0x38;
	[tilespmem:$0x1A800] =	vst v63  }
0x4e8: {  	v14 =	vmov v11;
	s30 =	simm.s32 $0x18930;
	s31 =	sadd.s32 $0x60, s14;
	s2 =	simm.s32 $0x189B8  }
0x4e9: {  	v11 =	vmovc v28;
	v29 =	vmovc v23;
	v23 =	vmov v22;
	v21 =	vmov v26;
	v12 =	vmov v15;
	[hbm4b:s29+s3] =	stream.linear.scatter [tilespmem:s28], [sflag:$0x3], $0x80, $0x38;
	[tilespmem:$0x1A800] =	vst v63  }
0x4ea: {  	v6 =	vmovc v57;
	v7 =	vmovc v30;
	v3 =	vmov v13;
	v5 =	vmov v16;
	v4 =	vmov v17;
	s12 =	sadd.s32 $0x70, s14;
	s25 =	simm.s32 $0x440;
	s26 =	sadd.s32 $0x1000, s14  }
0x4eb: {  	v16 =	vmovc v19;
	v13 =	vmovc v24;
	v17 =	vmov v32;
	v8 =	vmov v31;
	v0 =	vmov v18;
	[hbm4b:s31+s3] =	stream.linear.scatter [tilespmem:s30], [sflag:$0x3], $0x80, $0x38;
	[tilespmem:$0x1A800] =	vst v63  }
.LBB2_17:
0x4ec: {  	[hbm4b:s12+s3] =	stream.linear.scatter [tilespmem:s2], [sflag:$0x3], $0x80, $0x38;
	[tilespmem:$0x1A800] =	vst v63  }
0x4ed: {  	s2 =	smov.u32 s25;
	s12 =	smov.u32 s0  }
0x4ee: {  	s14 =	sadd.s32 $0x1100, s0;
	s25 =	sshra.s32 s12, $0x2;
	s12 =	sadd.s32 $0x18600, s2  }
0x4ef: {  	[hbm4b:s26+s3] =	stream.linear.scatter [tilespmem:s12], [sflag:$0x3], $0x80, $0x38;
	[tilespmem:$0x1A800] =	vst v63  }
0x4f0: {  	p1 =	sne.s32 s0, $0x7700;
	s0 =	sadd.s32 $0x18688, s2;
	s12 =	sadd.s32 $0x10, s26  }
0x4f1: {  	[hbm4b:s12+s3] =	stream.linear.scatter [tilespmem:s0], [sflag:$0x3], $0x80, $0x38;
	[tilespmem:$0x1A800] =	vst v63  }
0x4f2: {  	s0 =	sadd.s32 $0x18710, s2;
	s12 =	sadd.s32 $0x20, s26  }
0x4f3: {  	[hbm4b:s12+s3] =	stream.linear.scatter [tilespmem:s0], [sflag:$0x3], $0x80, $0x38;
	[tilespmem:$0x1A800] =	vst v63  }
0x4f4: {  	s0 =	sadd.s32 $0x18798, s2;
	s12 =	sadd.s32 $0x30, s26  }
0x4f5: {  	[hbm4b:s12+s3] =	stream.linear.scatter [tilespmem:s0], [sflag:$0x3], $0x80, $0x38;
	[tilespmem:$0x1A800] =	vst v63  }
0x4f6: {  	s0 =	sadd.s32 $0x18820, s2;
	s12 =	sadd.s32 $0x40, s26  }
0x4f7: {  	[hbm4b:s12+s3] =	stream.linear.scatter [tilespmem:s0], [sflag:$0x3], $0x80, $0x38;
	[tilespmem:$0x1A800] =	vst v63  }
.Ltmp7:
0x4f8: {  	s0 =	sadd.s32 $0x188A8, s2;
	s12 =	sadd.s32 $0x50, s26;
	(pc) =	sbr.rel @p1 .LBB2_17-.Ltmp7, $4  }
0x4f9: {  	[hbm4b:s12+s3] =	stream.linear.scatter [tilespmem:s0], [sflag:$0x3], $0x80, $0x38;
	[tilespmem:$0x1A800] =	vst v63  }
0x4fa: {  	s0 =	sadd.s32 $0x18930, s2;
	s12 =	sadd.s32 $0x60, s26;
	s2 =	sadd.s32 $0x189B8, s2  }
0x4fb: {  	[hbm4b:s12+s3] =	stream.linear.scatter [tilespmem:s0], [sflag:$0x3], $0x80, $0x38;
	[tilespmem:$0x1A800] =	vst v63  }
0x4fc: {  	s12 =	sadd.s32 $0x70, s26;
	s26 =	sadd.s32 $0x1000, s26;
	s0 =	smov.u32 s14  }
0x4fd: {  	[hbm4b:s12+s3] =	stream.linear.scatter [tilespmem:s2], [sflag:$0x3], $0x80, $0x38;
	[tilespmem:$0x1A800] =	vst v63  }
0x4fe: {  	s0 =	sadd.s32 $0x18600, s25  }
0x4ff: {  	[hbm4b:s26+s3] =	stream.linear.scatter [tilespmem:s0], [sflag:$0x3], $0x80, $0x38;
	[tilespmem:$0x1A800] =	vst v63  }
0x500: {  	s30 =	sadd.s32 $0x18688, s25;
	s31 =	sadd.s32 $0x10, s26  }
0x501: {  	[hbm4b:s31+s3] =	stream.linear.scatter [tilespmem:s30], [sflag:$0x3], $0x80, $0x38;
	[tilespmem:$0x1A800] =	vst v63  }
0x502: {  	s12 =	sadd.s32 $0x18710, s25;
	s14 =	sadd.s32 $0x20, s26  }
0x503: {  	v24 =	vld [tilespmem:$0x1FE30];
	[hbm4b:s14+s3] =	stream.linear.scatter [tilespmem:s12], [sflag:$0x3], $0x80, $0x38  }
0x504: {  	s28 =	sadd.s32 $0x18798, s25;
	s29 =	sadd.s32 $0x30, s26;
	v30 =	vld [tilespmem:$0x1FE40]  }
0x505: {  	v32 =	vld [tilespmem:$0x1FE60];
	[hbm4b:s29+s3] =	stream.linear.scatter [tilespmem:s28], [sflag:$0x3], $0x80, $0x38  }
0x506: {  	s24 =	sadd.s32 $0x1, s24;
	v20 =	vld [tilespmem:$0x1FE80];
	s30 =	sadd.s32 $0x18820, s25;
	s31 =	sadd.s32 $0x40, s26  }
0x507: {  	v10 =	vld [tilespmem:$0x1FEA0];
	[hbm4b:s31+s3] =	stream.linear.scatter [tilespmem:s30], [sflag:$0x3], $0x80, $0x38  }
0x508: {  	v15 =	vld [tilespmem:$0x1FEC0];
	p1 =	sne.s32 s24, $0x32;
	s12 =	sadd.s32 $0x188A8, s25;
	s14 =	sadd.s32 $0x50, s26  }
0x509: {  	v18 =	vld [tilespmem:$0x1FEE0];
	[hbm4b:s14+s3] =	stream.linear.scatter [tilespmem:s12], [sflag:$0x3], $0x80, $0x38  }
.Ltmp8:
0x50a: {  	v19 =	vld [tilespmem:$0x1FF00];
	(pc) =	sbr.rel @p1 .LBB2_2-.Ltmp8, $4  }
0x50b: {  	v22 =	vld [tilespmem:$0x1FF20];
	s28 =	sadd.s32 $0x18930, s25;
	s29 =	sadd.s32 $0x60, s26  }
0x50c: {  	v26 =	vld [tilespmem:$0x1FF40];
	[hbm4b:s29+s3] =	stream.linear.scatter [tilespmem:s28], [sflag:$0x3], $0x80, $0x38  }
0x50d: {  	p0 =	por !p0, !p0;
	v25 =	vld [tilespmem:$0x1FF60];
	s30 =	sadd.s32 $0x189B8, s25;
	s31 =	sadd.s32 $0x70, s26  }
0x50e: {  	v63 =	vld [tilespmem:$0x1FF80];
	[hbm4b:s31+s3] =	stream.linear.scatter [tilespmem:s30], [sflag:$0x3], $0x80, $0x38  }
0x50f: {  	s23 =	sadd.s32 $0x1, s23  }
0x510: {  	_ =	swait.ge [sflag:s22], $0x2000;
	p0 =	sne.s32 s23, s10  }
.Ltmp9:
0x511: {  	[sflag:s22] =	ssyncset.done $0x0;
	(pc) =	sbr.rel @p0 .LBB2_1-.Ltmp9, $4  }
0x512: {  	[sflag:s22] =	ssyncadd.s32 $0xFFFFE000  }
0x513: {  	_ =	swait.ge [sflag:s22], $0x2000  }
0x514: {  	[sflag:s22] =	ssyncset.done $0x0  }
0x515: {  	[sflag:s22] =	ssyncadd.s32 $0xFFFFE000  }
0x516: {  	_ =	sfence.sel $0x180000  }
0x517: {  	[bflag:$0x0] =	sbarrier.arrive $0xFFFF  }
0x518: {  	_ =	strace $0x90000047  }
0x519: {  	s0 =	stileid.u32;
	[bflag:$0x2] =	sbarrier.arrive $0xFFFF  }
0x51a: {  	p0 =	sne.s32 s0, $0x0;
	s0 =	rddreg [dreg:$0x3]  }
0x51b: {  	s0 =	sadd.s32 @!p0 $0x100000, s0  }
0x51c: {  	[sflag:s0] =	ssyncadd.tile.s32 @!p0 $0x1;
	_ =	shalt  }
.Lfunc_end2:
_tile_overlayer_lowered:
.L_overlay_start_2:
0x51d: {  	(tag) =	ssettag $0x2  }
0x51e: {  	s0 =	rddreg [dreg:$0x0];
	s2 =	stileid.u32  }
0x51f: {  	s1 =	rddreg [dreg:$0x1];
	p0 =	sne.s32 s2, $0x0  }
0x520: {  	s3 =	rddreg [dreg:$0x2];
	[bflag:$0x3] =	sbarrier.arrive $0xFFFF;
	s2 =	simm.s32 @!p0 $0x1C04  }
0x521: {  	[timem:s3], [sflag:s2] =	dma.local @!p0 [hbm:s0], s1  }
0x522: {  	s0 =	simm.s32 @!p0 $0x4  }
0x523: {  	_ =	swait.ge @!p0 [sflag:s0], s1  }
0x524: {  	s1 =	ssub.s32 @!p0 $0x0, s1;
	[sflag:s0] =	ssyncset.done @!p0 $0x0  }
0x525: {  	[sflag:s0] =	ssyncadd.s32 @!p0 s1  }
0x526: {  	[bflag:$0x3] =	sbarrier.arrive $0xFFFF  }
0x527: {  	_ =	shalt  }

</sc_bundles>
